<compile_context>
chip_gen: v7x
topology: tpu7x:2x2x1
jax: 0.10.2.dev20260603
libtpu: 0.0.44.dev20260713+nightly
codegen_flags: <defaults>
</compile_context>

<pallas_src>
import functools

import jax
import jax.numpy as jnp
from jax import lax
from jax.experimental import pallas as pl
from jax.experimental.pallas import tpu as pltpu
from jax.experimental.pallas import tpu_sc as plsc

NC, NS, L = 2, 16, 16
NW = NC * NS
C = 4
NBUF = 4


def _mean_agg(B, S, D):
  RPW = -(-(-(-B // NW)) // 8) * 8
  NCH = RPW // C
  CS = C * S
  assert D % L == 0 and C <= RPW <= B and B % 8 == 0
  assert NCH % NBUF == 0 and NBUF % 2 == 0 and CS <= 128 and CS % 8 == 0

  mesh = plsc.VectorSubcoreMesh(core_axis_name="c", subcore_axis_name="s")

  @functools.partial(
      pl.kernel,
      out_type=jax.ShapeDtypeStruct((B, D), jnp.float32),
      mesh=mesh,
      scratch_types=[
          pltpu.VMEM((RPW * S,), jnp.int32),
          *[pltpu.VMEM((CS, D), jnp.float32) for _ in range(NBUF)],
          pltpu.VMEM((2 * C, D), jnp.float32),
          pltpu.VMEM((2 * C, D), jnp.float32),
          pltpu.VMEM((L,), jnp.float32),
          *[pltpu.SemaphoreType.DMA for _ in range(NBUF + 2)],
      ],
  )
  def k(x_hbm, neigh_hbm, scale_hbm, out_hbm, idx_all, *rest):
    gbs = rest[:NBUF]
    obA, obB, scl = rest[NBUF:NBUF + 3]
    sems = rest[NBUF + 3:NBUF + 3 + NBUF]
    osemA, osemB = rest[NBUF + 3 + NBUF:]
    wid = lax.axis_index("s") * NC + lax.axis_index("c")
    base_w = jnp.minimum(wid * RPW, B - RPW)
    pltpu.sync_copy(scale_hbm, scl)
    pltpu.sync_copy(neigh_hbm.at[pl.ds(base_w * S, RPW * S)], idx_all)

    def gather(g, gath_v, sem):
      return pltpu.make_async_copy(x_hbm.at[idx_all.at[pl.ds(g * CS, CS)]],
                                   gath_v, sem)

    def wait_out(outb, osem):
      pltpu.make_async_copy(outb, out_hbm.at[pl.ds(0, 2 * C)], osem).wait()

    def accumulate(gath_v, outb, ro):
      scale = scl[...]

      def row(r, carry):
        rb = r * S

        def sbody(s, accs):
          return tuple(accs[j] + gath_v[rb + s, pl.ds(j * L, L)]
                       for j in range(D // L))

        accs = lax.fori_loop(
            1, S, sbody,
            tuple(gath_v[rb, pl.ds(j * L, L)] for j in range(D // L)),
            unroll=4)
        for j in range(D // L):
          outb[ro + r, pl.ds(j * L, L)] = accs[j] * scale
        return carry

      lax.fori_loop(0, C, row, 0)

    def do_chunk(g, gath_v, sem, outb, ro):
      gather(g, gath_v, sem).wait()
      accumulate(gath_v, outb, ro)

      @pl.when(g + NBUF < NCH)
      def _():
        gather(g + NBUF, gath_v, sem).start()

    for b in range(NBUF):
      gather(b, gbs[b], sems[b]).start()

    def loop(g2, carry):
      g0 = g2 * NBUF
      for p, (ob, osem) in enumerate(((obA, osemA), (obB, osemB))):
        g = g0 + 2 * p

        @pl.when(g0 >= NBUF)
        def _(ob=ob, osem=osem):
          wait_out(ob, osem)

        do_chunk(g, gbs[2 * p], sems[2 * p], ob, 0)
        do_chunk(g + 1, gbs[2 * p + 1], sems[2 * p + 1], ob, C)
        pltpu.async_copy(ob, out_hbm.at[pl.ds(base_w + g * C, 2 * C)], osem)
      return carry

    lax.fori_loop(0, NCH // NBUF, loop, 0)
    wait_out(obA, osemA)
    wait_out(obB, osemB)

  return k


def kernel(x, nodes, neigh_nodes, num_sample):
  del nodes
  B, S = neigh_nodes.shape
  _, D = x.shape
  scale = jnp.full((L,), 1.0, jnp.float32) / jnp.asarray(num_sample, jnp.float32)
  return _mean_agg(B, S, D)(x, neigh_nodes.reshape(-1), scale)

# --- scband reference (transcript-rebuilt; emitter-appended) ---
"""Pipeline reference for scband-mean-aggregator-24592982737110 (READ-ONLY COPY).

The authoritative reference and input builder live on the scoring server;
editing this copy changes nothing except your own understanding.
"""

import jax, jax.numpy as jnp
import numpy as np

N_NODES = 10000
D_FEAT = 128
BATCH = 10000
NUM_SAMPLE = 32

def setup_inputs(seed: int = 0) -> dict:
    key = jax.random.key(seed)
    k1, k2, k3 = jax.random.split(key, 3)
    x = jax.random.normal(k1, (N_NODES, D_FEAT), dtype=jnp.float32)
    nodes = jax.random.randint(k2, (BATCH,), 0, N_NODES, dtype=jnp.int32)
    neigh_nodes = jax.random.randint(k3, (BATCH, NUM_SAMPLE), 0, N_NODES, dtype=jnp.int32)
    return {"x": x, "nodes": nodes, "neigh_nodes": neigh_nodes, "num_sample": NUM_SAMPLE}

def reference(x, nodes, neigh_nodes, num_sample):
    # Dense-tensor formulation of MeanAggregator (gcn=False):
    # original builds a normalized incidence mask over unique sampled neighbors
    # and computes mask.mm(embed_matrix); with a fixed sample size S per node
    # this is exactly the mean of the gathered neighbor feature rows.
    S = neigh_nodes.shape[1]
    samp = neigh_nodes[:, :S]                          # [B, S] sampled neighbor ids
    embed_matrix = jnp.take(x, samp, axis=0)           # gather -> [B, S, d]
    # mask.div(num_neigh) followed by mask.mm(embed) == row-wise mean
    to_feats = jnp.sum(embed_matrix, axis=1) / num_sample  # [B, d]
    return to_feats

if __name__ == "__main__":
    import jax
    _d = setup_inputs()
    print(jax.jit(kernel)(*tuple(_d.values())))

</pallas_src>

<mosaic_0001>
#map = affine_map<(d0, d1) -> (0, 0)>
#map1 = affine_map<(d0, d1) -> (0)>
module attributes {stable_mosaic.version = 14 : i64} {
  func.func @k(%arg0: i32, %arg1: i32, %arg2: memref<10000x128xf32, #tpu.memory_space<hbm>>, %arg3: memref<320000xi32, #tpu.memory_space<hbm>>, %arg4: memref<16xf32, #tpu.memory_space<hbm>>, %arg5: memref<10000x128xf32, #tpu.memory_space<hbm>>, %arg6: memref<10240xi32, #tpu.memory_space<vmem>>, %arg7: memref<128x128xf32, #tpu.memory_space<vmem>>, %arg8: memref<128x128xf32, #tpu.memory_space<vmem>>, %arg9: memref<128x128xf32, #tpu.memory_space<vmem>>, %arg10: memref<128x128xf32, #tpu.memory_space<vmem>>, %arg11: memref<8x128xf32, #tpu.memory_space<vmem>>, %arg12: memref<8x128xf32, #tpu.memory_space<vmem>>, %arg13: memref<16xf32, #tpu.memory_space<vmem>>, %arg14: memref<!tpu.dma_semaphore, #tpu.memory_space<semaphore_mem>>, %arg15: memref<!tpu.dma_semaphore, #tpu.memory_space<semaphore_mem>>, %arg16: memref<!tpu.dma_semaphore, #tpu.memory_space<semaphore_mem>>, %arg17: memref<!tpu.dma_semaphore, #tpu.memory_space<semaphore_mem>>, %arg18: memref<!tpu.dma_semaphore, #tpu.memory_space<semaphore_mem>>, %arg19: memref<!tpu.dma_semaphore, #tpu.memory_space<semaphore_mem>>) attributes {dimension_semantics = [#tpu.dimension_semantics<core_parallel>, #tpu.dimension_semantics<subcore_parallel>], iteration_bounds = array<i64: 2, 16>, scalar_prefetch = 0 : i64, scratch_operands = 14 : i64, tpu.core_type = #tpu.core_type<sc_vector_subcore>, window_params = [{transform_indices = #map}, {transform_indices = #map1}, {transform_indices = #map1}, {transform_indices = #map}]} {
    %mul3A = arith.constant 2 : i32
    %mul3A_0 = arith.muli %arg1, %mul3A : i32
    %add3A = arith.addi %mul3A_0, %arg0 : i32
    %mul3A_1 = arith.constant 320 : i32
    %mul3A_2 = arith.muli %add3A, %mul3A_1 : i32
    %min3A = arith.constant 9680 : i32
    %min3A_3 = arith.minsi %mul3A_2, %min3A : i32
    "tpu.region"() ({
      %run_scoped3A = tpu.sem_alloc : memref<!tpu.dma_semaphore, #tpu.memory_space<semaphore_mem>>
      tpu.enqueue_dma source(%arg4 : memref<16xf32, #tpu.memory_space<hbm>>) target(%arg13 : memref<16xf32, #tpu.memory_space<vmem>>) target_semaphore(%run_scoped3A : memref<!tpu.dma_semaphore, #tpu.memory_space<semaphore_mem>>)
      tpu.wait_dma2 semaphore(%run_scoped3A : memref<!tpu.dma_semaphore, #tpu.memory_space<semaphore_mem>>) src(%arg4 : memref<16xf32, #tpu.memory_space<hbm>>) dst(%arg13 : memref<16xf32, #tpu.memory_space<vmem>>)
      tpu.yield
    }) : () -> ()
    %mul3A_4 = arith.constant 32 : i32
    %mul3A_5 = arith.muli %min3A_3, %mul3A_4 : i32
    "tpu.region"() ({
      %run_scoped3A = tpu.sem_alloc : memref<!tpu.dma_semaphore, #tpu.memory_space<semaphore_mem>>
      %dma_start3A_41 = tpu.memref_slice %arg3[%mul3A_5] : memref<320000xi32, #tpu.memory_space<hbm>> -> memref<10240xi32, #tpu.memory_space<hbm>>
      %dma_start3A_42 = tpu.memref_slice %arg3[%mul3A_5] : memref<320000xi32, #tpu.memory_space<hbm>> -> memref<10240xi32, #tpu.memory_space<hbm>>
      tpu.enqueue_dma source(%dma_start3A_42 : memref<10240xi32, #tpu.memory_space<hbm>>) target(%arg6 : memref<10240xi32, #tpu.memory_space<vmem>>) target_semaphore(%run_scoped3A : memref<!tpu.dma_semaphore, #tpu.memory_space<semaphore_mem>>)
      %dma_wait3A_43 = tpu.memref_slice %arg3[%mul3A_5] : memref<320000xi32, #tpu.memory_space<hbm>> -> memref<10240xi32, #tpu.memory_space<hbm>>
      %dma_wait3A_44 = tpu.memref_slice %arg3[%mul3A_5] : memref<320000xi32, #tpu.memory_space<hbm>> -> memref<10240xi32, #tpu.memory_space<hbm>>
      tpu.wait_dma2 semaphore(%run_scoped3A : memref<!tpu.dma_semaphore, #tpu.memory_space<semaphore_mem>>) src(%dma_wait3A_44 : memref<10240xi32, #tpu.memory_space<hbm>>) dst(%arg6 : memref<10240xi32, #tpu.memory_space<vmem>>)
      tpu.yield
    }) : () -> ()
    %dma_start3A = arith.constant 0 : i32
    %dma_start3A_6 = tpu.memref_slice %arg6[%dma_start3A] : memref<10240xi32, #tpu.memory_space<vmem>> -> memref<128xi32, #tpu.memory_space<vmem>>
    %dma_start3A_7 = arith.constant 0 : i32
    %dma_start3A_8 = arith.constant 0 : i32
    %dma_start3A_9 = tpu.memref_slice %arg2[%dma_start3A_7, %dma_start3A_8] : memref<10000x128xf32, #tpu.memory_space<hbm>> -> memref<10000x128xf32, #tpu.memory_space<hbm>>
    tpu.enqueue_indirect_dma source(%dma_start3A_9 : memref<10000x128xf32, #tpu.memory_space<hbm>>) target(%arg7 : memref<128x128xf32, #tpu.memory_space<vmem>>) offsets(%dma_start3A_6 : memref<128xi32, #tpu.memory_space<vmem>>) semaphore(%arg14 : memref<!tpu.dma_semaphore, #tpu.memory_space<semaphore_mem>>)
    %dma_start3A_10 = arith.constant 128 : i32
    %dma_start3A_11 = tpu.memref_slice %arg6[%dma_start3A_10] : memref<10240xi32, #tpu.memory_space<vmem>> -> memref<128xi32, #tpu.memory_space<vmem>>
    %dma_start3A_12 = arith.constant 0 : i32
    %dma_start3A_13 = arith.constant 0 : i32
    %dma_start3A_14 = tpu.memref_slice %arg2[%dma_start3A_12, %dma_start3A_13] : memref<10000x128xf32, #tpu.memory_space<hbm>> -> memref<10000x128xf32, #tpu.memory_space<hbm>>
    tpu.enqueue_indirect_dma source(%dma_start3A_14 : memref<10000x128xf32, #tpu.memory_space<hbm>>) target(%arg8 : memref<128x128xf32, #tpu.memory_space<vmem>>) offsets(%dma_start3A_11 : memref<128xi32, #tpu.memory_space<vmem>>) semaphore(%arg15 : memref<!tpu.dma_semaphore, #tpu.memory_space<semaphore_mem>>)
    %dma_start3A_15 = arith.constant 256 : i32
    %dma_start3A_16 = tpu.memref_slice %arg6[%dma_start3A_15] : memref<10240xi32, #tpu.memory_space<vmem>> -> memref<128xi32, #tpu.memory_space<vmem>>
    %dma_start3A_17 = arith.constant 0 : i32
    %dma_start3A_18 = arith.constant 0 : i32
    %dma_start3A_19 = tpu.memref_slice %arg2[%dma_start3A_17, %dma_start3A_18] : memref<10000x128xf32, #tpu.memory_space<hbm>> -> memref<10000x128xf32, #tpu.memory_space<hbm>>
    tpu.enqueue_indirect_dma source(%dma_start3A_19 : memref<10000x128xf32, #tpu.memory_space<hbm>>) target(%arg9 : memref<128x128xf32, #tpu.memory_space<vmem>>) offsets(%dma_start3A_16 : memref<128xi32, #tpu.memory_space<vmem>>) semaphore(%arg16 : memref<!tpu.dma_semaphore, #tpu.memory_space<semaphore_mem>>)
    %dma_start3A_20 = arith.constant 384 : i32
    %dma_start3A_21 = tpu.memref_slice %arg6[%dma_start3A_20] : memref<10240xi32, #tpu.memory_space<vmem>> -> memref<128xi32, #tpu.memory_space<vmem>>
    %dma_start3A_22 = arith.constant 0 : i32
    %dma_start3A_23 = arith.constant 0 : i32
    %dma_start3A_24 = tpu.memref_slice %arg2[%dma_start3A_22, %dma_start3A_23] : memref<10000x128xf32, #tpu.memory_space<hbm>> -> memref<10000x128xf32, #tpu.memory_space<hbm>>
    tpu.enqueue_indirect_dma source(%dma_start3A_24 : memref<10000x128xf32, #tpu.memory_space<hbm>>) target(%arg10 : memref<128x128xf32, #tpu.memory_space<vmem>>) offsets(%dma_start3A_21 : memref<128xi32, #tpu.memory_space<vmem>>) semaphore(%arg17 : memref<!tpu.dma_semaphore, #tpu.memory_space<semaphore_mem>>)
    %scan3A = arith.constant 0 : i32
    %scan3A_25 = arith.constant 0 : i32
    %scan3A_26 = arith.constant 20 : i32
    %scan3A_27 = arith.addi %scan3A_25, %scan3A_26 : i32
    %scan3A_28 = arith.constant 1 : i32
    scf.for %scan3A_41 = %scan3A_25 to %scan3A_27 step %scan3A_28  : i32 {
      %mul3A_42 = arith.constant 4 : i32
      %mul3A_43 = arith.muli %scan3A_41, %mul3A_42 : i32
      %add3A_44 = arith.constant 0 : i32
      %add3A_45 = arith.addi %mul3A_43, %add3A_44 : i32
      %ge3A = arith.constant 4 : i32
      %ge3A_46 = arith.cmpi sge, %mul3A_43, %ge3A : i32
      %convert_element_type3A = arith.extui %ge3A_46 : i1 to i32
      %cond3A = arith.constant 0 : i32
      %cond3A_47 = arith.cmpi ne, %convert_element_type3A, %cond3A : i32
      scf.if %cond3A_47 {
        %dma_wait3A_159 = arith.constant 0 : i32
        %dma_wait3A_160 = arith.constant 0 : i32
        %dma_wait3A_161 = tpu.memref_slice %arg5[%dma_wait3A_159, %dma_wait3A_160] : memref<10000x128xf32, #tpu.memory_space<hbm>> -> memref<8x128xf32, #tpu.memory_space<hbm>>
        %dma_wait3A_162 = arith.constant 0 : i32
        %dma_wait3A_163 = arith.constant 0 : i32
        %dma_wait3A_164 = tpu.memref_slice %arg5[%dma_wait3A_162, %dma_wait3A_163] : memref<10000x128xf32, #tpu.memory_space<hbm>> -> memref<8x128xf32, #tpu.memory_space<hbm>>
        tpu.wait_dma2 semaphore(%arg18 : memref<!tpu.dma_semaphore, #tpu.memory_space<semaphore_mem>>) src(%arg11 : memref<8x128xf32, #tpu.memory_space<vmem>>) dst(%dma_wait3A_164 : memref<8x128xf32, #tpu.memory_space<hbm>>)
      } else {
      }
      %mul3A_48 = arith.constant 128 : i32
      %mul3A_49 = arith.muli %add3A_45, %mul3A_48 : i32
      %dma_wait3A_50 = tpu.memref_slice %arg6[%mul3A_49] : memref<10240xi32, #tpu.memory_space<vmem>> -> memref<128xi32, #tpu.memory_space<vmem>>
      %dma_wait3A_51 = arith.constant 0 : i32
      %dma_wait3A_52 = arith.constant 0 : i32
      %dma_wait3A_53 = tpu.memref_slice %arg2[%dma_wait3A_51, %dma_wait3A_52] : memref<10000x128xf32, #tpu.memory_space<hbm>> -> memref<10000x128xf32, #tpu.memory_space<hbm>>
      tpu.wait_indirect_dma semaphore(%arg14 : memref<!tpu.dma_semaphore, #tpu.memory_space<semaphore_mem>>) src(%dma_wait3A_53 : memref<10000x128xf32, #tpu.memory_space<hbm>>) dst(%arg7 : memref<128x128xf32, #tpu.memory_space<vmem>>)
      %get3A = arith.constant 0 : index
      %get3A_54 = tpu.vector_load %arg13[%get3A] {strides = array<i32>} : memref<16xf32, #tpu.memory_space<vmem>>, vector<16xf32>,
      %get3A_55 = vector.shape_cast %get3A_54 : vector<16xf32> to vector<16xf32>
      %scan3A_56 = arith.constant 0 : i32
      %scan3A_57 = arith.constant 0 : i32
      %scan3A_58 = arith.constant 4 : i32
      %scan3A_59 = arith.addi %scan3A_57, %scan3A_58 : i32
      %scan3A_60 = arith.constant 1 : i32
      scf.for %scan3A_159 = %scan3A_57 to %scan3A_59 step %scan3A_60  : i32 {
        %mul3A_160 = arith.constant 32 : i32
        %mul3A_161 = arith.muli %scan3A_159, %mul3A_160 : i32
        %get3A_162 = arith.index_cast %mul3A_161 : i32 to index
        %get3A_163 = arith.constant 0 : index
        %get3A_164 = tpu.vector_load %arg7[%get3A_162, %get3A_163] {strides = array<i32>} : memref<128x128xf32, #tpu.memory_space<vmem>>, vector<1x16xf32>,
        %get3A_165 = vector.shape_cast %get3A_164 : vector<1x16xf32> to vector<16xf32>
        %get3A_166 = arith.index_cast %mul3A_161 : i32 to index
        %get3A_167 = arith.constant 16 : index
        %get3A_168 = tpu.vector_load %arg7[%get3A_166, %get3A_167] {strides = array<i32>} : memref<128x128xf32, #tpu.memory_space<vmem>>, vector<1x16xf32>,
        %get3A_169 = vector.shape_cast %get3A_168 : vector<1x16xf32> to vector<16xf32>
        %get3A_170 = arith.index_cast %mul3A_161 : i32 to index
        %get3A_171 = arith.constant 32 : index
        %get3A_172 = tpu.vector_load %arg7[%get3A_170, %get3A_171] {strides = array<i32>} : memref<128x128xf32, #tpu.memory_space<vmem>>, vector<1x16xf32>,
        %get3A_173 = vector.shape_cast %get3A_172 : vector<1x16xf32> to vector<16xf32>
        %get3A_174 = arith.index_cast %mul3A_161 : i32 to index
        %get3A_175 = arith.constant 48 : index
        %get3A_176 = tpu.vector_load %arg7[%get3A_174, %get3A_175] {strides = array<i32>} : memref<128x128xf32, #tpu.memory_space<vmem>>, vector<1x16xf32>,
        %get3A_177 = vector.shape_cast %get3A_176 : vector<1x16xf32> to vector<16xf32>
        %get3A_178 = arith.index_cast %mul3A_161 : i32 to index
        %get3A_179 = arith.constant 64 : index
        %get3A_180 = tpu.vector_load %arg7[%get3A_178, %get3A_179] {strides = array<i32>} : memref<128x128xf32, #tpu.memory_space<vmem>>, vector<1x16xf32>,
        %get3A_181 = vector.shape_cast %get3A_180 : vector<1x16xf32> to vector<16xf32>
        %get3A_182 = arith.index_cast %mul3A_161 : i32 to index
        %get3A_183 = arith.constant 80 : index
        %get3A_184 = tpu.vector_load %arg7[%get3A_182, %get3A_183] {strides = array<i32>} : memref<128x128xf32, #tpu.memory_space<vmem>>, vector<1x16xf32>,
        %get3A_185 = vector.shape_cast %get3A_184 : vector<1x16xf32> to vector<16xf32>
        %get3A_186 = arith.index_cast %mul3A_161 : i32 to index
        %get3A_187 = arith.constant 96 : index
        %get3A_188 = tpu.vector_load %arg7[%get3A_186, %get3A_187] {strides = array<i32>} : memref<128x128xf32, #tpu.memory_space<vmem>>, vector<1x16xf32>,
        %get3A_189 = vector.shape_cast %get3A_188 : vector<1x16xf32> to vector<16xf32>
        %get3A_190 = arith.index_cast %mul3A_161 : i32 to index
        %get3A_191 = arith.constant 112 : index
        %get3A_192 = tpu.vector_load %arg7[%get3A_190, %get3A_191] {strides = array<i32>} : memref<128x128xf32, #tpu.memory_space<vmem>>, vector<1x16xf32>,
        %get3A_193 = vector.shape_cast %get3A_192 : vector<1x16xf32> to vector<16xf32>
        %scan3A_194 = arith.constant 1 : i32
        %scan3A_195 = arith.constant 28 : i32
        %scan3A_196 = arith.addi %scan3A_194, %scan3A_195 : i32
        %scan3A_197 = arith.constant 4 : i32
        %scan3A_198:8 = scf.for %scan3A_413 = %scan3A_194 to %scan3A_196 step %scan3A_197 iter_args(%scan3A_414 = %get3A_165, %scan3A_415 = %get3A_169, %scan3A_416 = %get3A_173, %scan3A_417 = %get3A_177, %scan3A_418 = %get3A_181, %scan3A_419 = %get3A_185, %scan3A_420 = %get3A_189, %scan3A_421 = %get3A_193) -> (vector<16xf32>, vector<16xf32>, vector<16xf32>, vector<16xf32>, vector<16xf32>, vector<16xf32>, vector<16xf32>, vector<16xf32>)  : i32 {
          %add3A_422 = arith.addi %mul3A_161, %scan3A_413 : i32
          %get3A_423 = arith.index_cast %add3A_422 : i32 to index
          %get3A_424 = arith.constant 0 : index
          %get3A_425 = tpu.vector_load %arg7[%get3A_423, %get3A_424] {strides = array<i32>} : memref<128x128xf32, #tpu.memory_space<vmem>>, vector<1x16xf32>,
          %get3A_426 = vector.shape_cast %get3A_425 : vector<1x16xf32> to vector<16xf32>
          %add3A_427 = arith.addf %scan3A_414, %get3A_426 : vector<16xf32>
          %add3A_428 = arith.addi %mul3A_161, %scan3A_413 : i32
          %get3A_429 = arith.index_cast %add3A_428 : i32 to index
          %get3A_430 = arith.constant 16 : index
          %get3A_431 = tpu.vector_load %arg7[%get3A_429, %get3A_430] {strides = array<i32>} : memref<128x128xf32, #tpu.memory_space<vmem>>, vector<1x16xf32>,
          %get3A_432 = vector.shape_cast %get3A_431 : vector<1x16xf32> to vector<16xf32>
          %add3A_433 = arith.addf %scan3A_415, %get3A_432 : vector<16xf32>
          %add3A_434 = arith.addi %mul3A_161, %scan3A_413 : i32
          %get3A_435 = arith.index_cast %add3A_434 : i32 to index
          %get3A_436 = arith.constant 32 : index
          %get3A_437 = tpu.vector_load %arg7[%get3A_435, %get3A_436] {strides = array<i32>} : memref<128x128xf32, #tpu.memory_space<vmem>>, vector<1x16xf32>,
          %get3A_438 = vector.shape_cast %get3A_437 : vector<1x16xf32> to vector<16xf32>
          %add3A_439 = arith.addf %scan3A_416, %get3A_438 : vector<16xf32>
          %add3A_440 = arith.addi %mul3A_161, %scan3A_413 : i32
          %get3A_441 = arith.index_cast %add3A_440 : i32 to index
          %get3A_442 = arith.constant 48 : index
          %get3A_443 = tpu.vector_load %arg7[%get3A_441, %get3A_442] {strides = array<i32>} : memref<128x128xf32, #tpu.memory_space<vmem>>, vector<1x16xf32>,
          %get3A_444 = vector.shape_cast %get3A_443 : vector<1x16xf32> to vector<16xf32>
          %add3A_445 = arith.addf %scan3A_417, %get3A_444 : vector<16xf32>
          %add3A_446 = arith.addi %mul3A_161, %scan3A_413 : i32
          %get3A_447 = arith.index_cast %add3A_446 : i32 to index
          %get3A_448 = arith.constant 64 : index
          %get3A_449 = tpu.vector_load %arg7[%get3A_447, %get3A_448] {strides = array<i32>} : memref<128x128xf32, #tpu.memory_space<vmem>>, vector<1x16xf32>,
          %get3A_450 = vector.shape_cast %get3A_449 : vector<1x16xf32> to vector<16xf32>
          %add3A_451 = arith.addf %scan3A_418, %get3A_450 : vector<16xf32>
          %add3A_452 = arith.addi %mul3A_161, %scan3A_413 : i32
          %get3A_453 = arith.index_cast %add3A_452 : i32 to index
          %get3A_454 = arith.constant 80 : index
          %get3A_455 = tpu.vector_load %arg7[%get3A_453, %get3A_454] {strides = array<i32>} : memref<128x128xf32, #tpu.memory_space<vmem>>, vector<1x16xf32>,
          %get3A_456 = vector.shape_cast %get3A_455 : vector<1x16xf32> to vector<16xf32>
          %add3A_457 = arith.addf %scan3A_419, %get3A_456 : vector<16xf32>
          %add3A_458 = arith.addi %mul3A_161, %scan3A_413 : i32
          %get3A_459 = arith.index_cast %add3A_458 : i32 to index
          %get3A_460 = arith.constant 96 : index
          %get3A_461 = tpu.vector_load %arg7[%get3A_459, %get3A_460] {strides = array<i32>} : memref<128x128xf32, #tpu.memory_space<vmem>>, vector<1x16xf32>,
          %get3A_462 = vector.shape_cast %get3A_461 : vector<1x16xf32> to vector<16xf32>
          %add3A_463 = arith.addf %scan3A_420, %get3A_462 : vector<16xf32>
          %add3A_464 = arith.addi %mul3A_161, %scan3A_413 : i32
          %get3A_465 = arith.index_cast %add3A_464 : i32 to index
          %get3A_466 = arith.constant 112 : index
          %get3A_467 = tpu.vector_load %arg7[%get3A_465, %get3A_466] {strides = array<i32>} : memref<128x128xf32, #tpu.memory_space<vmem>>, vector<1x16xf32>,
          %get3A_468 = vector.shape_cast %get3A_467 : vector<1x16xf32> to vector<16xf32>
          %add3A_469 = arith.addf %scan3A_421, %get3A_468 : vector<16xf32>
          %scan3A_470 = arith.constant 1 : i32
          %scan3A_471 = arith.addi %scan3A_413, %scan3A_470 : i32
          %add3A_472 = arith.addi %mul3A_161, %scan3A_471 : i32
          %get3A_473 = arith.index_cast %add3A_472 : i32 to index
          %get3A_474 = arith.constant 0 : index
          %get3A_475 = tpu.vector_load %arg7[%get3A_473, %get3A_474] {strides = array<i32>} : memref<128x128xf32, #tpu.memory_space<vmem>>, vector<1x16xf32>,
          %get3A_476 = vector.shape_cast %get3A_475 : vector<1x16xf32> to vector<16xf32>
          %add3A_477 = arith.addf %add3A_427, %get3A_476 : vector<16xf32>
          %add3A_478 = arith.addi %mul3A_161, %scan3A_471 : i32
          %get3A_479 = arith.index_cast %add3A_478 : i32 to index
          %get3A_480 = arith.constant 16 : index
          %get3A_481 = tpu.vector_load %arg7[%get3A_479, %get3A_480] {strides = array<i32>} : memref<128x128xf32, #tpu.memory_space<vmem>>, vector<1x16xf32>,
          %get3A_482 = vector.shape_cast %get3A_481 : vector<1x16xf32> to vector<16xf32>
          %add3A_483 = arith.addf %add3A_433, %get3A_482 : vector<16xf32>
          %add3A_484 = arith.addi %mul3A_161, %scan3A_471 : i32
          %get3A_485 = arith.index_cast %add3A_484 : i32 to index
          %get3A_486 = arith.constant 32 : index
          %get3A_487 = tpu.vector_load %arg7[%get3A_485, %get3A_486] {strides = array<i32>} : memref<128x128xf32, #tpu.memory_space<vmem>>, vector<1x16xf32>,
          %get3A_488 = vector.shape_cast %get3A_487 : vector<1x16xf32> to vector<16xf32>
          %add3A_489 = arith.addf %add3A_439, %get3A_488 : vector<16xf32>
          %add3A_490 = arith.addi %mul3A_161, %scan3A_471 : i32
          %get3A_491 = arith.index_cast %add3A_490 : i32 to index
          %get3A_492 = arith.constant 48 : index
          %get3A_493 = tpu.vector_load %arg7[%get3A_491, %get3A_492] {strides = array<i32>} : memref<128x128xf32, #tpu.memory_space<vmem>>, vector<1x16xf32>,
          %get3A_494 = vector.shape_cast %get3A_493 : vector<1x16xf32> to vector<16xf32>
          %add3A_495 = arith.addf %add3A_445, %get3A_494 : vector<16xf32>
          %add3A_496 = arith.addi %mul3A_161, %scan3A_471 : i32
          %get3A_497 = arith.index_cast %add3A_496 : i32 to index
          %get3A_498 = arith.constant 64 : index
          %get3A_499 = tpu.vector_load %arg7[%get3A_497, %get3A_498] {strides = array<i32>} : memref<128x128xf32, #tpu.memory_space<vmem>>, vector<1x16xf32>,
          %get3A_500 = vector.shape_cast %get3A_499 : vector<1x16xf32> to vector<16xf32>
          %add3A_501 = arith.addf %add3A_451, %get3A_500 : vector<16xf32>
          %add3A_502 = arith.addi %mul3A_161, %scan3A_471 : i32
          %get3A_503 = arith.index_cast %add3A_502 : i32 to index
          %get3A_504 = arith.constant 80 : index
          %get3A_505 = tpu.vector_load %arg7[%get3A_503, %get3A_504] {strides = array<i32>} : memref<128x128xf32, #tpu.memory_space<vmem>>, vector<1x16xf32>,
          %get3A_506 = vector.shape_cast %get3A_505 : vector<1x16xf32> to vector<16xf32>
          %add3A_507 = arith.addf %add3A_457, %get3A_506 : vector<16xf32>
          %add3A_508 = arith.addi %mul3A_161, %scan3A_471 : i32
          %get3A_509 = arith.index_cast %add3A_508 : i32 to index
          %get3A_510 = arith.constant 96 : index
          %get3A_511 = tpu.vector_load %arg7[%get3A_509, %get3A_510] {strides = array<i32>} : memref<128x128xf32, #tpu.memory_space<vmem>>, vector<1x16xf32>,
          %get3A_512 = vector.shape_cast %get3A_511 : vector<1x16xf32> to vector<16xf32>
          %add3A_513 = arith.addf %add3A_463, %get3A_512 : vector<16xf32>
          %add3A_514 = arith.addi %mul3A_161, %scan3A_471 : i32
          %get3A_515 = arith.index_cast %add3A_514 : i32 to index
          %get3A_516 = arith.constant 112 : index
          %get3A_517 = tpu.vector_load %arg7[%get3A_515, %get3A_516] {strides = array<i32>} : memref<128x128xf32, #tpu.memory_space<vmem>>, vector<1x16xf32>,
          %get3A_518 = vector.shape_cast %get3A_517 : vector<1x16xf32> to vector<16xf32>
          %add3A_519 = arith.addf %add3A_469, %get3A_518 : vector<16xf32>
          %scan3A_520 = arith.constant 2 : i32
          %scan3A_521 = arith.addi %scan3A_413, %scan3A_520 : i32
          %add3A_522 = arith.addi %mul3A_161, %scan3A_521 : i32
          %get3A_523 = arith.index_cast %add3A_522 : i32 to index
          %get3A_524 = arith.constant 0 : index
          %get3A_525 = tpu.vector_load %arg7[%get3A_523, %get3A_524] {strides = array<i32>} : memref<128x128xf32, #tpu.memory_space<vmem>>, vector<1x16xf32>,
          %get3A_526 = vector.shape_cast %get3A_525 : vector<1x16xf32> to vector<16xf32>
          %add3A_527 = arith.addf %add3A_477, %get3A_526 : vector<16xf32>
          %add3A_528 = arith.addi %mul3A_161, %scan3A_521 : i32
          %get3A_529 = arith.index_cast %add3A_528 : i32 to index
          %get3A_530 = arith.constant 16 : index
          %get3A_531 = tpu.vector_load %arg7[%get3A_529, %get3A_530] {strides = array<i32>} : memref<128x128xf32, #tpu.memory_space<vmem>>, vector<1x16xf32>,
          %get3A_532 = vector.shape_cast %get3A_531 : vector<1x16xf32> to vector<16xf32>
          %add3A_533 = arith.addf %add3A_483, %get3A_532 : vector<16xf32>
          %add3A_534 = arith.addi %mul3A_161, %scan3A_521 : i32
          %get3A_535 = arith.index_cast %add3A_534 : i32 to index
          %get3A_536 = arith.constant 32 : index
          %get3A_537 = tpu.vector_load %arg7[%get3A_535, %get3A_536] {strides = array<i32>} : memref<128x128xf32, #tpu.memory_space<vmem>>, vector<1x16xf32>,
          %get3A_538 = vector.shape_cast %get3A_537 : vector<1x16xf32> to vector<16xf32>
          %add3A_539 = arith.addf %add3A_489, %get3A_538 : vector<16xf32>
          %add3A_540 = arith.addi %mul3A_161, %scan3A_521 : i32
          %get3A_541 = arith.index_cast %add3A_540 : i32 to index
          %get3A_542 = arith.constant 48 : index
          %get3A_543 = tpu.vector_load %arg7[%get3A_541, %get3A_542] {strides = array<i32>} : memref<128x128xf32, #tpu.memory_space<vmem>>, vector<1x16xf32>,
          %get3A_544 = vector.shape_cast %get3A_543 : vector<1x16xf32> to vector<16xf32>
          %add3A_545 = arith.addf %add3A_495, %get3A_544 : vector<16xf32>
          %add3A_546 = arith.addi %mul3A_161, %scan3A_521 : i32
          %get3A_547 = arith.index_cast %add3A_546 : i32 to index
          %get3A_548 = arith.constant 64 : index
          %get3A_549 = tpu.vector_load %arg7[%get3A_547, %get3A_548] {strides = array<i32>} : memref<128x128xf32, #tpu.memory_space<vmem>>, vector<1x16xf32>,
          %get3A_550 = vector.shape_cast %get3A_549 : vector<1x16xf32> to vector<16xf32>
          %add3A_551 = arith.addf %add3A_501, %get3A_550 : vector<16xf32>
          %add3A_552 = arith.addi %mul3A_161, %scan3A_521 : i32
          %get3A_553 = arith.index_cast %add3A_552 : i32 to index
          %get3A_554 = arith.constant 80 : index
          %get3A_555 = tpu.vector_load %arg7[%get3A_553, %get3A_554] {strides = array<i32>} : memref<128x128xf32, #tpu.memory_space<vmem>>, vector<1x16xf32>,
          %get3A_556 = vector.shape_cast %get3A_555 : vector<1x16xf32> to vector<16xf32>
          %add3A_557 = arith.addf %add3A_507, %get3A_556 : vector<16xf32>
          %add3A_558 = arith.addi %mul3A_161, %scan3A_521 : i32
          %get3A_559 = arith.index_cast %add3A_558 : i32 to index
          %get3A_560 = arith.constant 96 : index
          %get3A_561 = tpu.vector_load %arg7[%get3A_559, %get3A_560] {strides = array<i32>} : memref<128x128xf32, #tpu.memory_space<vmem>>, vector<1x16xf32>,
          %get3A_562 = vector.shape_cast %get3A_561 : vector<1x16xf32> to vector<16xf32>
          %add3A_563 = arith.addf %add3A_513, %get3A_562 : vector<16xf32>
          %add3A_564 = arith.addi %mul3A_161, %scan3A_521 : i32
          %get3A_565 = arith.index_cast %add3A_564 : i32 to index
          %get3A_566 = arith.constant 112 : index
          %get3A_567 = tpu.vector_load %arg7[%get3A_565, %get3A_566] {strides = array<i32>} : memref<128x128xf32, #tpu.memory_space<vmem>>, vector<1x16xf32>,
          %get3A_568 = vector.shape_cast %get3A_567 : vector<1x16xf32> to vector<16xf32>
          %add3A_569 = arith.addf %add3A_519, %get3A_568 : vector<16xf32>
          %scan3A_570 = arith.constant 3 : i32
          %scan3A_571 = arith.addi %scan3A_413, %scan3A_570 : i32
          %add3A_572 = arith.addi %mul3A_161, %scan3A_571 : i32
          %get3A_573 = arith.index_cast %add3A_572 : i32 to index
          %get3A_574 = arith.constant 0 : index
          %get3A_575 = tpu.vector_load %arg7[%get3A_573, %get3A_574] {strides = array<i32>} : memref<128x128xf32, #tpu.memory_space<vmem>>, vector<1x16xf32>,
          %get3A_576 = vector.shape_cast %get3A_575 : vector<1x16xf32> to vector<16xf32>
          %add3A_577 = arith.addf %add3A_527, %get3A_576 : vector<16xf32>
          %add3A_578 = arith.addi %mul3A_161, %scan3A_571 : i32
          %get3A_579 = arith.index_cast %add3A_578 : i32 to index
          %get3A_580 = arith.constant 16 : index
          %get3A_581 = tpu.vector_load %arg7[%get3A_579, %get3A_580] {strides = array<i32>} : memref<128x128xf32, #tpu.memory_space<vmem>>, vector<1x16xf32>,
          %get3A_582 = vector.shape_cast %get3A_581 : vector<1x16xf32> to vector<16xf32>
          %add3A_583 = arith.addf %add3A_533, %get3A_582 : vector<16xf32>
          %add3A_584 = arith.addi %mul3A_161, %scan3A_571 : i32
          %get3A_585 = arith.index_cast %add3A_584 : i32 to index
          %get3A_586 = arith.constant 32 : index
          %get3A_587 = tpu.vector_load %arg7[%get3A_585, %get3A_586] {strides = array<i32>} : memref<128x128xf32, #tpu.memory_space<vmem>>, vector<1x16xf32>,
          %get3A_588 = vector.shape_cast %get3A_587 : vector<1x16xf32> to vector<16xf32>
          %add3A_589 = arith.addf %add3A_539, %get3A_588 : vector<16xf32>
          %add3A_590 = arith.addi %mul3A_161, %scan3A_571 : i32
          %get3A_591 = arith.index_cast %add3A_590 : i32 to index
          %get3A_592 = arith.constant 48 : index
          %get3A_593 = tpu.vector_load %arg7[%get3A_591, %get3A_592] {strides = array<i32>} : memref<128x128xf32, #tpu.memory_space<vmem>>, vector<1x16xf32>,
          %get3A_594 = vector.shape_cast %get3A_593 : vector<1x16xf32> to vector<16xf32>
          %add3A_595 = arith.addf %add3A_545, %get3A_594 : vector<16xf32>
          %add3A_596 = arith.addi %mul3A_161, %scan3A_571 : i32
          %get3A_597 = arith.index_cast %add3A_596 : i32 to index
          %get3A_598 = arith.constant 64 : index
          %get3A_599 = tpu.vector_load %arg7[%get3A_597, %get3A_598] {strides = array<i32>} : memref<128x128xf32, #tpu.memory_space<vmem>>, vector<1x16xf32>,
          %get3A_600 = vector.shape_cast %get3A_599 : vector<1x16xf32> to vector<16xf32>
          %add3A_601 = arith.addf %add3A_551, %get3A_600 : vector<16xf32>
          %add3A_602 = arith.addi %mul3A_161, %scan3A_571 : i32
          %get3A_603 = arith.index_cast %add3A_602 : i32 to index
          %get3A_604 = arith.constant 80 : index
          %get3A_605 = tpu.vector_load %arg7[%get3A_603, %get3A_604] {strides = array<i32>} : memref<128x128xf32, #tpu.memory_space<vmem>>, vector<1x16xf32>,
          %get3A_606 = vector.shape_cast %get3A_605 : vector<1x16xf32> to vector<16xf32>
          %add3A_607 = arith.addf %add3A_557, %get3A_606 : vector<16xf32>
          %add3A_608 = arith.addi %mul3A_161, %scan3A_571 : i32
          %get3A_609 = arith.index_cast %add3A_608 : i32 to index
          %get3A_610 = arith.constant 96 : index
          %get3A_611 = tpu.vector_load %arg7[%get3A_609, %get3A_610] {strides = array<i32>} : memref<128x128xf32, #tpu.memory_space<vmem>>, vector<1x16xf32>,
          %get3A_612 = vector.shape_cast %get3A_611 : vector<1x16xf32> to vector<16xf32>
          %add3A_613 = arith.addf %add3A_563, %get3A_612 : vector<16xf32>
          %add3A_614 = arith.addi %mul3A_161, %scan3A_571 : i32
          %get3A_615 = arith.index_cast %add3A_614 : i32 to index
          %get3A_616 = arith.constant 112 : index
          %get3A_617 = tpu.vector_load %arg7[%get3A_615, %get3A_616] {strides = array<i32>} : memref<128x128xf32, #tpu.memory_space<vmem>>, vector<1x16xf32>,
          %get3A_618 = vector.shape_cast %get3A_617 : vector<1x16xf32> to vector<16xf32>
          %add3A_619 = arith.addf %add3A_569, %get3A_618 : vector<16xf32>
          scf.yield %add3A_577, %add3A_583, %add3A_589, %add3A_595, %add3A_601, %add3A_607, %add3A_613, %add3A_619 : vector<16xf32>, vector<16xf32>, vector<16xf32>, vector<16xf32>, vector<16xf32>, vector<16xf32>, vector<16xf32>, vector<16xf32>
        }
        %scan3A_199 = arith.constant 28 : i32
        %scan3A_200 = arith.addi %scan3A_194, %scan3A_199 : i32
        %add3A_201 = arith.addi %mul3A_161, %scan3A_200 : i32
        %get3A_202 = arith.index_cast %add3A_201 : i32 to index
        %get3A_203 = arith.constant 0 : index
        %get3A_204 = tpu.vector_load %arg7[%get3A_202, %get3A_203] {strides = array<i32>} : memref<128x128xf32, #tpu.memory_space<vmem>>, vector<1x16xf32>,
        %get3A_205 = vector.shape_cast %get3A_204 : vector<1x16xf32> to vector<16xf32>
        %add3A_206 = arith.addf %scan3A_198#0, %get3A_205 : vector<16xf32>
        %add3A_207 = arith.addi %mul3A_161, %scan3A_200 : i32
        %get3A_208 = arith.index_cast %add3A_207 : i32 to index
        %get3A_209 = arith.constant 16 : index
        %get3A_210 = tpu.vector_load %arg7[%get3A_208, %get3A_209] {strides = array<i32>} : memref<128x128xf32, #tpu.memory_space<vmem>>, vector<1x16xf32>,
        %get3A_211 = vector.shape_cast %get3A_210 : vector<1x16xf32> to vector<16xf32>
        %add3A_212 = arith.addf %scan3A_198#1, %get3A_211 : vector<16xf32>
        %add3A_213 = arith.addi %mul3A_161, %scan3A_200 : i32
        %get3A_214 = arith.index_cast %add3A_213 : i32 to index
        %get3A_215 = arith.constant 32 : index
        %get3A_216 = tpu.vector_load %arg7[%get3A_214, %get3A_215] {strides = array<i32>} : memref<128x128xf32, #tpu.memory_space<vmem>>, vector<1x16xf32>,
        %get3A_217 = vector.shape_cast %get3A_216 : vector<1x16xf32> to vector<16xf32>
        %add3A_218 = arith.addf %scan3A_198#2, %get3A_217 : vector<16xf32>
        %add3A_219 = arith.addi %mul3A_161, %scan3A_200 : i32
        %get3A_220 = arith.index_cast %add3A_219 : i32 to index
        %get3A_221 = arith.constant 48 : index
        %get3A_222 = tpu.vector_load %arg7[%get3A_220, %get3A_221] {strides = array<i32>} : memref<128x128xf32, #tpu.memory_space<vmem>>, vector<1x16xf32>,
        %get3A_223 = vector.shape_cast %get3A_222 : vector<1x16xf32> to vector<16xf32>
        %add3A_224 = arith.addf %scan3A_198#3, %get3A_223 : vector<16xf32>
        %add3A_225 = arith.addi %mul3A_161, %scan3A_200 : i32
        %get3A_226 = arith.index_cast %add3A_225 : i32 to index
        %get3A_227 = arith.constant 64 : index
        %get3A_228 = tpu.vector_load %arg7[%get3A_226, %get3A_227] {strides = array<i32>} : memref<128x128xf32, #tpu.memory_space<vmem>>, vector<1x16xf32>,
        %get3A_229 = vector.shape_cast %get3A_228 : vector<1x16xf32> to vector<16xf32>
        %add3A_230 = arith.addf %scan3A_198#4, %get3A_229 : vector<16xf32>
        %add3A_231 = arith.addi %mul3A_161, %scan3A_200 : i32
        %get3A_232 = arith.index_cast %add3A_231 : i32 to index
        %get3A_233 = arith.constant 80 : index
        %get3A_234 = tpu.vector_load %arg7[%get3A_232, %get3A_233] {strides = array<i32>} : memref<128x128xf32, #tpu.memory_space<vmem>>, vector<1x16xf32>,
        %get3A_235 = vector.shape_cast %get3A_234 : vector<1x16xf32> to vector<16xf32>
        %add3A_236 = arith.addf %scan3A_198#5, %get3A_235 : vector<16xf32>
        %add3A_237 = arith.addi %mul3A_161, %scan3A_200 : i32
        %get3A_238 = arith.index_cast %add3A_237 : i32 to index
        %get3A_239 = arith.constant 96 : index
        %get3A_240 = tpu.vector_load %arg7[%get3A_238, %get3A_239] {strides = array<i32>} : memref<128x128xf32, #tpu.memory_space<vmem>>, vector<1x16xf32>,
        %get3A_241 = vector.shape_cast %get3A_240 : vector<1x16xf32> to vector<16xf32>
        %add3A_242 = arith.addf %scan3A_198#6, %get3A_241 : vector<16xf32>
        %add3A_243 = arith.addi %mul3A_161, %scan3A_200 : i32
        %get3A_244 = arith.index_cast %add3A_243 : i32 to index
        %get3A_245 = arith.constant 112 : index
        %get3A_246 = tpu.vector_load %arg7[%get3A_244, %get3A_245] {strides = array<i32>} : memref<128x128xf32, #tpu.memory_space<vmem>>, vector<1x16xf32>,
        %get3A_247 = vector.shape_cast %get3A_246 : vector<1x16xf32> to vector<16xf32>
        %add3A_248 = arith.addf %scan3A_198#7, %get3A_247 : vector<16xf32>
        %scan3A_249 = arith.constant 29 : i32
        %scan3A_250 = arith.addi %scan3A_194, %scan3A_249 : i32
        %add3A_251 = arith.addi %mul3A_161, %scan3A_250 : i32
        %get3A_252 = arith.index_cast %add3A_251 : i32 to index
        %get3A_253 = arith.constant 0 : index
        %get3A_254 = tpu.vector_load %arg7[%get3A_252, %get3A_253] {strides = array<i32>} : memref<128x128xf32, #tpu.memory_space<vmem>>, vector<1x16xf32>,
        %get3A_255 = vector.shape_cast %get3A_254 : vector<1x16xf32> to vector<16xf32>
        %add3A_256 = arith.addf %add3A_206, %get3A_255 : vector<16xf32>
        %add3A_257 = arith.addi %mul3A_161, %scan3A_250 : i32
        %get3A_258 = arith.index_cast %add3A_257 : i32 to index
        %get3A_259 = arith.constant 16 : index
        %get3A_260 = tpu.vector_load %arg7[%get3A_258, %get3A_259] {strides = array<i32>} : memref<128x128xf32, #tpu.memory_space<vmem>>, vector<1x16xf32>,
        %get3A_261 = vector.shape_cast %get3A_260 : vector<1x16xf32> to vector<16xf32>
        %add3A_262 = arith.addf %add3A_212, %get3A_261 : vector<16xf32>
        %add3A_263 = arith.addi %mul3A_161, %scan3A_250 : i32
        %get3A_264 = arith.index_cast %add3A_263 : i32 to index
        %get3A_265 = arith.constant 32 : index
        %get3A_266 = tpu.vector_load %arg7[%get3A_264, %get3A_265] {strides = array<i32>} : memref<128x128xf32, #tpu.memory_space<vmem>>, vector<1x16xf32>,
        %get3A_267 = vector.shape_cast %get3A_266 : vector<1x16xf32> to vector<16xf32>
        %add3A_268 = arith.addf %add3A_218, %get3A_267 : vector<16xf32>
        %add3A_269 = arith.addi %mul3A_161, %scan3A_250 : i32
        %get3A_270 = arith.index_cast %add3A_269 : i32 to index
        %get3A_271 = arith.constant 48 : index
        %get3A_272 = tpu.vector_load %arg7[%get3A_270, %get3A_271] {strides = array<i32>} : memref<128x128xf32, #tpu.memory_space<vmem>>, vector<1x16xf32>,
        %get3A_273 = vector.shape_cast %get3A_272 : vector<1x16xf32> to vector<16xf32>
        %add3A_274 = arith.addf %add3A_224, %get3A_273 : vector<16xf32>
        %add3A_275 = arith.addi %mul3A_161, %scan3A_250 : i32
        %get3A_276 = arith.index_cast %add3A_275 : i32 to index
        %get3A_277 = arith.constant 64 : index
        %get3A_278 = tpu.vector_load %arg7[%get3A_276, %get3A_277] {strides = array<i32>} : memref<128x128xf32, #tpu.memory_space<vmem>>, vector<1x16xf32>,
        %get3A_279 = vector.shape_cast %get3A_278 : vector<1x16xf32> to vector<16xf32>
        %add3A_280 = arith.addf %add3A_230, %get3A_279 : vector<16xf32>
        %add3A_281 = arith.addi %mul3A_161, %scan3A_250 : i32
        %get3A_282 = arith.index_cast %add3A_281 : i32 to index
        %get3A_283 = arith.constant 80 : index
        %get3A_284 = tpu.vector_load %arg7[%get3A_282, %get3A_283] {strides = array<i32>} : memref<128x128xf32, #tpu.memory_space<vmem>>, vector<1x16xf32>,
        %get3A_285 = vector.shape_cast %get3A_284 : vector<1x16xf32> to vector<16xf32>
        %add3A_286 = arith.addf %add3A_236, %get3A_285 : vector<16xf32>
        %add3A_287 = arith.addi %mul3A_161, %scan3A_250 : i32
        %get3A_288 = arith.index_cast %add3A_287 : i32 to index
        %get3A_289 = arith.constant 96 : index
        %get3A_290 = tpu.vector_load %arg7[%get3A_288, %get3A_289] {strides = array<i32>} : memref<128x128xf32, #tpu.memory_space<vmem>>, vector<1x16xf32>,
        %get3A_291 = vector.shape_cast %get3A_290 : vector<1x16xf32> to vector<16xf32>
        %add3A_292 = arith.addf %add3A_242, %get3A_291 : vector<16xf32>
        %add3A_293 = arith.addi %mul3A_161, %scan3A_250 : i32
        %get3A_294 = arith.index_cast %add3A_293 : i32 to index
        %get3A_295 = arith.constant 112 : index
        %get3A_296 = tpu.vector_load %arg7[%get3A_294, %get3A_295] {strides = array<i32>} : memref<128x128xf32, #tpu.memory_space<vmem>>, vector<1x16xf32>,
        %get3A_297 = vector.shape_cast %get3A_296 : vector<1x16xf32> to vector<16xf32>
        %add3A_298 = arith.addf %add3A_248, %get3A_297 : vector<16xf32>
        %scan3A_299 = arith.constant 30 : i32
        %scan3A_300 = arith.addi %scan3A_194, %scan3A_299 : i32
        %add3A_301 = arith.addi %mul3A_161, %scan3A_300 : i32
        %get3A_302 = arith.index_cast %add3A_301 : i32 to index
        %get3A_303 = arith.constant 0 : index
        %get3A_304 = tpu.vector_load %arg7[%get3A_302, %get3A_303] {strides = array<i32>} : memref<128x128xf32, #tpu.memory_space<vmem>>, vector<1x16xf32>,
        %get3A_305 = vector.shape_cast %get3A_304 : vector<1x16xf32> to vector<16xf32>
        %add3A_306 = arith.addf %add3A_256, %get3A_305 : vector<16xf32>
        %add3A_307 = arith.addi %mul3A_161, %scan3A_300 : i32
        %get3A_308 = arith.index_cast %add3A_307 : i32 to index
        %get3A_309 = arith.constant 16 : index
        %get3A_310 = tpu.vector_load %arg7[%get3A_308, %get3A_309] {strides = array<i32>} : memref<128x128xf32, #tpu.memory_space<vmem>>, vector<1x16xf32>,
        %get3A_311 = vector.shape_cast %get3A_310 : vector<1x16xf32> to vector<16xf32>
        %add3A_312 = arith.addf %add3A_262, %get3A_311 : vector<16xf32>
        %add3A_313 = arith.addi %mul3A_161, %scan3A_300 : i32
        %get3A_314 = arith.index_cast %add3A_313 : i32 to index
        %get3A_315 = arith.constant 32 : index
        %get3A_316 = tpu.vector_load %arg7[%get3A_314, %get3A_315] {strides = array<i32>} : memref<128x128xf32, #tpu.memory_space<vmem>>, vector<1x16xf32>,
        %get3A_317 = vector.shape_cast %get3A_316 : vector<1x16xf32> to vector<16xf32>
        %add3A_318 = arith.addf %add3A_268, %get3A_317 : vector<16xf32>
        %add3A_319 = arith.addi %mul3A_161, %scan3A_300 : i32
        %get3A_320 = arith.index_cast %add3A_319 : i32 to index
        %get3A_321 = arith.constant 48 : index
        %get3A_322 = tpu.vector_load %arg7[%get3A_320, %get3A_321] {strides = array<i32>} : memref<128x128xf32, #tpu.memory_space<vmem>>, vector<1x16xf32>,
        %get3A_323 = vector.shape_cast %get3A_322 : vector<1x16xf32> to vector<16xf32>
        %add3A_324 = arith.addf %add3A_274, %get3A_323 : vector<16xf32>
        %add3A_325 = arith.addi %mul3A_161, %scan3A_300 : i32
        %get3A_326 = arith.index_cast %add3A_325 : i32 to index
        %get3A_327 = arith.constant 64 : index
        %get3A_328 = tpu.vector_load %arg7[%get3A_326, %get3A_327] {strides = array<i32>} : memref<128x128xf32, #tpu.memory_space<vmem>>, vector<1x16xf32>,
        %get3A_329 = vector.shape_cast %get3A_328 : vector<1x16xf32> to vector<16xf32>
        %add3A_330 = arith.addf %add3A_280, %get3A_329 : vector<16xf32>
        %add3A_331 = arith.addi %mul3A_161, %scan3A_300 : i32
        %get3A_332 = arith.index_cast %add3A_331 : i32 to index
        %get3A_333 = arith.constant 80 : index
        %get3A_334 = tpu.vector_load %arg7[%get3A_332, %get3A_333] {strides = array<i32>} : memref<128x128xf32, #tpu.memory_space<vmem>>, vector<1x16xf32>,
        %get3A_335 = vector.shape_cast %get3A_334 : vector<1x16xf32> to vector<16xf32>
        %add3A_336 = arith.addf %add3A_286, %get3A_335 : vector<16xf32>
        %add3A_337 = arith.addi %mul3A_161, %scan3A_300 : i32
        %get3A_338 = arith.index_cast %add3A_337 : i32 to index
        %get3A_339 = arith.constant 96 : index
        %get3A_340 = tpu.vector_load %arg7[%get3A_338, %get3A_339] {strides = array<i32>} : memref<128x128xf32, #tpu.memory_space<vmem>>, vector<1x16xf32>,
        %get3A_341 = vector.shape_cast %get3A_340 : vector<1x16xf32> to vector<16xf32>
        %add3A_342 = arith.addf %add3A_292, %get3A_341 : vector<16xf32>
        %add3A_343 = arith.addi %mul3A_161, %scan3A_300 : i32
        %get3A_344 = arith.index_cast %add3A_343 : i32 to index
        %get3A_345 = arith.constant 112 : index
        %get3A_346 = tpu.vector_load %arg7[%get3A_344, %get3A_345] {strides = array<i32>} : memref<128x128xf32, #tpu.memory_space<vmem>>, vector<1x16xf32>,
        %get3A_347 = vector.shape_cast %get3A_346 : vector<1x16xf32> to vector<16xf32>
        %add3A_348 = arith.addf %add3A_298, %get3A_347 : vector<16xf32>
        %scan3A_349 = arith.constant 31 : i32
        %mul3A_350 = arith.mulf %add3A_306, %get3A_55 : vector<16xf32>
        %add3A_351 = arith.constant 0 : i32
        %add3A_352 = arith.addi %add3A_351, %scan3A_159 : i32
        %swap3A = arith.index_cast %add3A_352 : i32 to index
        %swap3A_353 = arith.constant 0 : index
        %swap3A_354 = tpu.vector_load %arg11[%swap3A, %swap3A_353] {strides = array<i32>} : memref<8x128xf32, #tpu.memory_space<vmem>>, vector<1x16xf32>,
        %swap3A_355 = vector.shape_cast %swap3A_354 : vector<1x16xf32> to vector<16xf32>
        %swap3A_356 = vector.shape_cast %mul3A_350 : vector<16xf32> to vector<1x16xf32>
        tpu.vector_store %arg11[%swap3A, %swap3A_353], %swap3A_356 {strides = array<i32>} : memref<8x128xf32, #tpu.memory_space<vmem>>, vector<1x16xf32>,
        %mul3A_357 = arith.mulf %add3A_312, %get3A_55 : vector<16xf32>
        %add3A_358 = arith.constant 0 : i32
        %add3A_359 = arith.addi %add3A_358, %scan3A_159 : i32
        %swap3A_360 = arith.index_cast %add3A_359 : i32 to index
        %swap3A_361 = arith.constant 16 : index
        %swap3A_362 = tpu.vector_load %arg11[%swap3A_360, %swap3A_361] {strides = array<i32>} : memref<8x128xf32, #tpu.memory_space<vmem>>, vector<1x16xf32>,
        %swap3A_363 = vector.shape_cast %swap3A_362 : vector<1x16xf32> to vector<16xf32>
        %swap3A_364 = vector.shape_cast %mul3A_357 : vector<16xf32> to vector<1x16xf32>
        tpu.vector_store %arg11[%swap3A_360, %swap3A_361], %swap3A_364 {strides = array<i32>} : memref<8x128xf32, #tpu.memory_space<vmem>>, vector<1x16xf32>,
        %mul3A_365 = arith.mulf %add3A_318, %get3A_55 : vector<16xf32>
        %add3A_366 = arith.constant 0 : i32
        %add3A_367 = arith.addi %add3A_366, %scan3A_159 : i32
        %swap3A_368 = arith.index_cast %add3A_367 : i32 to index
        %swap3A_369 = arith.constant 32 : index
        %swap3A_370 = tpu.vector_load %arg11[%swap3A_368, %swap3A_369] {strides = array<i32>} : memref<8x128xf32, #tpu.memory_space<vmem>>, vector<1x16xf32>,
        %swap3A_371 = vector.shape_cast %swap3A_370 : vector<1x16xf32> to vector<16xf32>
        %swap3A_372 = vector.shape_cast %mul3A_365 : vector<16xf32> to vector<1x16xf32>
        tpu.vector_store %arg11[%swap3A_368, %swap3A_369], %swap3A_372 {strides = array<i32>} : memref<8x128xf32, #tpu.memory_space<vmem>>, vector<1x16xf32>,
        %mul3A_373 = arith.mulf %add3A_324, %get3A_55 : vector<16xf32>
        %add3A_374 = arith.constant 0 : i32
        %add3A_375 = arith.addi %add3A_374, %scan3A_159 : i32
        %swap3A_376 = arith.index_cast %add3A_375 : i32 to index
        %swap3A_377 = arith.constant 48 : index
        %swap3A_378 = tpu.vector_load %arg11[%swap3A_376, %swap3A_377] {strides = array<i32>} : memref<8x128xf32, #tpu.memory_space<vmem>>, vector<1x16xf32>,
        %swap3A_379 = vector.shape_cast %swap3A_378 : vector<1x16xf32> to vector<16xf32>
        %swap3A_380 = vector.shape_cast %mul3A_373 : vector<16xf32> to vector<1x16xf32>
        tpu.vector_store %arg11[%swap3A_376, %swap3A_377], %swap3A_380 {strides = array<i32>} : memref<8x128xf32, #tpu.memory_space<vmem>>, vector<1x16xf32>,
        %mul3A_381 = arith.mulf %add3A_330, %get3A_55 : vector<16xf32>
        %add3A_382 = arith.constant 0 : i32
        %add3A_383 = arith.addi %add3A_382, %scan3A_159 : i32
        %swap3A_384 = arith.index_cast %add3A_383 : i32 to index
        %swap3A_385 = arith.constant 64 : index
        %swap3A_386 = tpu.vector_load %arg11[%swap3A_384, %swap3A_385] {strides = array<i32>} : memref<8x128xf32, #tpu.memory_space<vmem>>, vector<1x16xf32>,
        %swap3A_387 = vector.shape_cast %swap3A_386 : vector<1x16xf32> to vector<16xf32>
        %swap3A_388 = vector.shape_cast %mul3A_381 : vector<16xf32> to vector<1x16xf32>
        tpu.vector_store %arg11[%swap3A_384, %swap3A_385], %swap3A_388 {strides = array<i32>} : memref<8x128xf32, #tpu.memory_space<vmem>>, vector<1x16xf32>,
        %mul3A_389 = arith.mulf %add3A_336, %get3A_55 : vector<16xf32>
        %add3A_390 = arith.constant 0 : i32
        %add3A_391 = arith.addi %add3A_390, %scan3A_159 : i32
        %swap3A_392 = arith.index_cast %add3A_391 : i32 to index
        %swap3A_393 = arith.constant 80 : index
        %swap3A_394 = tpu.vector_load %arg11[%swap3A_392, %swap3A_393] {strides = array<i32>} : memref<8x128xf32, #tpu.memory_space<vmem>>, vector<1x16xf32>,
        %swap3A_395 = vector.shape_cast %swap3A_394 : vector<1x16xf32> to vector<16xf32>
        %swap3A_396 = vector.shape_cast %mul3A_389 : vector<16xf32> to vector<1x16xf32>
        tpu.vector_store %arg11[%swap3A_392, %swap3A_393], %swap3A_396 {strides = array<i32>} : memref<8x128xf32, #tpu.memory_space<vmem>>, vector<1x16xf32>,
        %mul3A_397 = arith.mulf %add3A_342, %get3A_55 : vector<16xf32>
        %add3A_398 = arith.constant 0 : i32
        %add3A_399 = arith.addi %add3A_398, %scan3A_159 : i32
        %swap3A_400 = arith.index_cast %add3A_399 : i32 to index
        %swap3A_401 = arith.constant 96 : index
        %swap3A_402 = tpu.vector_load %arg11[%swap3A_400, %swap3A_401] {strides = array<i32>} : memref<8x128xf32, #tpu.memory_space<vmem>>, vector<1x16xf32>,
        %swap3A_403 = vector.shape_cast %swap3A_402 : vector<1x16xf32> to vector<16xf32>
        %swap3A_404 = vector.shape_cast %mul3A_397 : vector<16xf32> to vector<1x16xf32>
        tpu.vector_store %arg11[%swap3A_400, %swap3A_401], %swap3A_404 {strides = array<i32>} : memref<8x128xf32, #tpu.memory_space<vmem>>, vector<1x16xf32>,
        %mul3A_405 = arith.mulf %add3A_348, %get3A_55 : vector<16xf32>
        %add3A_406 = arith.constant 0 : i32
        %add3A_407 = arith.addi %add3A_406, %scan3A_159 : i32
        %swap3A_408 = arith.index_cast %add3A_407 : i32 to index
        %swap3A_409 = arith.constant 112 : index
        %swap3A_410 = tpu.vector_load %arg11[%swap3A_408, %swap3A_409] {strides = array<i32>} : memref<8x128xf32, #tpu.memory_space<vmem>>, vector<1x16xf32>,
        %swap3A_411 = vector.shape_cast %swap3A_410 : vector<1x16xf32> to vector<16xf32>
        %swap3A_412 = vector.shape_cast %mul3A_405 : vector<16xf32> to vector<1x16xf32>
        tpu.vector_store %arg11[%swap3A_408, %swap3A_409], %swap3A_412 {strides = array<i32>} : memref<8x128xf32, #tpu.memory_space<vmem>>, vector<1x16xf32>,
      }
      %scan3A_61 = arith.constant 4 : i32
      %add3A_62 = arith.constant 4 : i32
      %add3A_63 = arith.addi %add3A_45, %add3A_62 : i32
      %lt3A = arith.constant 80 : i32
      %lt3A_64 = arith.cmpi slt, %add3A_63, %lt3A : i32
      %convert_element_type3A_65 = arith.extui %lt3A_64 : i1 to i32
      %cond3A_66 = arith.constant 0 : i32
      %cond3A_67 = arith.cmpi ne, %convert_element_type3A_65, %cond3A_66 : i32
      scf.if %cond3A_67 {
        %add3A_159 = arith.constant 4 : i32
        %add3A_160 = arith.addi %add3A_45, %add3A_159 : i32
        %mul3A_161 = arith.constant 128 : i32
        %mul3A_162 = arith.muli %add3A_160, %mul3A_161 : i32
        %dma_start3A_163 = tpu.memref_slice %arg6[%mul3A_162] : memref<10240xi32, #tpu.memory_space<vmem>> -> memref<128xi32, #tpu.memory_space<vmem>>
        %dma_start3A_164 = arith.constant 0 : i32
        %dma_start3A_165 = arith.constant 0 : i32
        %dma_start3A_166 = tpu.memref_slice %arg2[%dma_start3A_164, %dma_start3A_165] : memref<10000x128xf32, #tpu.memory_space<hbm>> -> memref<10000x128xf32, #tpu.memory_space<hbm>>
        tpu.enqueue_indirect_dma source(%dma_start3A_166 : memref<10000x128xf32, #tpu.memory_space<hbm>>) target(%arg7 : memref<128x128xf32, #tpu.memory_space<vmem>>) offsets(%dma_start3A_163 : memref<128xi32, #tpu.memory_space<vmem>>) semaphore(%arg14 : memref<!tpu.dma_semaphore, #tpu.memory_space<semaphore_mem>>)
      } else {
      }
      %add3A_68 = arith.constant 1 : i32
      %add3A_69 = arith.addi %add3A_45, %add3A_68 : i32
      %mul3A_70 = arith.constant 128 : i32
      %mul3A_71 = arith.muli %add3A_69, %mul3A_70 : i32
      %dma_wait3A_72 = tpu.memref_slice %arg6[%mul3A_71] : memref<10240xi32, #tpu.memory_space<vmem>> -> memref<128xi32, #tpu.memory_space<vmem>>
      %dma_wait3A_73 = arith.constant 0 : i32
      %dma_wait3A_74 = arith.constant 0 : i32
      %dma_wait3A_75 = tpu.memref_slice %arg2[%dma_wait3A_73, %dma_wait3A_74] : memref<10000x128xf32, #tpu.memory_space<hbm>> -> memref<10000x128xf32, #tpu.memory_space<hbm>>
      tpu.wait_indirect_dma semaphore(%arg15 : memref<!tpu.dma_semaphore, #tpu.memory_space<semaphore_mem>>) src(%dma_wait3A_75 : memref<10000x128xf32, #tpu.memory_space<hbm>>) dst(%arg8 : memref<128x128xf32, #tpu.memory_space<vmem>>)
      %get3A_76 = arith.constant 0 : index
      %get3A_77 = tpu.vector_load %arg13[%get3A_76] {strides = array<i32>} : memref<16xf32, #tpu.memory_space<vmem>>, vector<16xf32>,
      %get3A_78 = vector.shape_cast %get3A_77 : vector<16xf32> to vector<16xf32>
      %scan3A_79 = arith.constant 0 : i32
      %scan3A_80 = arith.constant 0 : i32
      %scan3A_81 = arith.constant 4 : i32
      %scan3A_82 = arith.addi %scan3A_80, %scan3A_81 : i32
      %scan3A_83 = arith.constant 1 : i32
      scf.for %scan3A_159 = %scan3A_80 to %scan3A_82 step %scan3A_83  : i32 {
        %mul3A_160 = arith.constant 32 : i32
        %mul3A_161 = arith.muli %scan3A_159, %mul3A_160 : i32
        %get3A_162 = arith.index_cast %mul3A_161 : i32 to index
        %get3A_163 = arith.constant 0 : index
        %get3A_164 = tpu.vector_load %arg8[%get3A_162, %get3A_163] {strides = array<i32>} : memref<128x128xf32, #tpu.memory_space<vmem>>, vector<1x16xf32>,
        %get3A_165 = vector.shape_cast %get3A_164 : vector<1x16xf32> to vector<16xf32>
        %get3A_166 = arith.index_cast %mul3A_161 : i32 to index
        %get3A_167 = arith.constant 16 : index
        %get3A_168 = tpu.vector_load %arg8[%get3A_166, %get3A_167] {strides = array<i32>} : memref<128x128xf32, #tpu.memory_space<vmem>>, vector<1x16xf32>,
        %get3A_169 = vector.shape_cast %get3A_168 : vector<1x16xf32> to vector<16xf32>
        %get3A_170 = arith.index_cast %mul3A_161 : i32 to index
        %get3A_171 = arith.constant 32 : index
        %get3A_172 = tpu.vector_load %arg8[%get3A_170, %get3A_171] {strides = array<i32>} : memref<128x128xf32, #tpu.memory_space<vmem>>, vector<1x16xf32>,
        %get3A_173 = vector.shape_cast %get3A_172 : vector<1x16xf32> to vector<16xf32>
        %get3A_174 = arith.index_cast %mul3A_161 : i32 to index
        %get3A_175 = arith.constant 48 : index
        %get3A_176 = tpu.vector_load %arg8[%get3A_174, %get3A_175] {strides = array<i32>} : memref<128x128xf32, #tpu.memory_space<vmem>>, vector<1x16xf32>,
        %get3A_177 = vector.shape_cast %get3A_176 : vector<1x16xf32> to vector<16xf32>
        %get3A_178 = arith.index_cast %mul3A_161 : i32 to index
        %get3A_179 = arith.constant 64 : index
        %get3A_180 = tpu.vector_load %arg8[%get3A_178, %get3A_179] {strides = array<i32>} : memref<128x128xf32, #tpu.memory_space<vmem>>, vector<1x16xf32>,
        %get3A_181 = vector.shape_cast %get3A_180 : vector<1x16xf32> to vector<16xf32>
        %get3A_182 = arith.index_cast %mul3A_161 : i32 to index
        %get3A_183 = arith.constant 80 : index
        %get3A_184 = tpu.vector_load %arg8[%get3A_182, %get3A_183] {strides = array<i32>} : memref<128x128xf32, #tpu.memory_space<vmem>>, vector<1x16xf32>,
        %get3A_185 = vector.shape_cast %get3A_184 : vector<1x16xf32> to vector<16xf32>
        %get3A_186 = arith.index_cast %mul3A_161 : i32 to index
        %get3A_187 = arith.constant 96 : index
        %get3A_188 = tpu.vector_load %arg8[%get3A_186, %get3A_187] {strides = array<i32>} : memref<128x128xf32, #tpu.memory_space<vmem>>, vector<1x16xf32>,
        %get3A_189 = vector.shape_cast %get3A_188 : vector<1x16xf32> to vector<16xf32>
        %get3A_190 = arith.index_cast %mul3A_161 : i32 to index
        %get3A_191 = arith.constant 112 : index
        %get3A_192 = tpu.vector_load %arg8[%get3A_190, %get3A_191] {strides = array<i32>} : memref<128x128xf32, #tpu.memory_space<vmem>>, vector<1x16xf32>,
        %get3A_193 = vector.shape_cast %get3A_192 : vector<1x16xf32> to vector<16xf32>
        %scan3A_194 = arith.constant 1 : i32
        %scan3A_195 = arith.constant 28 : i32
        %scan3A_196 = arith.addi %scan3A_194, %scan3A_195 : i32
        %scan3A_197 = arith.constant 4 : i32
        %scan3A_198:8 = scf.for %scan3A_413 = %scan3A_194 to %scan3A_196 step %scan3A_197 iter_args(%scan3A_414 = %get3A_165, %scan3A_415 = %get3A_169, %scan3A_416 = %get3A_173, %scan3A_417 = %get3A_177, %scan3A_418 = %get3A_181, %scan3A_419 = %get3A_185, %scan3A_420 = %get3A_189, %scan3A_421 = %get3A_193) -> (vector<16xf32>, vector<16xf32>, vector<16xf32>, vector<16xf32>, vector<16xf32>, vector<16xf32>, vector<16xf32>, vector<16xf32>)  : i32 {
          %add3A_422 = arith.addi %mul3A_161, %scan3A_413 : i32
          %get3A_423 = arith.index_cast %add3A_422 : i32 to index
          %get3A_424 = arith.constant 0 : index
          %get3A_425 = tpu.vector_load %arg8[%get3A_423, %get3A_424] {strides = array<i32>} : memref<128x128xf32, #tpu.memory_space<vmem>>, vector<1x16xf32>,
          %get3A_426 = vector.shape_cast %get3A_425 : vector<1x16xf32> to vector<16xf32>
          %add3A_427 = arith.addf %scan3A_414, %get3A_426 : vector<16xf32>
          %add3A_428 = arith.addi %mul3A_161, %scan3A_413 : i32
          %get3A_429 = arith.index_cast %add3A_428 : i32 to index
          %get3A_430 = arith.constant 16 : index
          %get3A_431 = tpu.vector_load %arg8[%get3A_429, %get3A_430] {strides = array<i32>} : memref<128x128xf32, #tpu.memory_space<vmem>>, vector<1x16xf32>,
          %get3A_432 = vector.shape_cast %get3A_431 : vector<1x16xf32> to vector<16xf32>
          %add3A_433 = arith.addf %scan3A_415, %get3A_432 : vector<16xf32>
          %add3A_434 = arith.addi %mul3A_161, %scan3A_413 : i32
          %get3A_435 = arith.index_cast %add3A_434 : i32 to index
          %get3A_436 = arith.constant 32 : index
          %get3A_437 = tpu.vector_load %arg8[%get3A_435, %get3A_436] {strides = array<i32>} : memref<128x128xf32, #tpu.memory_space<vmem>>, vector<1x16xf32>,
          %get3A_438 = vector.shape_cast %get3A_437 : vector<1x16xf32> to vector<16xf32>
          %add3A_439 = arith.addf %scan3A_416, %get3A_438 : vector<16xf32>
          %add3A_440 = arith.addi %mul3A_161, %scan3A_413 : i32
          %get3A_441 = arith.index_cast %add3A_440 : i32 to index
          %get3A_442 = arith.constant 48 : index
          %get3A_443 = tpu.vector_load %arg8[%get3A_441, %get3A_442] {strides = array<i32>} : memref<128x128xf32, #tpu.memory_space<vmem>>, vector<1x16xf32>,
          %get3A_444 = vector.shape_cast %get3A_443 : vector<1x16xf32> to vector<16xf32>
          %add3A_445 = arith.addf %scan3A_417, %get3A_444 : vector<16xf32>
          %add3A_446 = arith.addi %mul3A_161, %scan3A_413 : i32
          %get3A_447 = arith.index_cast %add3A_446 : i32 to index
          %get3A_448 = arith.constant 64 : index
          %get3A_449 = tpu.vector_load %arg8[%get3A_447, %get3A_448] {strides = array<i32>} : memref<128x128xf32, #tpu.memory_space<vmem>>, vector<1x16xf32>,
          %get3A_450 = vector.shape_cast %get3A_449 : vector<1x16xf32> to vector<16xf32>
          %add3A_451 = arith.addf %scan3A_418, %get3A_450 : vector<16xf32>
          %add3A_452 = arith.addi %mul3A_161, %scan3A_413 : i32
          %get3A_453 = arith.index_cast %add3A_452 : i32 to index
          %get3A_454 = arith.constant 80 : index
          %get3A_455 = tpu.vector_load %arg8[%get3A_453, %get3A_454] {strides = array<i32>} : memref<128x128xf32, #tpu.memory_space<vmem>>, vector<1x16xf32>,
          %get3A_456 = vector.shape_cast %get3A_455 : vector<1x16xf32> to vector<16xf32>
          %add3A_457 = arith.addf %scan3A_419, %get3A_456 : vector<16xf32>
          %add3A_458 = arith.addi %mul3A_161, %scan3A_413 : i32
          %get3A_459 = arith.index_cast %add3A_458 : i32 to index
          %get3A_460 = arith.constant 96 : index
          %get3A_461 = tpu.vector_load %arg8[%get3A_459, %get3A_460] {strides = array<i32>} : memref<128x128xf32, #tpu.memory_space<vmem>>, vector<1x16xf32>,
          %get3A_462 = vector.shape_cast %get3A_461 : vector<1x16xf32> to vector<16xf32>
          %add3A_463 = arith.addf %scan3A_420, %get3A_462 : vector<16xf32>
          %add3A_464 = arith.addi %mul3A_161, %scan3A_413 : i32
          %get3A_465 = arith.index_cast %add3A_464 : i32 to index
          %get3A_466 = arith.constant 112 : index
          %get3A_467 = tpu.vector_load %arg8[%get3A_465, %get3A_466] {strides = array<i32>} : memref<128x128xf32, #tpu.memory_space<vmem>>, vector<1x16xf32>,
          %get3A_468 = vector.shape_cast %get3A_467 : vector<1x16xf32> to vector<16xf32>
          %add3A_469 = arith.addf %scan3A_421, %get3A_468 : vector<16xf32>
          %scan3A_470 = arith.constant 1 : i32
          %scan3A_471 = arith.addi %scan3A_413, %scan3A_470 : i32
          %add3A_472 = arith.addi %mul3A_161, %scan3A_471 : i32
          %get3A_473 = arith.index_cast %add3A_472 : i32 to index
          %get3A_474 = arith.constant 0 : index
          %get3A_475 = tpu.vector_load %arg8[%get3A_473, %get3A_474] {strides = array<i32>} : memref<128x128xf32, #tpu.memory_space<vmem>>, vector<1x16xf32>,
          %get3A_476 = vector.shape_cast %get3A_475 : vector<1x16xf32> to vector<16xf32>
          %add3A_477 = arith.addf %add3A_427, %get3A_476 : vector<16xf32>
          %add3A_478 = arith.addi %mul3A_161, %scan3A_471 : i32
          %get3A_479 = arith.index_cast %add3A_478 : i32 to index
          %get3A_480 = arith.constant 16 : index
          %get3A_481 = tpu.vector_load %arg8[%get3A_479, %get3A_480] {strides = array<i32>} : memref<128x128xf32, #tpu.memory_space<vmem>>, vector<1x16xf32>,
          %get3A_482 = vector.shape_cast %get3A_481 : vector<1x16xf32> to vector<16xf32>
          %add3A_483 = arith.addf %add3A_433, %get3A_482 : vector<16xf32>
          %add3A_484 = arith.addi %mul3A_161, %scan3A_471 : i32
          %get3A_485 = arith.index_cast %add3A_484 : i32 to index
          %get3A_486 = arith.constant 32 : index
          %get3A_487 = tpu.vector_load %arg8[%get3A_485, %get3A_486] {strides = array<i32>} : memref<128x128xf32, #tpu.memory_space<vmem>>, vector<1x16xf32>,
          %get3A_488 = vector.shape_cast %get3A_487 : vector<1x16xf32> to vector<16xf32>
          %add3A_489 = arith.addf %add3A_439, %get3A_488 : vector<16xf32>
          %add3A_490 = arith.addi %mul3A_161, %scan3A_471 : i32
          %get3A_491 = arith.index_cast %add3A_490 : i32 to index
          %get3A_492 = arith.constant 48 : index
          %get3A_493 = tpu.vector_load %arg8[%get3A_491, %get3A_492] {strides = array<i32>} : memref<128x128xf32, #tpu.memory_space<vmem>>, vector<1x16xf32>,
          %get3A_494 = vector.shape_cast %get3A_493 : vector<1x16xf32> to vector<16xf32>
          %add3A_495 = arith.addf %add3A_445, %get3A_494 : vector<16xf32>
          %add3A_496 = arith.addi %mul3A_161, %scan3A_471 : i32
          %get3A_497 = arith.index_cast %add3A_496 : i32 to index
          %get3A_498 = arith.constant 64 : index
          %get3A_499 = tpu.vector_load %arg8[%get3A_497, %get3A_498] {strides = array<i32>} : memref<128x128xf32, #tpu.memory_space<vmem>>, vector<1x16xf32>,
          %get3A_500 = vector.shape_cast %get3A_499 : vector<1x16xf32> to vector<16xf32>
          %add3A_501 = arith.addf %add3A_451, %get3A_500 : vector<16xf32>
          %add3A_502 = arith.addi %mul3A_161, %scan3A_471 : i32
          %get3A_503 = arith.index_cast %add3A_502 : i32 to index
          %get3A_504 = arith.constant 80 : index
          %get3A_505 = tpu.vector_load %arg8[%get3A_503, %get3A_504] {strides = array<i32>} : memref<128x128xf32, #tpu.memory_space<vmem>>, vector<1x16xf32>,
          %get3A_506 = vector.shape_cast %get3A_505 : vector<1x16xf32> to vector<16xf32>
          %add3A_507 = arith.addf %add3A_457, %get3A_506 : vector<16xf32>
          %add3A_508 = arith.addi %mul3A_161, %scan3A_471 : i32
          %get3A_509 = arith.index_cast %add3A_508 : i32 to index
          %get3A_510 = arith.constant 96 : index
          %get3A_511 = tpu.vector_load %arg8[%get3A_509, %get3A_510] {strides = array<i32>} : memref<128x128xf32, #tpu.memory_space<vmem>>, vector<1x16xf32>,
          %get3A_512 = vector.shape_cast %get3A_511 : vector<1x16xf32> to vector<16xf32>
          %add3A_513 = arith.addf %add3A_463, %get3A_512 : vector<16xf32>
          %add3A_514 = arith.addi %mul3A_161, %scan3A_471 : i32
          %get3A_515 = arith.index_cast %add3A_514 : i32 to index
          %get3A_516 = arith.constant 112 : index
          %get3A_517 = tpu.vector_load %arg8[%get3A_515, %get3A_516] {strides = array<i32>} : memref<128x128xf32, #tpu.memory_space<vmem>>, vector<1x16xf32>,
          %get3A_518 = vector.shape_cast %get3A_517 : vector<1x16xf32> to vector<16xf32>
          %add3A_519 = arith.addf %add3A_469, %get3A_518 : vector<16xf32>
          %scan3A_520 = arith.constant 2 : i32
          %scan3A_521 = arith.addi %scan3A_413, %scan3A_520 : i32
          %add3A_522 = arith.addi %mul3A_161, %scan3A_521 : i32
          %get3A_523 = arith.index_cast %add3A_522 : i32 to index
          %get3A_524 = arith.constant 0 : index
          %get3A_525 = tpu.vector_load %arg8[%get3A_523, %get3A_524] {strides = array<i32>} : memref<128x128xf32, #tpu.memory_space<vmem>>, vector<1x16xf32>,
          %get3A_526 = vector.shape_cast %get3A_525 : vector<1x16xf32> to vector<16xf32>
          %add3A_527 = arith.addf %add3A_477, %get3A_526 : vector<16xf32>
          %add3A_528 = arith.addi %mul3A_161, %scan3A_521 : i32
          %get3A_529 = arith.index_cast %add3A_528 : i32 to index
          %get3A_530 = arith.constant 16 : index
          %get3A_531 = tpu.vector_load %arg8[%get3A_529, %get3A_530] {strides = array<i32>} : memref<128x128xf32, #tpu.memory_space<vmem>>, vector<1x16xf32>,
          %get3A_532 = vector.shape_cast %get3A_531 : vector<1x16xf32> to vector<16xf32>
          %add3A_533 = arith.addf %add3A_483, %get3A_532 : vector<16xf32>
          %add3A_534 = arith.addi %mul3A_161, %scan3A_521 : i32
          %get3A_535 = arith.index_cast %add3A_534 : i32 to index
          %get3A_536 = arith.constant 32 : index
          %get3A_537 = tpu.vector_load %arg8[%get3A_535, %get3A_536] {strides = array<i32>} : memref<128x128xf32, #tpu.memory_space<vmem>>, vector<1x16xf32>,
          %get3A_538 = vector.shape_cast %get3A_537 : vector<1x16xf32> to vector<16xf32>
          %add3A_539 = arith.addf %add3A_489, %get3A_538 : vector<16xf32>
          %add3A_540 = arith.addi %mul3A_161, %scan3A_521 : i32
          %get3A_541 = arith.index_cast %add3A_540 : i32 to index
          %get3A_542 = arith.constant 48 : index
          %get3A_543 = tpu.vector_load %arg8[%get3A_541, %get3A_542] {strides = array<i32>} : memref<128x128xf32, #tpu.memory_space<vmem>>, vector<1x16xf32>,
          %get3A_544 = vector.shape_cast %get3A_543 : vector<1x16xf32> to vector<16xf32>
          %add3A_545 = arith.addf %add3A_495, %get3A_544 : vector<16xf32>
          %add3A_546 = arith.addi %mul3A_161, %scan3A_521 : i32
          %get3A_547 = arith.index_cast %add3A_546 : i32 to index
          %get3A_548 = arith.constant 64 : index
          %get3A_549 = tpu.vector_load %arg8[%get3A_547, %get3A_548] {strides = array<i32>} : memref<128x128xf32, #tpu.memory_space<vmem>>, vector<1x16xf32>,
          %get3A_550 = vector.shape_cast %get3A_549 : vector<1x16xf32> to vector<16xf32>
          %add3A_551 = arith.addf %add3A_501, %get3A_550 : vector<16xf32>
          %add3A_552 = arith.addi %mul3A_161, %scan3A_521 : i32
          %get3A_553 = arith.index_cast %add3A_552 : i32 to index
          %get3A_554 = arith.constant 80 : index
          %get3A_555 = tpu.vector_load %arg8[%get3A_553, %get3A_554] {strides = array<i32>} : memref<128x128xf32, #tpu.memory_space<vmem>>, vector<1x16xf32>,
          %get3A_556 = vector.shape_cast %get3A_555 : vector<1x16xf32> to vector<16xf32>
          %add3A_557 = arith.addf %add3A_507, %get3A_556 : vector<16xf32>
          %add3A_558 = arith.addi %mul3A_161, %scan3A_521 : i32
          %get3A_559 = arith.index_cast %add3A_558 : i32 to index
          %get3A_560 = arith.constant 96 : index
          %get3A_561 = tpu.vector_load %arg8[%get3A_559, %get3A_560] {strides = array<i32>} : memref<128x128xf32, #tpu.memory_space<vmem>>, vector<1x16xf32>,
          %get3A_562 = vector.shape_cast %get3A_561 : vector<1x16xf32> to vector<16xf32>
          %add3A_563 = arith.addf %add3A_513, %get3A_562 : vector<16xf32>
          %add3A_564 = arith.addi %mul3A_161, %scan3A_521 : i32
          %get3A_565 = arith.index_cast %add3A_564 : i32 to index
          %get3A_566 = arith.constant 112 : index
          %get3A_567 = tpu.vector_load %arg8[%get3A_565, %get3A_566] {strides = array<i32>} : memref<128x128xf32, #tpu.memory_space<vmem>>, vector<1x16xf32>,
          %get3A_568 = vector.shape_cast %get3A_567 : vector<1x16xf32> to vector<16xf32>
          %add3A_569 = arith.addf %add3A_519, %get3A_568 : vector<16xf32>
          %scan3A_570 = arith.constant 3 : i32
          %scan3A_571 = arith.addi %scan3A_413, %scan3A_570 : i32
          %add3A_572 = arith.addi %mul3A_161, %scan3A_571 : i32
          %get3A_573 = arith.index_cast %add3A_572 : i32 to index
          %get3A_574 = arith.constant 0 : index
          %get3A_575 = tpu.vector_load %arg8[%get3A_573, %get3A_574] {strides = array<i32>} : memref<128x128xf32, #tpu.memory_space<vmem>>, vector<1x16xf32>,
          %get3A_576 = vector.shape_cast %get3A_575 : vector<1x16xf32> to vector<16xf32>
          %add3A_577 = arith.addf %add3A_527, %get3A_576 : vector<16xf32>
          %add3A_578 = arith.addi %mul3A_161, %scan3A_571 : i32
          %get3A_579 = arith.index_cast %add3A_578 : i32 to index
          %get3A_580 = arith.constant 16 : index
          %get3A_581 = tpu.vector_load %arg8[%get3A_579, %get3A_580] {strides = array<i32>} : memref<128x128xf32, #tpu.memory_space<vmem>>, vector<1x16xf32>,
          %get3A_582 = vector.shape_cast %get3A_581 : vector<1x16xf32> to vector<16xf32>
          %add3A_583 = arith.addf %add3A_533, %get3A_582 : vector<16xf32>
          %add3A_584 = arith.addi %mul3A_161, %scan3A_571 : i32
          %get3A_585 = arith.index_cast %add3A_584 : i32 to index
          %get3A_586 = arith.constant 32 : index
          %get3A_587 = tpu.vector_load %arg8[%get3A_585, %get3A_586] {strides = array<i32>} : memref<128x128xf32, #tpu.memory_space<vmem>>, vector<1x16xf32>,
          %get3A_588 = vector.shape_cast %get3A_587 : vector<1x16xf32> to vector<16xf32>
          %add3A_589 = arith.addf %add3A_539, %get3A_588 : vector<16xf32>
          %add3A_590 = arith.addi %mul3A_161, %scan3A_571 : i32
          %get3A_591 = arith.index_cast %add3A_590 : i32 to index
          %get3A_592 = arith.constant 48 : index
          %get3A_593 = tpu.vector_load %arg8[%get3A_591, %get3A_592] {strides = array<i32>} : memref<128x128xf32, #tpu.memory_space<vmem>>, vector<1x16xf32>,
          %get3A_594 = vector.shape_cast %get3A_593 : vector<1x16xf32> to vector<16xf32>
          %add3A_595 = arith.addf %add3A_545, %get3A_594 : vector<16xf32>
          %add3A_596 = arith.addi %mul3A_161, %scan3A_571 : i32
          %get3A_597 = arith.index_cast %add3A_596 : i32 to index
          %get3A_598 = arith.constant 64 : index
          %get3A_599 = tpu.vector_load %arg8[%get3A_597, %get3A_598] {strides = array<i32>} : memref<128x128xf32, #tpu.memory_space<vmem>>, vector<1x16xf32>,
          %get3A_600 = vector.shape_cast %get3A_599 : vector<1x16xf32> to vector<16xf32>
          %add3A_601 = arith.addf %add3A_551, %get3A_600 : vector<16xf32>
          %add3A_602 = arith.addi %mul3A_161, %scan3A_571 : i32
          %get3A_603 = arith.index_cast %add3A_602 : i32 to index
          %get3A_604 = arith.constant 80 : index
          %get3A_605 = tpu.vector_load %arg8[%get3A_603, %get3A_604] {strides = array<i32>} : memref<128x128xf32, #tpu.memory_space<vmem>>, vector<1x16xf32>,
          %get3A_606 = vector.shape_cast %get3A_605 : vector<1x16xf32> to vector<16xf32>
          %add3A_607 = arith.addf %add3A_557, %get3A_606 : vector<16xf32>
          %add3A_608 = arith.addi %mul3A_161, %scan3A_571 : i32
          %get3A_609 = arith.index_cast %add3A_608 : i32 to index
          %get3A_610 = arith.constant 96 : index
          %get3A_611 = tpu.vector_load %arg8[%get3A_609, %get3A_610] {strides = array<i32>} : memref<128x128xf32, #tpu.memory_space<vmem>>, vector<1x16xf32>,
          %get3A_612 = vector.shape_cast %get3A_611 : vector<1x16xf32> to vector<16xf32>
          %add3A_613 = arith.addf %add3A_563, %get3A_612 : vector<16xf32>
          %add3A_614 = arith.addi %mul3A_161, %scan3A_571 : i32
          %get3A_615 = arith.index_cast %add3A_614 : i32 to index
          %get3A_616 = arith.constant 112 : index
          %get3A_617 = tpu.vector_load %arg8[%get3A_615, %get3A_616] {strides = array<i32>} : memref<128x128xf32, #tpu.memory_space<vmem>>, vector<1x16xf32>,
          %get3A_618 = vector.shape_cast %get3A_617 : vector<1x16xf32> to vector<16xf32>
          %add3A_619 = arith.addf %add3A_569, %get3A_618 : vector<16xf32>
          scf.yield %add3A_577, %add3A_583, %add3A_589, %add3A_595, %add3A_601, %add3A_607, %add3A_613, %add3A_619 : vector<16xf32>, vector<16xf32>, vector<16xf32>, vector<16xf32>, vector<16xf32>, vector<16xf32>, vector<16xf32>, vector<16xf32>
        }
        %scan3A_199 = arith.constant 28 : i32
        %scan3A_200 = arith.addi %scan3A_194, %scan3A_199 : i32
        %add3A_201 = arith.addi %mul3A_161, %scan3A_200 : i32
        %get3A_202 = arith.index_cast %add3A_201 : i32 to index
        %get3A_203 = arith.constant 0 : index
        %get3A_204 = tpu.vector_load %arg8[%get3A_202, %get3A_203] {strides = array<i32>} : memref<128x128xf32, #tpu.memory_space<vmem>>, vector<1x16xf32>,
        %get3A_205 = vector.shape_cast %get3A_204 : vector<1x16xf32> to vector<16xf32>
        %add3A_206 = arith.addf %scan3A_198#0, %get3A_205 : vector<16xf32>
        %add3A_207 = arith.addi %mul3A_161, %scan3A_200 : i32
        %get3A_208 = arith.index_cast %add3A_207 : i32 to index
        %get3A_209 = arith.constant 16 : index
        %get3A_210 = tpu.vector_load %arg8[%get3A_208, %get3A_209] {strides = array<i32>} : memref<128x128xf32, #tpu.memory_space<vmem>>, vector<1x16xf32>,
        %get3A_211 = vector.shape_cast %get3A_210 : vector<1x16xf32> to vector<16xf32>
        %add3A_212 = arith.addf %scan3A_198#1, %get3A_211 : vector<16xf32>
        %add3A_213 = arith.addi %mul3A_161, %scan3A_200 : i32
        %get3A_214 = arith.index_cast %add3A_213 : i32 to index
        %get3A_215 = arith.constant 32 : index
        %get3A_216 = tpu.vector_load %arg8[%get3A_214, %get3A_215] {strides = array<i32>} : memref<128x128xf32, #tpu.memory_space<vmem>>, vector<1x16xf32>,
        %get3A_217 = vector.shape_cast %get3A_216 : vector<1x16xf32> to vector<16xf32>
        %add3A_218 = arith.addf %scan3A_198#2, %get3A_217 : vector<16xf32>
        %add3A_219 = arith.addi %mul3A_161, %scan3A_200 : i32
        %get3A_220 = arith.index_cast %add3A_219 : i32 to index
        %get3A_221 = arith.constant 48 : index
        %get3A_222 = tpu.vector_load %arg8[%get3A_220, %get3A_221] {strides = array<i32>} : memref<128x128xf32, #tpu.memory_space<vmem>>, vector<1x16xf32>,
        %get3A_223 = vector.shape_cast %get3A_222 : vector<1x16xf32> to vector<16xf32>
        %add3A_224 = arith.addf %scan3A_198#3, %get3A_223 : vector<16xf32>
        %add3A_225 = arith.addi %mul3A_161, %scan3A_200 : i32
        %get3A_226 = arith.index_cast %add3A_225 : i32 to index
        %get3A_227 = arith.constant 64 : index
        %get3A_228 = tpu.vector_load %arg8[%get3A_226, %get3A_227] {strides = array<i32>} : memref<128x128xf32, #tpu.memory_space<vmem>>, vector<1x16xf32>,
        %get3A_229 = vector.shape_cast %get3A_228 : vector<1x16xf32> to vector<16xf32>
        %add3A_230 = arith.addf %scan3A_198#4, %get3A_229 : vector<16xf32>
        %add3A_231 = arith.addi %mul3A_161, %scan3A_200 : i32
        %get3A_232 = arith.index_cast %add3A_231 : i32 to index
        %get3A_233 = arith.constant 80 : index
        %get3A_234 = tpu.vector_load %arg8[%get3A_232, %get3A_233] {strides = array<i32>} : memref<128x128xf32, #tpu.memory_space<vmem>>, vector<1x16xf32>,
        %get3A_235 = vector.shape_cast %get3A_234 : vector<1x16xf32> to vector<16xf32>
        %add3A_236 = arith.addf %scan3A_198#5, %get3A_235 : vector<16xf32>
        %add3A_237 = arith.addi %mul3A_161, %scan3A_200 : i32
        %get3A_238 = arith.index_cast %add3A_237 : i32 to index
        %get3A_239 = arith.constant 96 : index
        %get3A_240 = tpu.vector_load %arg8[%get3A_238, %get3A_239] {strides = array<i32>} : memref<128x128xf32, #tpu.memory_space<vmem>>, vector<1x16xf32>,
        %get3A_241 = vector.shape_cast %get3A_240 : vector<1x16xf32> to vector<16xf32>
        %add3A_242 = arith.addf %scan3A_198#6, %get3A_241 : vector<16xf32>
        %add3A_243 = arith.addi %mul3A_161, %scan3A_200 : i32
        %get3A_244 = arith.index_cast %add3A_243 : i32 to index
        %get3A_245 = arith.constant 112 : index
        %get3A_246 = tpu.vector_load %arg8[%get3A_244, %get3A_245] {strides = array<i32>} : memref<128x128xf32, #tpu.memory_space<vmem>>, vector<1x16xf32>,
        %get3A_247 = vector.shape_cast %get3A_246 : vector<1x16xf32> to vector<16xf32>
        %add3A_248 = arith.addf %scan3A_198#7, %get3A_247 : vector<16xf32>
        %scan3A_249 = arith.constant 29 : i32
        %scan3A_250 = arith.addi %scan3A_194, %scan3A_249 : i32
        %add3A_251 = arith.addi %mul3A_161, %scan3A_250 : i32
        %get3A_252 = arith.index_cast %add3A_251 : i32 to index
        %get3A_253 = arith.constant 0 : index
        %get3A_254 = tpu.vector_load %arg8[%get3A_252, %get3A_253] {strides = array<i32>} : memref<128x128xf32, #tpu.memory_space<vmem>>, vector<1x16xf32>,
        %get3A_255 = vector.shape_cast %get3A_254 : vector<1x16xf32> to vector<16xf32>
        %add3A_256 = arith.addf %add3A_206, %get3A_255 : vector<16xf32>
        %add3A_257 = arith.addi %mul3A_161, %scan3A_250 : i32
        %get3A_258 = arith.index_cast %add3A_257 : i32 to index
        %get3A_259 = arith.constant 16 : index
        %get3A_260 = tpu.vector_load %arg8[%get3A_258, %get3A_259] {strides = array<i32>} : memref<128x128xf32, #tpu.memory_space<vmem>>, vector<1x16xf32>,
        %get3A_261 = vector.shape_cast %get3A_260 : vector<1x16xf32> to vector<16xf32>
        %add3A_262 = arith.addf %add3A_212, %get3A_261 : vector<16xf32>
        %add3A_263 = arith.addi %mul3A_161, %scan3A_250 : i32
        %get3A_264 = arith.index_cast %add3A_263 : i32 to index
        %get3A_265 = arith.constant 32 : index
        %get3A_266 = tpu.vector_load %arg8[%get3A_264, %get3A_265] {strides = array<i32>} : memref<128x128xf32, #tpu.memory_space<vmem>>, vector<1x16xf32>,
        %get3A_267 = vector.shape_cast %get3A_266 : vector<1x16xf32> to vector<16xf32>
        %add3A_268 = arith.addf %add3A_218, %get3A_267 : vector<16xf32>
        %add3A_269 = arith.addi %mul3A_161, %scan3A_250 : i32
        %get3A_270 = arith.index_cast %add3A_269 : i32 to index
        %get3A_271 = arith.constant 48 : index
        %get3A_272 = tpu.vector_load %arg8[%get3A_270, %get3A_271] {strides = array<i32>} : memref<128x128xf32, #tpu.memory_space<vmem>>, vector<1x16xf32>,
        %get3A_273 = vector.shape_cast %get3A_272 : vector<1x16xf32> to vector<16xf32>
        %add3A_274 = arith.addf %add3A_224, %get3A_273 : vector<16xf32>
        %add3A_275 = arith.addi %mul3A_161, %scan3A_250 : i32
        %get3A_276 = arith.index_cast %add3A_275 : i32 to index
        %get3A_277 = arith.constant 64 : index
        %get3A_278 = tpu.vector_load %arg8[%get3A_276, %get3A_277] {strides = array<i32>} : memref<128x128xf32, #tpu.memory_space<vmem>>, vector<1x16xf32>,
        %get3A_279 = vector.shape_cast %get3A_278 : vector<1x16xf32> to vector<16xf32>
        %add3A_280 = arith.addf %add3A_230, %get3A_279 : vector<16xf32>
        %add3A_281 = arith.addi %mul3A_161, %scan3A_250 : i32
        %get3A_282 = arith.index_cast %add3A_281 : i32 to index
        %get3A_283 = arith.constant 80 : index
        %get3A_284 = tpu.vector_load %arg8[%get3A_282, %get3A_283] {strides = array<i32>} : memref<128x128xf32, #tpu.memory_space<vmem>>, vector<1x16xf32>,
        %get3A_285 = vector.shape_cast %get3A_284 : vector<1x16xf32> to vector<16xf32>
        %add3A_286 = arith.addf %add3A_236, %get3A_285 : vector<16xf32>
        %add3A_287 = arith.addi %mul3A_161, %scan3A_250 : i32
        %get3A_288 = arith.index_cast %add3A_287 : i32 to index
        %get3A_289 = arith.constant 96 : index
        %get3A_290 = tpu.vector_load %arg8[%get3A_288, %get3A_289] {strides = array<i32>} : memref<128x128xf32, #tpu.memory_space<vmem>>, vector<1x16xf32>,
        %get3A_291 = vector.shape_cast %get3A_290 : vector<1x16xf32> to vector<16xf32>
        %add3A_292 = arith.addf %add3A_242, %get3A_291 : vector<16xf32>
        %add3A_293 = arith.addi %mul3A_161, %scan3A_250 : i32
        %get3A_294 = arith.index_cast %add3A_293 : i32 to index
        %get3A_295 = arith.constant 112 : index
        %get3A_296 = tpu.vector_load %arg8[%get3A_294, %get3A_295] {strides = array<i32>} : memref<128x128xf32, #tpu.memory_space<vmem>>, vector<1x16xf32>,
        %get3A_297 = vector.shape_cast %get3A_296 : vector<1x16xf32> to vector<16xf32>
        %add3A_298 = arith.addf %add3A_248, %get3A_297 : vector<16xf32>
        %scan3A_299 = arith.constant 30 : i32
        %scan3A_300 = arith.addi %scan3A_194, %scan3A_299 : i32
        %add3A_301 = arith.addi %mul3A_161, %scan3A_300 : i32
        %get3A_302 = arith.index_cast %add3A_301 : i32 to index
        %get3A_303 = arith.constant 0 : index
        %get3A_304 = tpu.vector_load %arg8[%get3A_302, %get3A_303] {strides = array<i32>} : memref<128x128xf32, #tpu.memory_space<vmem>>, vector<1x16xf32>,
        %get3A_305 = vector.shape_cast %get3A_304 : vector<1x16xf32> to vector<16xf32>
        %add3A_306 = arith.addf %add3A_256, %get3A_305 : vector<16xf32>
        %add3A_307 = arith.addi %mul3A_161, %scan3A_300 : i32
        %get3A_308 = arith.index_cast %add3A_307 : i32 to index
        %get3A_309 = arith.constant 16 : index
        %get3A_310 = tpu.vector_load %arg8[%get3A_308, %get3A_309] {strides = array<i32>} : memref<128x128xf32, #tpu.memory_space<vmem>>, vector<1x16xf32>,
        %get3A_311 = vector.shape_cast %get3A_310 : vector<1x16xf32> to vector<16xf32>
        %add3A_312 = arith.addf %add3A_262, %get3A_311 : vector<16xf32>
        %add3A_313 = arith.addi %mul3A_161, %scan3A_300 : i32
        %get3A_314 = arith.index_cast %add3A_313 : i32 to index
        %get3A_315 = arith.constant 32 : index
        %get3A_316 = tpu.vector_load %arg8[%get3A_314, %get3A_315] {strides = array<i32>} : memref<128x128xf32, #tpu.memory_space<vmem>>, vector<1x16xf32>,
        %get3A_317 = vector.shape_cast %get3A_316 : vector<1x16xf32> to vector<16xf32>
        %add3A_318 = arith.addf %add3A_268, %get3A_317 : vector<16xf32>
        %add3A_319 = arith.addi %mul3A_161, %scan3A_300 : i32
        %get3A_320 = arith.index_cast %add3A_319 : i32 to index
        %get3A_321 = arith.constant 48 : index
        %get3A_322 = tpu.vector_load %arg8[%get3A_320, %get3A_321] {strides = array<i32>} : memref<128x128xf32, #tpu.memory_space<vmem>>, vector<1x16xf32>,
        %get3A_323 = vector.shape_cast %get3A_322 : vector<1x16xf32> to vector<16xf32>
        %add3A_324 = arith.addf %add3A_274, %get3A_323 : vector<16xf32>
        %add3A_325 = arith.addi %mul3A_161, %scan3A_300 : i32
        %get3A_326 = arith.index_cast %add3A_325 : i32 to index
        %get3A_327 = arith.constant 64 : index
        %get3A_328 = tpu.vector_load %arg8[%get3A_326, %get3A_327] {strides = array<i32>} : memref<128x128xf32, #tpu.memory_space<vmem>>, vector<1x16xf32>,
        %get3A_329 = vector.shape_cast %get3A_328 : vector<1x16xf32> to vector<16xf32>
        %add3A_330 = arith.addf %add3A_280, %get3A_329 : vector<16xf32>
        %add3A_331 = arith.addi %mul3A_161, %scan3A_300 : i32
        %get3A_332 = arith.index_cast %add3A_331 : i32 to index
        %get3A_333 = arith.constant 80 : index
        %get3A_334 = tpu.vector_load %arg8[%get3A_332, %get3A_333] {strides = array<i32>} : memref<128x128xf32, #tpu.memory_space<vmem>>, vector<1x16xf32>,
        %get3A_335 = vector.shape_cast %get3A_334 : vector<1x16xf32> to vector<16xf32>
        %add3A_336 = arith.addf %add3A_286, %get3A_335 : vector<16xf32>
        %add3A_337 = arith.addi %mul3A_161, %scan3A_300 : i32
        %get3A_338 = arith.index_cast %add3A_337 : i32 to index
        %get3A_339 = arith.constant 96 : index
        %get3A_340 = tpu.vector_load %arg8[%get3A_338, %get3A_339] {strides = array<i32>} : memref<128x128xf32, #tpu.memory_space<vmem>>, vector<1x16xf32>,
        %get3A_341 = vector.shape_cast %get3A_340 : vector<1x16xf32> to vector<16xf32>
        %add3A_342 = arith.addf %add3A_292, %get3A_341 : vector<16xf32>
        %add3A_343 = arith.addi %mul3A_161, %scan3A_300 : i32
        %get3A_344 = arith.index_cast %add3A_343 : i32 to index
        %get3A_345 = arith.constant 112 : index
        %get3A_346 = tpu.vector_load %arg8[%get3A_344, %get3A_345] {strides = array<i32>} : memref<128x128xf32, #tpu.memory_space<vmem>>, vector<1x16xf32>,
        %get3A_347 = vector.shape_cast %get3A_346 : vector<1x16xf32> to vector<16xf32>
        %add3A_348 = arith.addf %add3A_298, %get3A_347 : vector<16xf32>
        %scan3A_349 = arith.constant 31 : i32
        %mul3A_350 = arith.mulf %add3A_306, %get3A_78 : vector<16xf32>
        %add3A_351 = arith.constant 4 : i32
        %add3A_352 = arith.addi %add3A_351, %scan3A_159 : i32
        %swap3A = arith.index_cast %add3A_352 : i32 to index
        %swap3A_353 = arith.constant 0 : index
        %swap3A_354 = tpu.vector_load %arg11[%swap3A, %swap3A_353] {strides = array<i32>} : memref<8x128xf32, #tpu.memory_space<vmem>>, vector<1x16xf32>,
        %swap3A_355 = vector.shape_cast %swap3A_354 : vector<1x16xf32> to vector<16xf32>
        %swap3A_356 = vector.shape_cast %mul3A_350 : vector<16xf32> to vector<1x16xf32>
        tpu.vector_store %arg11[%swap3A, %swap3A_353], %swap3A_356 {strides = array<i32>} : memref<8x128xf32, #tpu.memory_space<vmem>>, vector<1x16xf32>,
        %mul3A_357 = arith.mulf %add3A_312, %get3A_78 : vector<16xf32>
        %add3A_358 = arith.constant 4 : i32
        %add3A_359 = arith.addi %add3A_358, %scan3A_159 : i32
        %swap3A_360 = arith.index_cast %add3A_359 : i32 to index
        %swap3A_361 = arith.constant 16 : index
        %swap3A_362 = tpu.vector_load %arg11[%swap3A_360, %swap3A_361] {strides = array<i32>} : memref<8x128xf32, #tpu.memory_space<vmem>>, vector<1x16xf32>,
        %swap3A_363 = vector.shape_cast %swap3A_362 : vector<1x16xf32> to vector<16xf32>
        %swap3A_364 = vector.shape_cast %mul3A_357 : vector<16xf32> to vector<1x16xf32>
        tpu.vector_store %arg11[%swap3A_360, %swap3A_361], %swap3A_364 {strides = array<i32>} : memref<8x128xf32, #tpu.memory_space<vmem>>, vector<1x16xf32>,
        %mul3A_365 = arith.mulf %add3A_318, %get3A_78 : vector<16xf32>
        %add3A_366 = arith.constant 4 : i32
        %add3A_367 = arith.addi %add3A_366, %scan3A_159 : i32
        %swap3A_368 = arith.index_cast %add3A_367 : i32 to index
        %swap3A_369 = arith.constant 32 : index
        %swap3A_370 = tpu.vector_load %arg11[%swap3A_368, %swap3A_369] {strides = array<i32>} : memref<8x128xf32, #tpu.memory_space<vmem>>, vector<1x16xf32>,
        %swap3A_371 = vector.shape_cast %swap3A_370 : vector<1x16xf32> to vector<16xf32>
        %swap3A_372 = vector.shape_cast %mul3A_365 : vector<16xf32> to vector<1x16xf32>
        tpu.vector_store %arg11[%swap3A_368, %swap3A_369], %swap3A_372 {strides = array<i32>} : memref<8x128xf32, #tpu.memory_space<vmem>>, vector<1x16xf32>,
        %mul3A_373 = arith.mulf %add3A_324, %get3A_78 : vector<16xf32>
        %add3A_374 = arith.constant 4 : i32
        %add3A_375 = arith.addi %add3A_374, %scan3A_159 : i32
        %swap3A_376 = arith.index_cast %add3A_375 : i32 to index
        %swap3A_377 = arith.constant 48 : index
        %swap3A_378 = tpu.vector_load %arg11[%swap3A_376, %swap3A_377] {strides = array<i32>} : memref<8x128xf32, #tpu.memory_space<vmem>>, vector<1x16xf32>,
        %swap3A_379 = vector.shape_cast %swap3A_378 : vector<1x16xf32> to vector<16xf32>
        %swap3A_380 = vector.shape_cast %mul3A_373 : vector<16xf32> to vector<1x16xf32>
        tpu.vector_store %arg11[%swap3A_376, %swap3A_377], %swap3A_380 {strides = array<i32>} : memref<8x128xf32, #tpu.memory_space<vmem>>, vector<1x16xf32>,
        %mul3A_381 = arith.mulf %add3A_330, %get3A_78 : vector<16xf32>
        %add3A_382 = arith.constant 4 : i32
        %add3A_383 = arith.addi %add3A_382, %scan3A_159 : i32
        %swap3A_384 = arith.index_cast %add3A_383 : i32 to index
        %swap3A_385 = arith.constant 64 : index
        %swap3A_386 = tpu.vector_load %arg11[%swap3A_384, %swap3A_385] {strides = array<i32>} : memref<8x128xf32, #tpu.memory_space<vmem>>, vector<1x16xf32>,
        %swap3A_387 = vector.shape_cast %swap3A_386 : vector<1x16xf32> to vector<16xf32>
        %swap3A_388 = vector.shape_cast %mul3A_381 : vector<16xf32> to vector<1x16xf32>
        tpu.vector_store %arg11[%swap3A_384, %swap3A_385], %swap3A_388 {strides = array<i32>} : memref<8x128xf32, #tpu.memory_space<vmem>>, vector<1x16xf32>,
        %mul3A_389 = arith.mulf %add3A_336, %get3A_78 : vector<16xf32>
        %add3A_390 = arith.constant 4 : i32
        %add3A_391 = arith.addi %add3A_390, %scan3A_159 : i32
        %swap3A_392 = arith.index_cast %add3A_391 : i32 to index
        %swap3A_393 = arith.constant 80 : index
        %swap3A_394 = tpu.vector_load %arg11[%swap3A_392, %swap3A_393] {strides = array<i32>} : memref<8x128xf32, #tpu.memory_space<vmem>>, vector<1x16xf32>,
        %swap3A_395 = vector.shape_cast %swap3A_394 : vector<1x16xf32> to vector<16xf32>
        %swap3A_396 = vector.shape_cast %mul3A_389 : vector<16xf32> to vector<1x16xf32>
        tpu.vector_store %arg11[%swap3A_392, %swap3A_393], %swap3A_396 {strides = array<i32>} : memref<8x128xf32, #tpu.memory_space<vmem>>, vector<1x16xf32>,
        %mul3A_397 = arith.mulf %add3A_342, %get3A_78 : vector<16xf32>
        %add3A_398 = arith.constant 4 : i32
        %add3A_399 = arith.addi %add3A_398, %scan3A_159 : i32
        %swap3A_400 = arith.index_cast %add3A_399 : i32 to index
        %swap3A_401 = arith.constant 96 : index
        %swap3A_402 = tpu.vector_load %arg11[%swap3A_400, %swap3A_401] {strides = array<i32>} : memref<8x128xf32, #tpu.memory_space<vmem>>, vector<1x16xf32>,
        %swap3A_403 = vector.shape_cast %swap3A_402 : vector<1x16xf32> to vector<16xf32>
        %swap3A_404 = vector.shape_cast %mul3A_397 : vector<16xf32> to vector<1x16xf32>
        tpu.vector_store %arg11[%swap3A_400, %swap3A_401], %swap3A_404 {strides = array<i32>} : memref<8x128xf32, #tpu.memory_space<vmem>>, vector<1x16xf32>,
        %mul3A_405 = arith.mulf %add3A_348, %get3A_78 : vector<16xf32>
        %add3A_406 = arith.constant 4 : i32
        %add3A_407 = arith.addi %add3A_406, %scan3A_159 : i32
        %swap3A_408 = arith.index_cast %add3A_407 : i32 to index
        %swap3A_409 = arith.constant 112 : index
        %swap3A_410 = tpu.vector_load %arg11[%swap3A_408, %swap3A_409] {strides = array<i32>} : memref<8x128xf32, #tpu.memory_space<vmem>>, vector<1x16xf32>,
        %swap3A_411 = vector.shape_cast %swap3A_410 : vector<1x16xf32> to vector<16xf32>
        %swap3A_412 = vector.shape_cast %mul3A_405 : vector<16xf32> to vector<1x16xf32>
        tpu.vector_store %arg11[%swap3A_408, %swap3A_409], %swap3A_412 {strides = array<i32>} : memref<8x128xf32, #tpu.memory_space<vmem>>, vector<1x16xf32>,
      }
      %scan3A_84 = arith.constant 4 : i32
      %add3A_85 = arith.constant 4 : i32
      %add3A_86 = arith.addi %add3A_69, %add3A_85 : i32
      %lt3A_87 = arith.constant 80 : i32
      %lt3A_88 = arith.cmpi slt, %add3A_86, %lt3A_87 : i32
      %convert_element_type3A_89 = arith.extui %lt3A_88 : i1 to i32
      %cond3A_90 = arith.constant 0 : i32
      %cond3A_91 = arith.cmpi ne, %convert_element_type3A_89, %cond3A_90 : i32
      scf.if %cond3A_91 {
        %add3A_159 = arith.constant 4 : i32
        %add3A_160 = arith.addi %add3A_69, %add3A_159 : i32
        %mul3A_161 = arith.constant 128 : i32
        %mul3A_162 = arith.muli %add3A_160, %mul3A_161 : i32
        %dma_start3A_163 = tpu.memref_slice %arg6[%mul3A_162] : memref<10240xi32, #tpu.memory_space<vmem>> -> memref<128xi32, #tpu.memory_space<vmem>>
        %dma_start3A_164 = arith.constant 0 : i32
        %dma_start3A_165 = arith.constant 0 : i32
        %dma_start3A_166 = tpu.memref_slice %arg2[%dma_start3A_164, %dma_start3A_165] : memref<10000x128xf32, #tpu.memory_space<hbm>> -> memref<10000x128xf32, #tpu.memory_space<hbm>>
        tpu.enqueue_indirect_dma source(%dma_start3A_166 : memref<10000x128xf32, #tpu.memory_space<hbm>>) target(%arg8 : memref<128x128xf32, #tpu.memory_space<vmem>>) offsets(%dma_start3A_163 : memref<128xi32, #tpu.memory_space<vmem>>) semaphore(%arg15 : memref<!tpu.dma_semaphore, #tpu.memory_space<semaphore_mem>>)
      } else {
      }
      %mul3A_92 = arith.constant 4 : i32
      %mul3A_93 = arith.muli %add3A_45, %mul3A_92 : i32
      %add3A_94 = arith.addi %min3A_3, %mul3A_93 : i32
      %dma_start3A_95 = arith.constant 0 : i32
      %dma_start3A_96 = tpu.memref_slice %arg5[%add3A_94, %dma_start3A_95] : memref<10000x128xf32, #tpu.memory_space<hbm>> -> memref<8x128xf32, #tpu.memory_space<hbm>>
      %dma_start3A_97 = arith.constant 0 : i32
      %dma_start3A_98 = tpu.memref_slice %arg5[%add3A_94, %dma_start3A_97] : memref<10000x128xf32, #tpu.memory_space<hbm>> -> memref<8x128xf32, #tpu.memory_space<hbm>>
      tpu.enqueue_dma source(%arg11 : memref<8x128xf32, #tpu.memory_space<vmem>>) target(%dma_start3A_98 : memref<8x128xf32, #tpu.memory_space<hbm>>) target_semaphore(%arg18 : memref<!tpu.dma_semaphore, #tpu.memory_space<semaphore_mem>>)
      %add3A_99 = arith.constant 2 : i32
      %add3A_100 = arith.addi %mul3A_43, %add3A_99 : i32
      %ge3A_101 = arith.constant 4 : i32
      %ge3A_102 = arith.cmpi sge, %mul3A_43, %ge3A_101 : i32
      %convert_element_type3A_103 = arith.extui %ge3A_102 : i1 to i32
      %cond3A_104 = arith.constant 0 : i32
      %cond3A_105 = arith.cmpi ne, %convert_element_type3A_103, %cond3A_104 : i32
      scf.if %cond3A_105 {
        %dma_wait3A_159 = arith.constant 0 : i32
        %dma_wait3A_160 = arith.constant 0 : i32
        %dma_wait3A_161 = tpu.memref_slice %arg5[%dma_wait3A_159, %dma_wait3A_160] : memref<10000x128xf32, #tpu.memory_space<hbm>> -> memref<8x128xf32, #tpu.memory_space<hbm>>
        %dma_wait3A_162 = arith.constant 0 : i32
        %dma_wait3A_163 = arith.constant 0 : i32
        %dma_wait3A_164 = tpu.memref_slice %arg5[%dma_wait3A_162, %dma_wait3A_163] : memref<10000x128xf32, #tpu.memory_space<hbm>> -> memref<8x128xf32, #tpu.memory_space<hbm>>
        tpu.wait_dma2 semaphore(%arg19 : memref<!tpu.dma_semaphore, #tpu.memory_space<semaphore_mem>>) src(%arg12 : memref<8x128xf32, #tpu.memory_space<vmem>>) dst(%dma_wait3A_164 : memref<8x128xf32, #tpu.memory_space<hbm>>)
      } else {
      }
      %mul3A_106 = arith.constant 128 : i32
      %mul3A_107 = arith.muli %add3A_100, %mul3A_106 : i32
      %dma_wait3A_108 = tpu.memref_slice %arg6[%mul3A_107] : memref<10240xi32, #tpu.memory_space<vmem>> -> memref<128xi32, #tpu.memory_space<vmem>>
      %dma_wait3A_109 = arith.constant 0 : i32
      %dma_wait3A_110 = arith.constant 0 : i32
      %dma_wait3A_111 = tpu.memref_slice %arg2[%dma_wait3A_109, %dma_wait3A_110] : memref<10000x128xf32, #tpu.memory_space<hbm>> -> memref<10000x128xf32, #tpu.memory_space<hbm>>
      tpu.wait_indirect_dma semaphore(%arg16 : memref<!tpu.dma_semaphore, #tpu.memory_space<semaphore_mem>>) src(%dma_wait3A_111 : memref<10000x128xf32, #tpu.memory_space<hbm>>) dst(%arg9 : memref<128x128xf32, #tpu.memory_space<vmem>>)
      %get3A_112 = arith.constant 0 : index
      %get3A_113 = tpu.vector_load %arg13[%get3A_112] {strides = array<i32>} : memref<16xf32, #tpu.memory_space<vmem>>, vector<16xf32>,
      %get3A_114 = vector.shape_cast %get3A_113 : vector<16xf32> to vector<16xf32>
      %scan3A_115 = arith.constant 0 : i32
      %scan3A_116 = arith.constant 0 : i32
      %scan3A_117 = arith.constant 4 : i32
      %scan3A_118 = arith.addi %scan3A_116, %scan3A_117 : i32
      %scan3A_119 = arith.constant 1 : i32
      scf.for %scan3A_159 = %scan3A_116 to %scan3A_118 step %scan3A_119  : i32 {
        %mul3A_160 = arith.constant 32 : i32
        %mul3A_161 = arith.muli %scan3A_159, %mul3A_160 : i32
        %get3A_162 = arith.index_cast %mul3A_161 : i32 to index
        %get3A_163 = arith.constant 0 : index
        %get3A_164 = tpu.vector_load %arg9[%get3A_162, %get3A_163] {strides = array<i32>} : memref<128x128xf32, #tpu.memory_space<vmem>>, vector<1x16xf32>,
        %get3A_165 = vector.shape_cast %get3A_164 : vector<1x16xf32> to vector<16xf32>
        %get3A_166 = arith.index_cast %mul3A_161 : i32 to index
        %get3A_167 = arith.constant 16 : index
        %get3A_168 = tpu.vector_load %arg9[%get3A_166, %get3A_167] {strides = array<i32>} : memref<128x128xf32, #tpu.memory_space<vmem>>, vector<1x16xf32>,
        %get3A_169 = vector.shape_cast %get3A_168 : vector<1x16xf32> to vector<16xf32>
        %get3A_170 = arith.index_cast %mul3A_161 : i32 to index
        %get3A_171 = arith.constant 32 : index
        %get3A_172 = tpu.vector_load %arg9[%get3A_170, %get3A_171] {strides = array<i32>} : memref<128x128xf32, #tpu.memory_space<vmem>>, vector<1x16xf32>,
        %get3A_173 = vector.shape_cast %get3A_172 : vector<1x16xf32> to vector<16xf32>
        %get3A_174 = arith.index_cast %mul3A_161 : i32 to index
        %get3A_175 = arith.constant 48 : index
        %get3A_176 = tpu.vector_load %arg9[%get3A_174, %get3A_175] {strides = array<i32>} : memref<128x128xf32, #tpu.memory_space<vmem>>, vector<1x16xf32>,
        %get3A_177 = vector.shape_cast %get3A_176 : vector<1x16xf32> to vector<16xf32>
        %get3A_178 = arith.index_cast %mul3A_161 : i32 to index
        %get3A_179 = arith.constant 64 : index
        %get3A_180 = tpu.vector_load %arg9[%get3A_178, %get3A_179] {strides = array<i32>} : memref<128x128xf32, #tpu.memory_space<vmem>>, vector<1x16xf32>,
        %get3A_181 = vector.shape_cast %get3A_180 : vector<1x16xf32> to vector<16xf32>
        %get3A_182 = arith.index_cast %mul3A_161 : i32 to index
        %get3A_183 = arith.constant 80 : index
        %get3A_184 = tpu.vector_load %arg9[%get3A_182, %get3A_183] {strides = array<i32>} : memref<128x128xf32, #tpu.memory_space<vmem>>, vector<1x16xf32>,
        %get3A_185 = vector.shape_cast %get3A_184 : vector<1x16xf32> to vector<16xf32>
        %get3A_186 = arith.index_cast %mul3A_161 : i32 to index
        %get3A_187 = arith.constant 96 : index
        %get3A_188 = tpu.vector_load %arg9[%get3A_186, %get3A_187] {strides = array<i32>} : memref<128x128xf32, #tpu.memory_space<vmem>>, vector<1x16xf32>,
        %get3A_189 = vector.shape_cast %get3A_188 : vector<1x16xf32> to vector<16xf32>
        %get3A_190 = arith.index_cast %mul3A_161 : i32 to index
        %get3A_191 = arith.constant 112 : index
        %get3A_192 = tpu.vector_load %arg9[%get3A_190, %get3A_191] {strides = array<i32>} : memref<128x128xf32, #tpu.memory_space<vmem>>, vector<1x16xf32>,
        %get3A_193 = vector.shape_cast %get3A_192 : vector<1x16xf32> to vector<16xf32>
        %scan3A_194 = arith.constant 1 : i32
        %scan3A_195 = arith.constant 28 : i32
        %scan3A_196 = arith.addi %scan3A_194, %scan3A_195 : i32
        %scan3A_197 = arith.constant 4 : i32
        %scan3A_198:8 = scf.for %scan3A_413 = %scan3A_194 to %scan3A_196 step %scan3A_197 iter_args(%scan3A_414 = %get3A_165, %scan3A_415 = %get3A_169, %scan3A_416 = %get3A_173, %scan3A_417 = %get3A_177, %scan3A_418 = %get3A_181, %scan3A_419 = %get3A_185, %scan3A_420 = %get3A_189, %scan3A_421 = %get3A_193) -> (vector<16xf32>, vector<16xf32>, vector<16xf32>, vector<16xf32>, vector<16xf32>, vector<16xf32>, vector<16xf32>, vector<16xf32>)  : i32 {
          %add3A_422 = arith.addi %mul3A_161, %scan3A_413 : i32
          %get3A_423 = arith.index_cast %add3A_422 : i32 to index
          %get3A_424 = arith.constant 0 : index
          %get3A_425 = tpu.vector_load %arg9[%get3A_423, %get3A_424] {strides = array<i32>} : memref<128x128xf32, #tpu.memory_space<vmem>>, vector<1x16xf32>,
          %get3A_426 = vector.shape_cast %get3A_425 : vector<1x16xf32> to vector<16xf32>
          %add3A_427 = arith.addf %scan3A_414, %get3A_426 : vector<16xf32>
          %add3A_428 = arith.addi %mul3A_161, %scan3A_413 : i32
          %get3A_429 = arith.index_cast %add3A_428 : i32 to index
          %get3A_430 = arith.constant 16 : index
          %get3A_431 = tpu.vector_load %arg9[%get3A_429, %get3A_430] {strides = array<i32>} : memref<128x128xf32, #tpu.memory_space<vmem>>, vector<1x16xf32>,
          %get3A_432 = vector.shape_cast %get3A_431 : vector<1x16xf32> to vector<16xf32>
          %add3A_433 = arith.addf %scan3A_415, %get3A_432 : vector<16xf32>
          %add3A_434 = arith.addi %mul3A_161, %scan3A_413 : i32
          %get3A_435 = arith.index_cast %add3A_434 : i32 to index
          %get3A_436 = arith.constant 32 : index
          %get3A_437 = tpu.vector_load %arg9[%get3A_435, %get3A_436] {strides = array<i32>} : memref<128x128xf32, #tpu.memory_space<vmem>>, vector<1x16xf32>,
          %get3A_438 = vector.shape_cast %get3A_437 : vector<1x16xf32> to vector<16xf32>
          %add3A_439 = arith.addf %scan3A_416, %get3A_438 : vector<16xf32>
          %add3A_440 = arith.addi %mul3A_161, %scan3A_413 : i32
          %get3A_441 = arith.index_cast %add3A_440 : i32 to index
          %get3A_442 = arith.constant 48 : index
          %get3A_443 = tpu.vector_load %arg9[%get3A_441, %get3A_442] {strides = array<i32>} : memref<128x128xf32, #tpu.memory_space<vmem>>, vector<1x16xf32>,
          %get3A_444 = vector.shape_cast %get3A_443 : vector<1x16xf32> to vector<16xf32>
          %add3A_445 = arith.addf %scan3A_417, %get3A_444 : vector<16xf32>
          %add3A_446 = arith.addi %mul3A_161, %scan3A_413 : i32
          %get3A_447 = arith.index_cast %add3A_446 : i32 to index
          %get3A_448 = arith.constant 64 : index
          %get3A_449 = tpu.vector_load %arg9[%get3A_447, %get3A_448] {strides = array<i32>} : memref<128x128xf32, #tpu.memory_space<vmem>>, vector<1x16xf32>,
          %get3A_450 = vector.shape_cast %get3A_449 : vector<1x16xf32> to vector<16xf32>
          %add3A_451 = arith.addf %scan3A_418, %get3A_450 : vector<16xf32>
          %add3A_452 = arith.addi %mul3A_161, %scan3A_413 : i32
          %get3A_453 = arith.index_cast %add3A_452 : i32 to index
          %get3A_454 = arith.constant 80 : index
          %get3A_455 = tpu.vector_load %arg9[%get3A_453, %get3A_454] {strides = array<i32>} : memref<128x128xf32, #tpu.memory_space<vmem>>, vector<1x16xf32>,
          %get3A_456 = vector.shape_cast %get3A_455 : vector<1x16xf32> to vector<16xf32>
          %add3A_457 = arith.addf %scan3A_419, %get3A_456 : vector<16xf32>
          %add3A_458 = arith.addi %mul3A_161, %scan3A_413 : i32
          %get3A_459 = arith.index_cast %add3A_458 : i32 to index
          %get3A_460 = arith.constant 96 : index
          %get3A_461 = tpu.vector_load %arg9[%get3A_459, %get3A_460] {strides = array<i32>} : memref<128x128xf32, #tpu.memory_space<vmem>>, vector<1x16xf32>,
          %get3A_462 = vector.shape_cast %get3A_461 : vector<1x16xf32> to vector<16xf32>
          %add3A_463 = arith.addf %scan3A_420, %get3A_462 : vector<16xf32>
          %add3A_464 = arith.addi %mul3A_161, %scan3A_413 : i32
          %get3A_465 = arith.index_cast %add3A_464 : i32 to index
          %get3A_466 = arith.constant 112 : index
          %get3A_467 = tpu.vector_load %arg9[%get3A_465, %get3A_466] {strides = array<i32>} : memref<128x128xf32, #tpu.memory_space<vmem>>, vector<1x16xf32>,
          %get3A_468 = vector.shape_cast %get3A_467 : vector<1x16xf32> to vector<16xf32>
          %add3A_469 = arith.addf %scan3A_421, %get3A_468 : vector<16xf32>
          %scan3A_470 = arith.constant 1 : i32
          %scan3A_471 = arith.addi %scan3A_413, %scan3A_470 : i32
          %add3A_472 = arith.addi %mul3A_161, %scan3A_471 : i32
          %get3A_473 = arith.index_cast %add3A_472 : i32 to index
          %get3A_474 = arith.constant 0 : index
          %get3A_475 = tpu.vector_load %arg9[%get3A_473, %get3A_474] {strides = array<i32>} : memref<128x128xf32, #tpu.memory_space<vmem>>, vector<1x16xf32>,
          %get3A_476 = vector.shape_cast %get3A_475 : vector<1x16xf32> to vector<16xf32>
          %add3A_477 = arith.addf %add3A_427, %get3A_476 : vector<16xf32>
          %add3A_478 = arith.addi %mul3A_161, %scan3A_471 : i32
          %get3A_479 = arith.index_cast %add3A_478 : i32 to index
          %get3A_480 = arith.constant 16 : index
          %get3A_481 = tpu.vector_load %arg9[%get3A_479, %get3A_480] {strides = array<i32>} : memref<128x128xf32, #tpu.memory_space<vmem>>, vector<1x16xf32>,
          %get3A_482 = vector.shape_cast %get3A_481 : vector<1x16xf32> to vector<16xf32>
          %add3A_483 = arith.addf %add3A_433, %get3A_482 : vector<16xf32>
          %add3A_484 = arith.addi %mul3A_161, %scan3A_471 : i32
          %get3A_485 = arith.index_cast %add3A_484 : i32 to index
          %get3A_486 = arith.constant 32 : index
          %get3A_487 = tpu.vector_load %arg9[%get3A_485, %get3A_486] {strides = array<i32>} : memref<128x128xf32, #tpu.memory_space<vmem>>, vector<1x16xf32>,
          %get3A_488 = vector.shape_cast %get3A_487 : vector<1x16xf32> to vector<16xf32>
          %add3A_489 = arith.addf %add3A_439, %get3A_488 : vector<16xf32>
          %add3A_490 = arith.addi %mul3A_161, %scan3A_471 : i32
          %get3A_491 = arith.index_cast %add3A_490 : i32 to index
          %get3A_492 = arith.constant 48 : index
          %get3A_493 = tpu.vector_load %arg9[%get3A_491, %get3A_492] {strides = array<i32>} : memref<128x128xf32, #tpu.memory_space<vmem>>, vector<1x16xf32>,
          %get3A_494 = vector.shape_cast %get3A_493 : vector<1x16xf32> to vector<16xf32>
          %add3A_495 = arith.addf %add3A_445, %get3A_494 : vector<16xf32>
          %add3A_496 = arith.addi %mul3A_161, %scan3A_471 : i32
          %get3A_497 = arith.index_cast %add3A_496 : i32 to index
          %get3A_498 = arith.constant 64 : index
          %get3A_499 = tpu.vector_load %arg9[%get3A_497, %get3A_498] {strides = array<i32>} : memref<128x128xf32, #tpu.memory_space<vmem>>, vector<1x16xf32>,
          %get3A_500 = vector.shape_cast %get3A_499 : vector<1x16xf32> to vector<16xf32>
          %add3A_501 = arith.addf %add3A_451, %get3A_500 : vector<16xf32>
          %add3A_502 = arith.addi %mul3A_161, %scan3A_471 : i32
          %get3A_503 = arith.index_cast %add3A_502 : i32 to index
          %get3A_504 = arith.constant 80 : index
          %get3A_505 = tpu.vector_load %arg9[%get3A_503, %get3A_504] {strides = array<i32>} : memref<128x128xf32, #tpu.memory_space<vmem>>, vector<1x16xf32>,
          %get3A_506 = vector.shape_cast %get3A_505 : vector<1x16xf32> to vector<16xf32>
          %add3A_507 = arith.addf %add3A_457, %get3A_506 : vector<16xf32>
          %add3A_508 = arith.addi %mul3A_161, %scan3A_471 : i32
          %get3A_509 = arith.index_cast %add3A_508 : i32 to index
          %get3A_510 = arith.constant 96 : index
          %get3A_511 = tpu.vector_load %arg9[%get3A_509, %get3A_510] {strides = array<i32>} : memref<128x128xf32, #tpu.memory_space<vmem>>, vector<1x16xf32>,
          %get3A_512 = vector.shape_cast %get3A_511 : vector<1x16xf32> to vector<16xf32>
          %add3A_513 = arith.addf %add3A_463, %get3A_512 : vector<16xf32>
          %add3A_514 = arith.addi %mul3A_161, %scan3A_471 : i32
          %get3A_515 = arith.index_cast %add3A_514 : i32 to index
          %get3A_516 = arith.constant 112 : index
          %get3A_517 = tpu.vector_load %arg9[%get3A_515, %get3A_516] {strides = array<i32>} : memref<128x128xf32, #tpu.memory_space<vmem>>, vector<1x16xf32>,
          %get3A_518 = vector.shape_cast %get3A_517 : vector<1x16xf32> to vector<16xf32>
          %add3A_519 = arith.addf %add3A_469, %get3A_518 : vector<16xf32>
          %scan3A_520 = arith.constant 2 : i32
          %scan3A_521 = arith.addi %scan3A_413, %scan3A_520 : i32
          %add3A_522 = arith.addi %mul3A_161, %scan3A_521 : i32
          %get3A_523 = arith.index_cast %add3A_522 : i32 to index
          %get3A_524 = arith.constant 0 : index
          %get3A_525 = tpu.vector_load %arg9[%get3A_523, %get3A_524] {strides = array<i32>} : memref<128x128xf32, #tpu.memory_space<vmem>>, vector<1x16xf32>,
          %get3A_526 = vector.shape_cast %get3A_525 : vector<1x16xf32> to vector<16xf32>
          %add3A_527 = arith.addf %add3A_477, %get3A_526 : vector<16xf32>
          %add3A_528 = arith.addi %mul3A_161, %scan3A_521 : i32
          %get3A_529 = arith.index_cast %add3A_528 : i32 to index
          %get3A_530 = arith.constant 16 : index
          %get3A_531 = tpu.vector_load %arg9[%get3A_529, %get3A_530] {strides = array<i32>} : memref<128x128xf32, #tpu.memory_space<vmem>>, vector<1x16xf32>,
          %get3A_532 = vector.shape_cast %get3A_531 : vector<1x16xf32> to vector<16xf32>
          %add3A_533 = arith.addf %add3A_483, %get3A_532 : vector<16xf32>
          %add3A_534 = arith.addi %mul3A_161, %scan3A_521 : i32
          %get3A_535 = arith.index_cast %add3A_534 : i32 to index
          %get3A_536 = arith.constant 32 : index
          %get3A_537 = tpu.vector_load %arg9[%get3A_535, %get3A_536] {strides = array<i32>} : memref<128x128xf32, #tpu.memory_space<vmem>>, vector<1x16xf32>,
          %get3A_538 = vector.shape_cast %get3A_537 : vector<1x16xf32> to vector<16xf32>
          %add3A_539 = arith.addf %add3A_489, %get3A_538 : vector<16xf32>
          %add3A_540 = arith.addi %mul3A_161, %scan3A_521 : i32
          %get3A_541 = arith.index_cast %add3A_540 : i32 to index
          %get3A_542 = arith.constant 48 : index
          %get3A_543 = tpu.vector_load %arg9[%get3A_541, %get3A_542] {strides = array<i32>} : memref<128x128xf32, #tpu.memory_space<vmem>>, vector<1x16xf32>,
          %get3A_544 = vector.shape_cast %get3A_543 : vector<1x16xf32> to vector<16xf32>
          %add3A_545 = arith.addf %add3A_495, %get3A_544 : vector<16xf32>
          %add3A_546 = arith.addi %mul3A_161, %scan3A_521 : i32
          %get3A_547 = arith.index_cast %add3A_546 : i32 to index
          %get3A_548 = arith.constant 64 : index
          %get3A_549 = tpu.vector_load %arg9[%get3A_547, %get3A_548] {strides = array<i32>} : memref<128x128xf32, #tpu.memory_space<vmem>>, vector<1x16xf32>,
          %get3A_550 = vector.shape_cast %get3A_549 : vector<1x16xf32> to vector<16xf32>
          %add3A_551 = arith.addf %add3A_501, %get3A_550 : vector<16xf32>
          %add3A_552 = arith.addi %mul3A_161, %scan3A_521 : i32
          %get3A_553 = arith.index_cast %add3A_552 : i32 to index
          %get3A_554 = arith.constant 80 : index
          %get3A_555 = tpu.vector_load %arg9[%get3A_553, %get3A_554] {strides = array<i32>} : memref<128x128xf32, #tpu.memory_space<vmem>>, vector<1x16xf32>,
          %get3A_556 = vector.shape_cast %get3A_555 : vector<1x16xf32> to vector<16xf32>
          %add3A_557 = arith.addf %add3A_507, %get3A_556 : vector<16xf32>
          %add3A_558 = arith.addi %mul3A_161, %scan3A_521 : i32
          %get3A_559 = arith.index_cast %add3A_558 : i32 to index
          %get3A_560 = arith.constant 96 : index
          %get3A_561 = tpu.vector_load %arg9[%get3A_559, %get3A_560] {strides = array<i32>} : memref<128x128xf32, #tpu.memory_space<vmem>>, vector<1x16xf32>,
          %get3A_562 = vector.shape_cast %get3A_561 : vector<1x16xf32> to vector<16xf32>
          %add3A_563 = arith.addf %add3A_513, %get3A_562 : vector<16xf32>
          %add3A_564 = arith.addi %mul3A_161, %scan3A_521 : i32
          %get3A_565 = arith.index_cast %add3A_564 : i32 to index
          %get3A_566 = arith.constant 112 : index
          %get3A_567 = tpu.vector_load %arg9[%get3A_565, %get3A_566] {strides = array<i32>} : memref<128x128xf32, #tpu.memory_space<vmem>>, vector<1x16xf32>,
          %get3A_568 = vector.shape_cast %get3A_567 : vector<1x16xf32> to vector<16xf32>
          %add3A_569 = arith.addf %add3A_519, %get3A_568 : vector<16xf32>
          %scan3A_570 = arith.constant 3 : i32
          %scan3A_571 = arith.addi %scan3A_413, %scan3A_570 : i32
          %add3A_572 = arith.addi %mul3A_161, %scan3A_571 : i32
          %get3A_573 = arith.index_cast %add3A_572 : i32 to index
          %get3A_574 = arith.constant 0 : index
          %get3A_575 = tpu.vector_load %arg9[%get3A_573, %get3A_574] {strides = array<i32>} : memref<128x128xf32, #tpu.memory_space<vmem>>, vector<1x16xf32>,
          %get3A_576 = vector.shape_cast %get3A_575 : vector<1x16xf32> to vector<16xf32>
          %add3A_577 = arith.addf %add3A_527, %get3A_576 : vector<16xf32>
          %add3A_578 = arith.addi %mul3A_161, %scan3A_571 : i32
          %get3A_579 = arith.index_cast %add3A_578 : i32 to index
          %get3A_580 = arith.constant 16 : index
          %get3A_581 = tpu.vector_load %arg9[%get3A_579, %get3A_580] {strides = array<i32>} : memref<128x128xf32, #tpu.memory_space<vmem>>, vector<1x16xf32>,
          %get3A_582 = vector.shape_cast %get3A_581 : vector<1x16xf32> to vector<16xf32>
          %add3A_583 = arith.addf %add3A_533, %get3A_582 : vector<16xf32>
          %add3A_584 = arith.addi %mul3A_161, %scan3A_571 : i32
          %get3A_585 = arith.index_cast %add3A_584 : i32 to index
          %get3A_586 = arith.constant 32 : index
          %get3A_587 = tpu.vector_load %arg9[%get3A_585, %get3A_586] {strides = array<i32>} : memref<128x128xf32, #tpu.memory_space<vmem>>, vector<1x16xf32>,
          %get3A_588 = vector.shape_cast %get3A_587 : vector<1x16xf32> to vector<16xf32>
          %add3A_589 = arith.addf %add3A_539, %get3A_588 : vector<16xf32>
          %add3A_590 = arith.addi %mul3A_161, %scan3A_571 : i32
          %get3A_591 = arith.index_cast %add3A_590 : i32 to index
          %get3A_592 = arith.constant 48 : index
          %get3A_593 = tpu.vector_load %arg9[%get3A_591, %get3A_592] {strides = array<i32>} : memref<128x128xf32, #tpu.memory_space<vmem>>, vector<1x16xf32>,
          %get3A_594 = vector.shape_cast %get3A_593 : vector<1x16xf32> to vector<16xf32>
          %add3A_595 = arith.addf %add3A_545, %get3A_594 : vector<16xf32>
          %add3A_596 = arith.addi %mul3A_161, %scan3A_571 : i32
          %get3A_597 = arith.index_cast %add3A_596 : i32 to index
          %get3A_598 = arith.constant 64 : index
          %get3A_599 = tpu.vector_load %arg9[%get3A_597, %get3A_598] {strides = array<i32>} : memref<128x128xf32, #tpu.memory_space<vmem>>, vector<1x16xf32>,
          %get3A_600 = vector.shape_cast %get3A_599 : vector<1x16xf32> to vector<16xf32>
          %add3A_601 = arith.addf %add3A_551, %get3A_600 : vector<16xf32>
          %add3A_602 = arith.addi %mul3A_161, %scan3A_571 : i32
          %get3A_603 = arith.index_cast %add3A_602 : i32 to index
          %get3A_604 = arith.constant 80 : index
          %get3A_605 = tpu.vector_load %arg9[%get3A_603, %get3A_604] {strides = array<i32>} : memref<128x128xf32, #tpu.memory_space<vmem>>, vector<1x16xf32>,
          %get3A_606 = vector.shape_cast %get3A_605 : vector<1x16xf32> to vector<16xf32>
          %add3A_607 = arith.addf %add3A_557, %get3A_606 : vector<16xf32>
          %add3A_608 = arith.addi %mul3A_161, %scan3A_571 : i32
          %get3A_609 = arith.index_cast %add3A_608 : i32 to index
          %get3A_610 = arith.constant 96 : index
          %get3A_611 = tpu.vector_load %arg9[%get3A_609, %get3A_610] {strides = array<i32>} : memref<128x128xf32, #tpu.memory_space<vmem>>, vector<1x16xf32>,
          %get3A_612 = vector.shape_cast %get3A_611 : vector<1x16xf32> to vector<16xf32>
          %add3A_613 = arith.addf %add3A_563, %get3A_612 : vector<16xf32>
          %add3A_614 = arith.addi %mul3A_161, %scan3A_571 : i32
          %get3A_615 = arith.index_cast %add3A_614 : i32 to index
          %get3A_616 = arith.constant 112 : index
          %get3A_617 = tpu.vector_load %arg9[%get3A_615, %get3A_616] {strides = array<i32>} : memref<128x128xf32, #tpu.memory_space<vmem>>, vector<1x16xf32>,
          %get3A_618 = vector.shape_cast %get3A_617 : vector<1x16xf32> to vector<16xf32>
          %add3A_619 = arith.addf %add3A_569, %get3A_618 : vector<16xf32>
          scf.yield %add3A_577, %add3A_583, %add3A_589, %add3A_595, %add3A_601, %add3A_607, %add3A_613, %add3A_619 : vector<16xf32>, vector<16xf32>, vector<16xf32>, vector<16xf32>, vector<16xf32>, vector<16xf32>, vector<16xf32>, vector<16xf32>
        }
        %scan3A_199 = arith.constant 28 : i32
        %scan3A_200 = arith.addi %scan3A_194, %scan3A_199 : i32
        %add3A_201 = arith.addi %mul3A_161, %scan3A_200 : i32
        %get3A_202 = arith.index_cast %add3A_201 : i32 to index
        %get3A_203 = arith.constant 0 : index
        %get3A_204 = tpu.vector_load %arg9[%get3A_202, %get3A_203] {strides = array<i32>} : memref<128x128xf32, #tpu.memory_space<vmem>>, vector<1x16xf32>,
        %get3A_205 = vector.shape_cast %get3A_204 : vector<1x16xf32> to vector<16xf32>
        %add3A_206 = arith.addf %scan3A_198#0, %get3A_205 : vector<16xf32>
        %add3A_207 = arith.addi %mul3A_161, %scan3A_200 : i32
        %get3A_208 = arith.index_cast %add3A_207 : i32 to index
        %get3A_209 = arith.constant 16 : index
        %get3A_210 = tpu.vector_load %arg9[%get3A_208, %get3A_209] {strides = array<i32>} : memref<128x128xf32, #tpu.memory_space<vmem>>, vector<1x16xf32>,
        %get3A_211 = vector.shape_cast %get3A_210 : vector<1x16xf32> to vector<16xf32>
        %add3A_212 = arith.addf %scan3A_198#1, %get3A_211 : vector<16xf32>
        %add3A_213 = arith.addi %mul3A_161, %scan3A_200 : i32
        %get3A_214 = arith.index_cast %add3A_213 : i32 to index
        %get3A_215 = arith.constant 32 : index
        %get3A_216 = tpu.vector_load %arg9[%get3A_214, %get3A_215] {strides = array<i32>} : memref<128x128xf32, #tpu.memory_space<vmem>>, vector<1x16xf32>,
        %get3A_217 = vector.shape_cast %get3A_216 : vector<1x16xf32> to vector<16xf32>
        %add3A_218 = arith.addf %scan3A_198#2, %get3A_217 : vector<16xf32>
        %add3A_219 = arith.addi %mul3A_161, %scan3A_200 : i32
        %get3A_220 = arith.index_cast %add3A_219 : i32 to index
        %get3A_221 = arith.constant 48 : index
        %get3A_222 = tpu.vector_load %arg9[%get3A_220, %get3A_221] {strides = array<i32>} : memref<128x128xf32, #tpu.memory_space<vmem>>, vector<1x16xf32>,
        %get3A_223 = vector.shape_cast %get3A_222 : vector<1x16xf32> to vector<16xf32>
        %add3A_224 = arith.addf %scan3A_198#3, %get3A_223 : vector<16xf32>
        %add3A_225 = arith.addi %mul3A_161, %scan3A_200 : i32
        %get3A_226 = arith.index_cast %add3A_225 : i32 to index
        %get3A_227 = arith.constant 64 : index
        %get3A_228 = tpu.vector_load %arg9[%get3A_226, %get3A_227] {strides = array<i32>} : memref<128x128xf32, #tpu.memory_space<vmem>>, vector<1x16xf32>,
        %get3A_229 = vector.shape_cast %get3A_228 : vector<1x16xf32> to vector<16xf32>
        %add3A_230 = arith.addf %scan3A_198#4, %get3A_229 : vector<16xf32>
        %add3A_231 = arith.addi %mul3A_161, %scan3A_200 : i32
        %get3A_232 = arith.index_cast %add3A_231 : i32 to index
        %get3A_233 = arith.constant 80 : index
        %get3A_234 = tpu.vector_load %arg9[%get3A_232, %get3A_233] {strides = array<i32>} : memref<128x128xf32, #tpu.memory_space<vmem>>, vector<1x16xf32>,
        %get3A_235 = vector.shape_cast %get3A_234 : vector<1x16xf32> to vector<16xf32>
        %add3A_236 = arith.addf %scan3A_198#5, %get3A_235 : vector<16xf32>
        %add3A_237 = arith.addi %mul3A_161, %scan3A_200 : i32
        %get3A_238 = arith.index_cast %add3A_237 : i32 to index
        %get3A_239 = arith.constant 96 : index
        %get3A_240 = tpu.vector_load %arg9[%get3A_238, %get3A_239] {strides = array<i32>} : memref<128x128xf32, #tpu.memory_space<vmem>>, vector<1x16xf32>,
        %get3A_241 = vector.shape_cast %get3A_240 : vector<1x16xf32> to vector<16xf32>
        %add3A_242 = arith.addf %scan3A_198#6, %get3A_241 : vector<16xf32>
        %add3A_243 = arith.addi %mul3A_161, %scan3A_200 : i32
        %get3A_244 = arith.index_cast %add3A_243 : i32 to index
        %get3A_245 = arith.constant 112 : index
        %get3A_246 = tpu.vector_load %arg9[%get3A_244, %get3A_245] {strides = array<i32>} : memref<128x128xf32, #tpu.memory_space<vmem>>, vector<1x16xf32>,
        %get3A_247 = vector.shape_cast %get3A_246 : vector<1x16xf32> to vector<16xf32>
        %add3A_248 = arith.addf %scan3A_198#7, %get3A_247 : vector<16xf32>
        %scan3A_249 = arith.constant 29 : i32
        %scan3A_250 = arith.addi %scan3A_194, %scan3A_249 : i32
        %add3A_251 = arith.addi %mul3A_161, %scan3A_250 : i32
        %get3A_252 = arith.index_cast %add3A_251 : i32 to index
        %get3A_253 = arith.constant 0 : index
        %get3A_254 = tpu.vector_load %arg9[%get3A_252, %get3A_253] {strides = array<i32>} : memref<128x128xf32, #tpu.memory_space<vmem>>, vector<1x16xf32>,
        %get3A_255 = vector.shape_cast %get3A_254 : vector<1x16xf32> to vector<16xf32>
        %add3A_256 = arith.addf %add3A_206, %get3A_255 : vector<16xf32>
        %add3A_257 = arith.addi %mul3A_161, %scan3A_250 : i32
        %get3A_258 = arith.index_cast %add3A_257 : i32 to index
        %get3A_259 = arith.constant 16 : index
        %get3A_260 = tpu.vector_load %arg9[%get3A_258, %get3A_259] {strides = array<i32>} : memref<128x128xf32, #tpu.memory_space<vmem>>, vector<1x16xf32>,
        %get3A_261 = vector.shape_cast %get3A_260 : vector<1x16xf32> to vector<16xf32>
        %add3A_262 = arith.addf %add3A_212, %get3A_261 : vector<16xf32>
        %add3A_263 = arith.addi %mul3A_161, %scan3A_250 : i32
        %get3A_264 = arith.index_cast %add3A_263 : i32 to index
        %get3A_265 = arith.constant 32 : index
        %get3A_266 = tpu.vector_load %arg9[%get3A_264, %get3A_265] {strides = array<i32>} : memref<128x128xf32, #tpu.memory_space<vmem>>, vector<1x16xf32>,
        %get3A_267 = vector.shape_cast %get3A_266 : vector<1x16xf32> to vector<16xf32>
        %add3A_268 = arith.addf %add3A_218, %get3A_267 : vector<16xf32>
        %add3A_269 = arith.addi %mul3A_161, %scan3A_250 : i32
        %get3A_270 = arith.index_cast %add3A_269 : i32 to index
        %get3A_271 = arith.constant 48 : index
        %get3A_272 = tpu.vector_load %arg9[%get3A_270, %get3A_271] {strides = array<i32>} : memref<128x128xf32, #tpu.memory_space<vmem>>, vector<1x16xf32>,
        %get3A_273 = vector.shape_cast %get3A_272 : vector<1x16xf32> to vector<16xf32>
        %add3A_274 = arith.addf %add3A_224, %get3A_273 : vector<16xf32>
        %add3A_275 = arith.addi %mul3A_161, %scan3A_250 : i32
        %get3A_276 = arith.index_cast %add3A_275 : i32 to index
        %get3A_277 = arith.constant 64 : index
        %get3A_278 = tpu.vector_load %arg9[%get3A_276, %get3A_277] {strides = array<i32>} : memref<128x128xf32, #tpu.memory_space<vmem>>, vector<1x16xf32>,
        %get3A_279 = vector.shape_cast %get3A_278 : vector<1x16xf32> to vector<16xf32>
        %add3A_280 = arith.addf %add3A_230, %get3A_279 : vector<16xf32>
        %add3A_281 = arith.addi %mul3A_161, %scan3A_250 : i32
        %get3A_282 = arith.index_cast %add3A_281 : i32 to index
        %get3A_283 = arith.constant 80 : index
        %get3A_284 = tpu.vector_load %arg9[%get3A_282, %get3A_283] {strides = array<i32>} : memref<128x128xf32, #tpu.memory_space<vmem>>, vector<1x16xf32>,
        %get3A_285 = vector.shape_cast %get3A_284 : vector<1x16xf32> to vector<16xf32>
        %add3A_286 = arith.addf %add3A_236, %get3A_285 : vector<16xf32>
        %add3A_287 = arith.addi %mul3A_161, %scan3A_250 : i32
        %get3A_288 = arith.index_cast %add3A_287 : i32 to index
        %get3A_289 = arith.constant 96 : index
        %get3A_290 = tpu.vector_load %arg9[%get3A_288, %get3A_289] {strides = array<i32>} : memref<128x128xf32, #tpu.memory_space<vmem>>, vector<1x16xf32>,
        %get3A_291 = vector.shape_cast %get3A_290 : vector<1x16xf32> to vector<16xf32>
        %add3A_292 = arith.addf %add3A_242, %get3A_291 : vector<16xf32>
        %add3A_293 = arith.addi %mul3A_161, %scan3A_250 : i32
        %get3A_294 = arith.index_cast %add3A_293 : i32 to index
        %get3A_295 = arith.constant 112 : index
        %get3A_296 = tpu.vector_load %arg9[%get3A_294, %get3A_295] {strides = array<i32>} : memref<128x128xf32, #tpu.memory_space<vmem>>, vector<1x16xf32>,
        %get3A_297 = vector.shape_cast %get3A_296 : vector<1x16xf32> to vector<16xf32>
        %add3A_298 = arith.addf %add3A_248, %get3A_297 : vector<16xf32>
        %scan3A_299 = arith.constant 30 : i32
        %scan3A_300 = arith.addi %scan3A_194, %scan3A_299 : i32
        %add3A_301 = arith.addi %mul3A_161, %scan3A_300 : i32
        %get3A_302 = arith.index_cast %add3A_301 : i32 to index
        %get3A_303 = arith.constant 0 : index
        %get3A_304 = tpu.vector_load %arg9[%get3A_302, %get3A_303] {strides = array<i32>} : memref<128x128xf32, #tpu.memory_space<vmem>>, vector<1x16xf32>,
        %get3A_305 = vector.shape_cast %get3A_304 : vector<1x16xf32> to vector<16xf32>
        %add3A_306 = arith.addf %add3A_256, %get3A_305 : vector<16xf32>
        %add3A_307 = arith.addi %mul3A_161, %scan3A_300 : i32
        %get3A_308 = arith.index_cast %add3A_307 : i32 to index
        %get3A_309 = arith.constant 16 : index
        %get3A_310 = tpu.vector_load %arg9[%get3A_308, %get3A_309] {strides = array<i32>} : memref<128x128xf32, #tpu.memory_space<vmem>>, vector<1x16xf32>,
        %get3A_311 = vector.shape_cast %get3A_310 : vector<1x16xf32> to vector<16xf32>
        %add3A_312 = arith.addf %add3A_262, %get3A_311 : vector<16xf32>
        %add3A_313 = arith.addi %mul3A_161, %scan3A_300 : i32
        %get3A_314 = arith.index_cast %add3A_313 : i32 to index
        %get3A_315 = arith.constant 32 : index
        %get3A_316 = tpu.vector_load %arg9[%get3A_314, %get3A_315] {strides = array<i32>} : memref<128x128xf32, #tpu.memory_space<vmem>>, vector<1x16xf32>,
        %get3A_317 = vector.shape_cast %get3A_316 : vector<1x16xf32> to vector<16xf32>
        %add3A_318 = arith.addf %add3A_268, %get3A_317 : vector<16xf32>
        %add3A_319 = arith.addi %mul3A_161, %scan3A_300 : i32
        %get3A_320 = arith.index_cast %add3A_319 : i32 to index
        %get3A_321 = arith.constant 48 : index
        %get3A_322 = tpu.vector_load %arg9[%get3A_320, %get3A_321] {strides = array<i32>} : memref<128x128xf32, #tpu.memory_space<vmem>>, vector<1x16xf32>,
        %get3A_323 = vector.shape_cast %get3A_322 : vector<1x16xf32> to vector<16xf32>
        %add3A_324 = arith.addf %add3A_274, %get3A_323 : vector<16xf32>
        %add3A_325 = arith.addi %mul3A_161, %scan3A_300 : i32
        %get3A_326 = arith.index_cast %add3A_325 : i32 to index
        %get3A_327 = arith.constant 64 : index
        %get3A_328 = tpu.vector_load %arg9[%get3A_326, %get3A_327] {strides = array<i32>} : memref<128x128xf32, #tpu.memory_space<vmem>>, vector<1x16xf32>,
        %get3A_329 = vector.shape_cast %get3A_328 : vector<1x16xf32> to vector<16xf32>
        %add3A_330 = arith.addf %add3A_280, %get3A_329 : vector<16xf32>
        %add3A_331 = arith.addi %mul3A_161, %scan3A_300 : i32
        %get3A_332 = arith.index_cast %add3A_331 : i32 to index
        %get3A_333 = arith.constant 80 : index
        %get3A_334 = tpu.vector_load %arg9[%get3A_332, %get3A_333] {strides = array<i32>} : memref<128x128xf32, #tpu.memory_space<vmem>>, vector<1x16xf32>,
        %get3A_335 = vector.shape_cast %get3A_334 : vector<1x16xf32> to vector<16xf32>
        %add3A_336 = arith.addf %add3A_286, %get3A_335 : vector<16xf32>
        %add3A_337 = arith.addi %mul3A_161, %scan3A_300 : i32
        %get3A_338 = arith.index_cast %add3A_337 : i32 to index
        %get3A_339 = arith.constant 96 : index
        %get3A_340 = tpu.vector_load %arg9[%get3A_338, %get3A_339] {strides = array<i32>} : memref<128x128xf32, #tpu.memory_space<vmem>>, vector<1x16xf32>,
        %get3A_341 = vector.shape_cast %get3A_340 : vector<1x16xf32> to vector<16xf32>
        %add3A_342 = arith.addf %add3A_292, %get3A_341 : vector<16xf32>
        %add3A_343 = arith.addi %mul3A_161, %scan3A_300 : i32
        %get3A_344 = arith.index_cast %add3A_343 : i32 to index
        %get3A_345 = arith.constant 112 : index
        %get3A_346 = tpu.vector_load %arg9[%get3A_344, %get3A_345] {strides = array<i32>} : memref<128x128xf32, #tpu.memory_space<vmem>>, vector<1x16xf32>,
        %get3A_347 = vector.shape_cast %get3A_346 : vector<1x16xf32> to vector<16xf32>
        %add3A_348 = arith.addf %add3A_298, %get3A_347 : vector<16xf32>
        %scan3A_349 = arith.constant 31 : i32
        %mul3A_350 = arith.mulf %add3A_306, %get3A_114 : vector<16xf32>
        %add3A_351 = arith.constant 0 : i32
        %add3A_352 = arith.addi %add3A_351, %scan3A_159 : i32
        %swap3A = arith.index_cast %add3A_352 : i32 to index
        %swap3A_353 = arith.constant 0 : index
        %swap3A_354 = tpu.vector_load %arg12[%swap3A, %swap3A_353] {strides = array<i32>} : memref<8x128xf32, #tpu.memory_space<vmem>>, vector<1x16xf32>,
        %swap3A_355 = vector.shape_cast %swap3A_354 : vector<1x16xf32> to vector<16xf32>
        %swap3A_356 = vector.shape_cast %mul3A_350 : vector<16xf32> to vector<1x16xf32>
        tpu.vector_store %arg12[%swap3A, %swap3A_353], %swap3A_356 {strides = array<i32>} : memref<8x128xf32, #tpu.memory_space<vmem>>, vector<1x16xf32>,
        %mul3A_357 = arith.mulf %add3A_312, %get3A_114 : vector<16xf32>
        %add3A_358 = arith.constant 0 : i32
        %add3A_359 = arith.addi %add3A_358, %scan3A_159 : i32
        %swap3A_360 = arith.index_cast %add3A_359 : i32 to index
        %swap3A_361 = arith.constant 16 : index
        %swap3A_362 = tpu.vector_load %arg12[%swap3A_360, %swap3A_361] {strides = array<i32>} : memref<8x128xf32, #tpu.memory_space<vmem>>, vector<1x16xf32>,
        %swap3A_363 = vector.shape_cast %swap3A_362 : vector<1x16xf32> to vector<16xf32>
        %swap3A_364 = vector.shape_cast %mul3A_357 : vector<16xf32> to vector<1x16xf32>
        tpu.vector_store %arg12[%swap3A_360, %swap3A_361], %swap3A_364 {strides = array<i32>} : memref<8x128xf32, #tpu.memory_space<vmem>>, vector<1x16xf32>,
        %mul3A_365 = arith.mulf %add3A_318, %get3A_114 : vector<16xf32>
        %add3A_366 = arith.constant 0 : i32
        %add3A_367 = arith.addi %add3A_366, %scan3A_159 : i32
        %swap3A_368 = arith.index_cast %add3A_367 : i32 to index
        %swap3A_369 = arith.constant 32 : index
        %swap3A_370 = tpu.vector_load %arg12[%swap3A_368, %swap3A_369] {strides = array<i32>} : memref<8x128xf32, #tpu.memory_space<vmem>>, vector<1x16xf32>,
        %swap3A_371 = vector.shape_cast %swap3A_370 : vector<1x16xf32> to vector<16xf32>
        %swap3A_372 = vector.shape_cast %mul3A_365 : vector<16xf32> to vector<1x16xf32>
        tpu.vector_store %arg12[%swap3A_368, %swap3A_369], %swap3A_372 {strides = array<i32>} : memref<8x128xf32, #tpu.memory_space<vmem>>, vector<1x16xf32>,
        %mul3A_373 = arith.mulf %add3A_324, %get3A_114 : vector<16xf32>
        %add3A_374 = arith.constant 0 : i32
        %add3A_375 = arith.addi %add3A_374, %scan3A_159 : i32
        %swap3A_376 = arith.index_cast %add3A_375 : i32 to index
        %swap3A_377 = arith.constant 48 : index
        %swap3A_378 = tpu.vector_load %arg12[%swap3A_376, %swap3A_377] {strides = array<i32>} : memref<8x128xf32, #tpu.memory_space<vmem>>, vector<1x16xf32>,
        %swap3A_379 = vector.shape_cast %swap3A_378 : vector<1x16xf32> to vector<16xf32>
        %swap3A_380 = vector.shape_cast %mul3A_373 : vector<16xf32> to vector<1x16xf32>
        tpu.vector_store %arg12[%swap3A_376, %swap3A_377], %swap3A_380 {strides = array<i32>} : memref<8x128xf32, #tpu.memory_space<vmem>>, vector<1x16xf32>,
        %mul3A_381 = arith.mulf %add3A_330, %get3A_114 : vector<16xf32>
        %add3A_382 = arith.constant 0 : i32
        %add3A_383 = arith.addi %add3A_382, %scan3A_159 : i32
        %swap3A_384 = arith.index_cast %add3A_383 : i32 to index
        %swap3A_385 = arith.constant 64 : index
        %swap3A_386 = tpu.vector_load %arg12[%swap3A_384, %swap3A_385] {strides = array<i32>} : memref<8x128xf32, #tpu.memory_space<vmem>>, vector<1x16xf32>,
        %swap3A_387 = vector.shape_cast %swap3A_386 : vector<1x16xf32> to vector<16xf32>
        %swap3A_388 = vector.shape_cast %mul3A_381 : vector<16xf32> to vector<1x16xf32>
        tpu.vector_store %arg12[%swap3A_384, %swap3A_385], %swap3A_388 {strides = array<i32>} : memref<8x128xf32, #tpu.memory_space<vmem>>, vector<1x16xf32>,
        %mul3A_389 = arith.mulf %add3A_336, %get3A_114 : vector<16xf32>
        %add3A_390 = arith.constant 0 : i32
        %add3A_391 = arith.addi %add3A_390, %scan3A_159 : i32
        %swap3A_392 = arith.index_cast %add3A_391 : i32 to index
        %swap3A_393 = arith.constant 80 : index
        %swap3A_394 = tpu.vector_load %arg12[%swap3A_392, %swap3A_393] {strides = array<i32>} : memref<8x128xf32, #tpu.memory_space<vmem>>, vector<1x16xf32>,
        %swap3A_395 = vector.shape_cast %swap3A_394 : vector<1x16xf32> to vector<16xf32>
        %swap3A_396 = vector.shape_cast %mul3A_389 : vector<16xf32> to vector<1x16xf32>
        tpu.vector_store %arg12[%swap3A_392, %swap3A_393], %swap3A_396 {strides = array<i32>} : memref<8x128xf32, #tpu.memory_space<vmem>>, vector<1x16xf32>,
        %mul3A_397 = arith.mulf %add3A_342, %get3A_114 : vector<16xf32>
        %add3A_398 = arith.constant 0 : i32
        %add3A_399 = arith.addi %add3A_398, %scan3A_159 : i32
        %swap3A_400 = arith.index_cast %add3A_399 : i32 to index
        %swap3A_401 = arith.constant 96 : index
        %swap3A_402 = tpu.vector_load %arg12[%swap3A_400, %swap3A_401] {strides = array<i32>} : memref<8x128xf32, #tpu.memory_space<vmem>>, vector<1x16xf32>,
        %swap3A_403 = vector.shape_cast %swap3A_402 : vector<1x16xf32> to vector<16xf32>
        %swap3A_404 = vector.shape_cast %mul3A_397 : vector<16xf32> to vector<1x16xf32>
        tpu.vector_store %arg12[%swap3A_400, %swap3A_401], %swap3A_404 {strides = array<i32>} : memref<8x128xf32, #tpu.memory_space<vmem>>, vector<1x16xf32>,
        %mul3A_405 = arith.mulf %add3A_348, %get3A_114 : vector<16xf32>
        %add3A_406 = arith.constant 0 : i32
        %add3A_407 = arith.addi %add3A_406, %scan3A_159 : i32
        %swap3A_408 = arith.index_cast %add3A_407 : i32 to index
        %swap3A_409 = arith.constant 112 : index
        %swap3A_410 = tpu.vector_load %arg12[%swap3A_408, %swap3A_409] {strides = array<i32>} : memref<8x128xf32, #tpu.memory_space<vmem>>, vector<1x16xf32>,
        %swap3A_411 = vector.shape_cast %swap3A_410 : vector<1x16xf32> to vector<16xf32>
        %swap3A_412 = vector.shape_cast %mul3A_405 : vector<16xf32> to vector<1x16xf32>
        tpu.vector_store %arg12[%swap3A_408, %swap3A_409], %swap3A_412 {strides = array<i32>} : memref<8x128xf32, #tpu.memory_space<vmem>>, vector<1x16xf32>,
      }
      %scan3A_120 = arith.constant 4 : i32
      %add3A_121 = arith.constant 4 : i32
      %add3A_122 = arith.addi %add3A_100, %add3A_121 : i32
      %lt3A_123 = arith.constant 80 : i32
      %lt3A_124 = arith.cmpi slt, %add3A_122, %lt3A_123 : i32
      %convert_element_type3A_125 = arith.extui %lt3A_124 : i1 to i32
      %cond3A_126 = arith.constant 0 : i32
      %cond3A_127 = arith.cmpi ne, %convert_element_type3A_125, %cond3A_126 : i32
      scf.if %cond3A_127 {
        %add3A_159 = arith.constant 4 : i32
        %add3A_160 = arith.addi %add3A_100, %add3A_159 : i32
        %mul3A_161 = arith.constant 128 : i32
        %mul3A_162 = arith.muli %add3A_160, %mul3A_161 : i32
        %dma_start3A_163 = tpu.memref_slice %arg6[%mul3A_162] : memref<10240xi32, #tpu.memory_space<vmem>> -> memref<128xi32, #tpu.memory_space<vmem>>
        %dma_start3A_164 = arith.constant 0 : i32
        %dma_start3A_165 = arith.constant 0 : i32
        %dma_start3A_166 = tpu.memref_slice %arg2[%dma_start3A_164, %dma_start3A_165] : memref<10000x128xf32, #tpu.memory_space<hbm>> -> memref<10000x128xf32, #tpu.memory_space<hbm>>
        tpu.enqueue_indirect_dma source(%dma_start3A_166 : memref<10000x128xf32, #tpu.memory_space<hbm>>) target(%arg9 : memref<128x128xf32, #tpu.memory_space<vmem>>) offsets(%dma_start3A_163 : memref<128xi32, #tpu.memory_space<vmem>>) semaphore(%arg16 : memref<!tpu.dma_semaphore, #tpu.memory_space<semaphore_mem>>)
      } else {
      }
      %add3A_128 = arith.constant 1 : i32
      %add3A_129 = arith.addi %add3A_100, %add3A_128 : i32
      %mul3A_130 = arith.constant 128 : i32
      %mul3A_131 = arith.muli %add3A_129, %mul3A_130 : i32
      %dma_wait3A_132 = tpu.memref_slice %arg6[%mul3A_131] : memref<10240xi32, #tpu.memory_space<vmem>> -> memref<128xi32, #tpu.memory_space<vmem>>
      %dma_wait3A_133 = arith.constant 0 : i32
      %dma_wait3A_134 = arith.constant 0 : i32
      %dma_wait3A_135 = tpu.memref_slice %arg2[%dma_wait3A_133, %dma_wait3A_134] : memref<10000x128xf32, #tpu.memory_space<hbm>> -> memref<10000x128xf32, #tpu.memory_space<hbm>>
      tpu.wait_indirect_dma semaphore(%arg17 : memref<!tpu.dma_semaphore, #tpu.memory_space<semaphore_mem>>) src(%dma_wait3A_135 : memref<10000x128xf32, #tpu.memory_space<hbm>>) dst(%arg10 : memref<128x128xf32, #tpu.memory_space<vmem>>)
      %get3A_136 = arith.constant 0 : index
      %get3A_137 = tpu.vector_load %arg13[%get3A_136] {strides = array<i32>} : memref<16xf32, #tpu.memory_space<vmem>>, vector<16xf32>,
      %get3A_138 = vector.shape_cast %get3A_137 : vector<16xf32> to vector<16xf32>
      %scan3A_139 = arith.constant 0 : i32
      %scan3A_140 = arith.constant 0 : i32
      %scan3A_141 = arith.constant 4 : i32
      %scan3A_142 = arith.addi %scan3A_140, %scan3A_141 : i32
      %scan3A_143 = arith.constant 1 : i32
      scf.for %scan3A_159 = %scan3A_140 to %scan3A_142 step %scan3A_143  : i32 {
        %mul3A_160 = arith.constant 32 : i32
        %mul3A_161 = arith.muli %scan3A_159, %mul3A_160 : i32
        %get3A_162 = arith.index_cast %mul3A_161 : i32 to index
        %get3A_163 = arith.constant 0 : index
        %get3A_164 = tpu.vector_load %arg10[%get3A_162, %get3A_163] {strides = array<i32>} : memref<128x128xf32, #tpu.memory_space<vmem>>, vector<1x16xf32>,
        %get3A_165 = vector.shape_cast %get3A_164 : vector<1x16xf32> to vector<16xf32>
        %get3A_166 = arith.index_cast %mul3A_161 : i32 to index
        %get3A_167 = arith.constant 16 : index
        %get3A_168 = tpu.vector_load %arg10[%get3A_166, %get3A_167] {strides = array<i32>} : memref<128x128xf32, #tpu.memory_space<vmem>>, vector<1x16xf32>,
        %get3A_169 = vector.shape_cast %get3A_168 : vector<1x16xf32> to vector<16xf32>
        %get3A_170 = arith.index_cast %mul3A_161 : i32 to index
        %get3A_171 = arith.constant 32 : index
        %get3A_172 = tpu.vector_load %arg10[%get3A_170, %get3A_171] {strides = array<i32>} : memref<128x128xf32, #tpu.memory_space<vmem>>, vector<1x16xf32>,
        %get3A_173 = vector.shape_cast %get3A_172 : vector<1x16xf32> to vector<16xf32>
        %get3A_174 = arith.index_cast %mul3A_161 : i32 to index
        %get3A_175 = arith.constant 48 : index
        %get3A_176 = tpu.vector_load %arg10[%get3A_174, %get3A_175] {strides = array<i32>} : memref<128x128xf32, #tpu.memory_space<vmem>>, vector<1x16xf32>,
        %get3A_177 = vector.shape_cast %get3A_176 : vector<1x16xf32> to vector<16xf32>
        %get3A_178 = arith.index_cast %mul3A_161 : i32 to index
        %get3A_179 = arith.constant 64 : index
        %get3A_180 = tpu.vector_load %arg10[%get3A_178, %get3A_179] {strides = array<i32>} : memref<128x128xf32, #tpu.memory_space<vmem>>, vector<1x16xf32>,
        %get3A_181 = vector.shape_cast %get3A_180 : vector<1x16xf32> to vector<16xf32>
        %get3A_182 = arith.index_cast %mul3A_161 : i32 to index
        %get3A_183 = arith.constant 80 : index
        %get3A_184 = tpu.vector_load %arg10[%get3A_182, %get3A_183] {strides = array<i32>} : memref<128x128xf32, #tpu.memory_space<vmem>>, vector<1x16xf32>,
        %get3A_185 = vector.shape_cast %get3A_184 : vector<1x16xf32> to vector<16xf32>
        %get3A_186 = arith.index_cast %mul3A_161 : i32 to index
        %get3A_187 = arith.constant 96 : index
        %get3A_188 = tpu.vector_load %arg10[%get3A_186, %get3A_187] {strides = array<i32>} : memref<128x128xf32, #tpu.memory_space<vmem>>, vector<1x16xf32>,
        %get3A_189 = vector.shape_cast %get3A_188 : vector<1x16xf32> to vector<16xf32>
        %get3A_190 = arith.index_cast %mul3A_161 : i32 to index
        %get3A_191 = arith.constant 112 : index
        %get3A_192 = tpu.vector_load %arg10[%get3A_190, %get3A_191] {strides = array<i32>} : memref<128x128xf32, #tpu.memory_space<vmem>>, vector<1x16xf32>,
        %get3A_193 = vector.shape_cast %get3A_192 : vector<1x16xf32> to vector<16xf32>
        %scan3A_194 = arith.constant 1 : i32
        %scan3A_195 = arith.constant 28 : i32
        %scan3A_196 = arith.addi %scan3A_194, %scan3A_195 : i32
        %scan3A_197 = arith.constant 4 : i32
        %scan3A_198:8 = scf.for %scan3A_413 = %scan3A_194 to %scan3A_196 step %scan3A_197 iter_args(%scan3A_414 = %get3A_165, %scan3A_415 = %get3A_169, %scan3A_416 = %get3A_173, %scan3A_417 = %get3A_177, %scan3A_418 = %get3A_181, %scan3A_419 = %get3A_185, %scan3A_420 = %get3A_189, %scan3A_421 = %get3A_193) -> (vector<16xf32>, vector<16xf32>, vector<16xf32>, vector<16xf32>, vector<16xf32>, vector<16xf32>, vector<16xf32>, vector<16xf32>)  : i32 {
          %add3A_422 = arith.addi %mul3A_161, %scan3A_413 : i32
          %get3A_423 = arith.index_cast %add3A_422 : i32 to index
          %get3A_424 = arith.constant 0 : index
          %get3A_425 = tpu.vector_load %arg10[%get3A_423, %get3A_424] {strides = array<i32>} : memref<128x128xf32, #tpu.memory_space<vmem>>, vector<1x16xf32>,
          %get3A_426 = vector.shape_cast %get3A_425 : vector<1x16xf32> to vector<16xf32>
          %add3A_427 = arith.addf %scan3A_414, %get3A_426 : vector<16xf32>
          %add3A_428 = arith.addi %mul3A_161, %scan3A_413 : i32
          %get3A_429 = arith.index_cast %add3A_428 : i32 to index
          %get3A_430 = arith.constant 16 : index
          %get3A_431 = tpu.vector_load %arg10[%get3A_429, %get3A_430] {strides = array<i32>} : memref<128x128xf32, #tpu.memory_space<vmem>>, vector<1x16xf32>,
          %get3A_432 = vector.shape_cast %get3A_431 : vector<1x16xf32> to vector<16xf32>
          %add3A_433 = arith.addf %scan3A_415, %get3A_432 : vector<16xf32>
          %add3A_434 = arith.addi %mul3A_161, %scan3A_413 : i32
          %get3A_435 = arith.index_cast %add3A_434 : i32 to index
          %get3A_436 = arith.constant 32 : index
          %get3A_437 = tpu.vector_load %arg10[%get3A_435, %get3A_436] {strides = array<i32>} : memref<128x128xf32, #tpu.memory_space<vmem>>, vector<1x16xf32>,
          %get3A_438 = vector.shape_cast %get3A_437 : vector<1x16xf32> to vector<16xf32>
          %add3A_439 = arith.addf %scan3A_416, %get3A_438 : vector<16xf32>
          %add3A_440 = arith.addi %mul3A_161, %scan3A_413 : i32
          %get3A_441 = arith.index_cast %add3A_440 : i32 to index
          %get3A_442 = arith.constant 48 : index
          %get3A_443 = tpu.vector_load %arg10[%get3A_441, %get3A_442] {strides = array<i32>} : memref<128x128xf32, #tpu.memory_space<vmem>>, vector<1x16xf32>,
          %get3A_444 = vector.shape_cast %get3A_443 : vector<1x16xf32> to vector<16xf32>
          %add3A_445 = arith.addf %scan3A_417, %get3A_444 : vector<16xf32>
          %add3A_446 = arith.addi %mul3A_161, %scan3A_413 : i32
          %get3A_447 = arith.index_cast %add3A_446 : i32 to index
          %get3A_448 = arith.constant 64 : index
          %get3A_449 = tpu.vector_load %arg10[%get3A_447, %get3A_448] {strides = array<i32>} : memref<128x128xf32, #tpu.memory_space<vmem>>, vector<1x16xf32>,
          %get3A_450 = vector.shape_cast %get3A_449 : vector<1x16xf32> to vector<16xf32>
          %add3A_451 = arith.addf %scan3A_418, %get3A_450 : vector<16xf32>
          %add3A_452 = arith.addi %mul3A_161, %scan3A_413 : i32
          %get3A_453 = arith.index_cast %add3A_452 : i32 to index
          %get3A_454 = arith.constant 80 : index
          %get3A_455 = tpu.vector_load %arg10[%get3A_453, %get3A_454] {strides = array<i32>} : memref<128x128xf32, #tpu.memory_space<vmem>>, vector<1x16xf32>,
          %get3A_456 = vector.shape_cast %get3A_455 : vector<1x16xf32> to vector<16xf32>
          %add3A_457 = arith.addf %scan3A_419, %get3A_456 : vector<16xf32>
          %add3A_458 = arith.addi %mul3A_161, %scan3A_413 : i32
          %get3A_459 = arith.index_cast %add3A_458 : i32 to index
          %get3A_460 = arith.constant 96 : index
          %get3A_461 = tpu.vector_load %arg10[%get3A_459, %get3A_460] {strides = array<i32>} : memref<128x128xf32, #tpu.memory_space<vmem>>, vector<1x16xf32>,
          %get3A_462 = vector.shape_cast %get3A_461 : vector<1x16xf32> to vector<16xf32>
          %add3A_463 = arith.addf %scan3A_420, %get3A_462 : vector<16xf32>
          %add3A_464 = arith.addi %mul3A_161, %scan3A_413 : i32
          %get3A_465 = arith.index_cast %add3A_464 : i32 to index
          %get3A_466 = arith.constant 112 : index
          %get3A_467 = tpu.vector_load %arg10[%get3A_465, %get3A_466] {strides = array<i32>} : memref<128x128xf32, #tpu.memory_space<vmem>>, vector<1x16xf32>,
          %get3A_468 = vector.shape_cast %get3A_467 : vector<1x16xf32> to vector<16xf32>
          %add3A_469 = arith.addf %scan3A_421, %get3A_468 : vector<16xf32>
          %scan3A_470 = arith.constant 1 : i32
          %scan3A_471 = arith.addi %scan3A_413, %scan3A_470 : i32
          %add3A_472 = arith.addi %mul3A_161, %scan3A_471 : i32
          %get3A_473 = arith.index_cast %add3A_472 : i32 to index
          %get3A_474 = arith.constant 0 : index
          %get3A_475 = tpu.vector_load %arg10[%get3A_473, %get3A_474] {strides = array<i32>} : memref<128x128xf32, #tpu.memory_space<vmem>>, vector<1x16xf32>,
          %get3A_476 = vector.shape_cast %get3A_475 : vector<1x16xf32> to vector<16xf32>
          %add3A_477 = arith.addf %add3A_427, %get3A_476 : vector<16xf32>
          %add3A_478 = arith.addi %mul3A_161, %scan3A_471 : i32
          %get3A_479 = arith.index_cast %add3A_478 : i32 to index
          %get3A_480 = arith.constant 16 : index
          %get3A_481 = tpu.vector_load %arg10[%get3A_479, %get3A_480] {strides = array<i32>} : memref<128x128xf32, #tpu.memory_space<vmem>>, vector<1x16xf32>,
          %get3A_482 = vector.shape_cast %get3A_481 : vector<1x16xf32> to vector<16xf32>
          %add3A_483 = arith.addf %add3A_433, %get3A_482 : vector<16xf32>
          %add3A_484 = arith.addi %mul3A_161, %scan3A_471 : i32
          %get3A_485 = arith.index_cast %add3A_484 : i32 to index
          %get3A_486 = arith.constant 32 : index
          %get3A_487 = tpu.vector_load %arg10[%get3A_485, %get3A_486] {strides = array<i32>} : memref<128x128xf32, #tpu.memory_space<vmem>>, vector<1x16xf32>,
          %get3A_488 = vector.shape_cast %get3A_487 : vector<1x16xf32> to vector<16xf32>
          %add3A_489 = arith.addf %add3A_439, %get3A_488 : vector<16xf32>
          %add3A_490 = arith.addi %mul3A_161, %scan3A_471 : i32
          %get3A_491 = arith.index_cast %add3A_490 : i32 to index
          %get3A_492 = arith.constant 48 : index
          %get3A_493 = tpu.vector_load %arg10[%get3A_491, %get3A_492] {strides = array<i32>} : memref<128x128xf32, #tpu.memory_space<vmem>>, vector<1x16xf32>,
          %get3A_494 = vector.shape_cast %get3A_493 : vector<1x16xf32> to vector<16xf32>
          %add3A_495 = arith.addf %add3A_445, %get3A_494 : vector<16xf32>
          %add3A_496 = arith.addi %mul3A_161, %scan3A_471 : i32
          %get3A_497 = arith.index_cast %add3A_496 : i32 to index
          %get3A_498 = arith.constant 64 : index
          %get3A_499 = tpu.vector_load %arg10[%get3A_497, %get3A_498] {strides = array<i32>} : memref<128x128xf32, #tpu.memory_space<vmem>>, vector<1x16xf32>,
          %get3A_500 = vector.shape_cast %get3A_499 : vector<1x16xf32> to vector<16xf32>
          %add3A_501 = arith.addf %add3A_451, %get3A_500 : vector<16xf32>
          %add3A_502 = arith.addi %mul3A_161, %scan3A_471 : i32
          %get3A_503 = arith.index_cast %add3A_502 : i32 to index
          %get3A_504 = arith.constant 80 : index
          %get3A_505 = tpu.vector_load %arg10[%get3A_503, %get3A_504] {strides = array<i32>} : memref<128x128xf32, #tpu.memory_space<vmem>>, vector<1x16xf32>,
          %get3A_506 = vector.shape_cast %get3A_505 : vector<1x16xf32> to vector<16xf32>
          %add3A_507 = arith.addf %add3A_457, %get3A_506 : vector<16xf32>
          %add3A_508 = arith.addi %mul3A_161, %scan3A_471 : i32
          %get3A_509 = arith.index_cast %add3A_508 : i32 to index
          %get3A_510 = arith.constant 96 : index
          %get3A_511 = tpu.vector_load %arg10[%get3A_509, %get3A_510] {strides = array<i32>} : memref<128x128xf32, #tpu.memory_space<vmem>>, vector<1x16xf32>,
          %get3A_512 = vector.shape_cast %get3A_511 : vector<1x16xf32> to vector<16xf32>
          %add3A_513 = arith.addf %add3A_463, %get3A_512 : vector<16xf32>
          %add3A_514 = arith.addi %mul3A_161, %scan3A_471 : i32
          %get3A_515 = arith.index_cast %add3A_514 : i32 to index
          %get3A_516 = arith.constant 112 : index
          %get3A_517 = tpu.vector_load %arg10[%get3A_515, %get3A_516] {strides = array<i32>} : memref<128x128xf32, #tpu.memory_space<vmem>>, vector<1x16xf32>,
          %get3A_518 = vector.shape_cast %get3A_517 : vector<1x16xf32> to vector<16xf32>
          %add3A_519 = arith.addf %add3A_469, %get3A_518 : vector<16xf32>
          %scan3A_520 = arith.constant 2 : i32
          %scan3A_521 = arith.addi %scan3A_413, %scan3A_520 : i32
          %add3A_522 = arith.addi %mul3A_161, %scan3A_521 : i32
          %get3A_523 = arith.index_cast %add3A_522 : i32 to index
          %get3A_524 = arith.constant 0 : index
          %get3A_525 = tpu.vector_load %arg10[%get3A_523, %get3A_524] {strides = array<i32>} : memref<128x128xf32, #tpu.memory_space<vmem>>, vector<1x16xf32>,
          %get3A_526 = vector.shape_cast %get3A_525 : vector<1x16xf32> to vector<16xf32>
          %add3A_527 = arith.addf %add3A_477, %get3A_526 : vector<16xf32>
          %add3A_528 = arith.addi %mul3A_161, %scan3A_521 : i32
          %get3A_529 = arith.index_cast %add3A_528 : i32 to index
          %get3A_530 = arith.constant 16 : index
          %get3A_531 = tpu.vector_load %arg10[%get3A_529, %get3A_530] {strides = array<i32>} : memref<128x128xf32, #tpu.memory_space<vmem>>, vector<1x16xf32>,
          %get3A_532 = vector.shape_cast %get3A_531 : vector<1x16xf32> to vector<16xf32>
          %add3A_533 = arith.addf %add3A_483, %get3A_532 : vector<16xf32>
          %add3A_534 = arith.addi %mul3A_161, %scan3A_521 : i32
          %get3A_535 = arith.index_cast %add3A_534 : i32 to index
          %get3A_536 = arith.constant 32 : index
          %get3A_537 = tpu.vector_load %arg10[%get3A_535, %get3A_536] {strides = array<i32>} : memref<128x128xf32, #tpu.memory_space<vmem>>, vector<1x16xf32>,
          %get3A_538 = vector.shape_cast %get3A_537 : vector<1x16xf32> to vector<16xf32>
          %add3A_539 = arith.addf %add3A_489, %get3A_538 : vector<16xf32>
          %add3A_540 = arith.addi %mul3A_161, %scan3A_521 : i32
          %get3A_541 = arith.index_cast %add3A_540 : i32 to index
          %get3A_542 = arith.constant 48 : index
          %get3A_543 = tpu.vector_load %arg10[%get3A_541, %get3A_542] {strides = array<i32>} : memref<128x128xf32, #tpu.memory_space<vmem>>, vector<1x16xf32>,
          %get3A_544 = vector.shape_cast %get3A_543 : vector<1x16xf32> to vector<16xf32>
          %add3A_545 = arith.addf %add3A_495, %get3A_544 : vector<16xf32>
          %add3A_546 = arith.addi %mul3A_161, %scan3A_521 : i32
          %get3A_547 = arith.index_cast %add3A_546 : i32 to index
          %get3A_548 = arith.constant 64 : index
          %get3A_549 = tpu.vector_load %arg10[%get3A_547, %get3A_548] {strides = array<i32>} : memref<128x128xf32, #tpu.memory_space<vmem>>, vector<1x16xf32>,
          %get3A_550 = vector.shape_cast %get3A_549 : vector<1x16xf32> to vector<16xf32>
          %add3A_551 = arith.addf %add3A_501, %get3A_550 : vector<16xf32>
          %add3A_552 = arith.addi %mul3A_161, %scan3A_521 : i32
          %get3A_553 = arith.index_cast %add3A_552 : i32 to index
          %get3A_554 = arith.constant 80 : index
          %get3A_555 = tpu.vector_load %arg10[%get3A_553, %get3A_554] {strides = array<i32>} : memref<128x128xf32, #tpu.memory_space<vmem>>, vector<1x16xf32>,
          %get3A_556 = vector.shape_cast %get3A_555 : vector<1x16xf32> to vector<16xf32>
          %add3A_557 = arith.addf %add3A_507, %get3A_556 : vector<16xf32>
          %add3A_558 = arith.addi %mul3A_161, %scan3A_521 : i32
          %get3A_559 = arith.index_cast %add3A_558 : i32 to index
          %get3A_560 = arith.constant 96 : index
          %get3A_561 = tpu.vector_load %arg10[%get3A_559, %get3A_560] {strides = array<i32>} : memref<128x128xf32, #tpu.memory_space<vmem>>, vector<1x16xf32>,
          %get3A_562 = vector.shape_cast %get3A_561 : vector<1x16xf32> to vector<16xf32>
          %add3A_563 = arith.addf %add3A_513, %get3A_562 : vector<16xf32>
          %add3A_564 = arith.addi %mul3A_161, %scan3A_521 : i32
          %get3A_565 = arith.index_cast %add3A_564 : i32 to index
          %get3A_566 = arith.constant 112 : index
          %get3A_567 = tpu.vector_load %arg10[%get3A_565, %get3A_566] {strides = array<i32>} : memref<128x128xf32, #tpu.memory_space<vmem>>, vector<1x16xf32>,
          %get3A_568 = vector.shape_cast %get3A_567 : vector<1x16xf32> to vector<16xf32>
          %add3A_569 = arith.addf %add3A_519, %get3A_568 : vector<16xf32>
          %scan3A_570 = arith.constant 3 : i32
          %scan3A_571 = arith.addi %scan3A_413, %scan3A_570 : i32
          %add3A_572 = arith.addi %mul3A_161, %scan3A_571 : i32
          %get3A_573 = arith.index_cast %add3A_572 : i32 to index
          %get3A_574 = arith.constant 0 : index
          %get3A_575 = tpu.vector_load %arg10[%get3A_573, %get3A_574] {strides = array<i32>} : memref<128x128xf32, #tpu.memory_space<vmem>>, vector<1x16xf32>,
          %get3A_576 = vector.shape_cast %get3A_575 : vector<1x16xf32> to vector<16xf32>
          %add3A_577 = arith.addf %add3A_527, %get3A_576 : vector<16xf32>
          %add3A_578 = arith.addi %mul3A_161, %scan3A_571 : i32
          %get3A_579 = arith.index_cast %add3A_578 : i32 to index
          %get3A_580 = arith.constant 16 : index
          %get3A_581 = tpu.vector_load %arg10[%get3A_579, %get3A_580] {strides = array<i32>} : memref<128x128xf32, #tpu.memory_space<vmem>>, vector<1x16xf32>,
          %get3A_582 = vector.shape_cast %get3A_581 : vector<1x16xf32> to vector<16xf32>
          %add3A_583 = arith.addf %add3A_533, %get3A_582 : vector<16xf32>
          %add3A_584 = arith.addi %mul3A_161, %scan3A_571 : i32
          %get3A_585 = arith.index_cast %add3A_584 : i32 to index
          %get3A_586 = arith.constant 32 : index
          %get3A_587 = tpu.vector_load %arg10[%get3A_585, %get3A_586] {strides = array<i32>} : memref<128x128xf32, #tpu.memory_space<vmem>>, vector<1x16xf32>,
          %get3A_588 = vector.shape_cast %get3A_587 : vector<1x16xf32> to vector<16xf32>
          %add3A_589 = arith.addf %add3A_539, %get3A_588 : vector<16xf32>
          %add3A_590 = arith.addi %mul3A_161, %scan3A_571 : i32
          %get3A_591 = arith.index_cast %add3A_590 : i32 to index
          %get3A_592 = arith.constant 48 : index
          %get3A_593 = tpu.vector_load %arg10[%get3A_591, %get3A_592] {strides = array<i32>} : memref<128x128xf32, #tpu.memory_space<vmem>>, vector<1x16xf32>,
          %get3A_594 = vector.shape_cast %get3A_593 : vector<1x16xf32> to vector<16xf32>
          %add3A_595 = arith.addf %add3A_545, %get3A_594 : vector<16xf32>
          %add3A_596 = arith.addi %mul3A_161, %scan3A_571 : i32
          %get3A_597 = arith.index_cast %add3A_596 : i32 to index
          %get3A_598 = arith.constant 64 : index
          %get3A_599 = tpu.vector_load %arg10[%get3A_597, %get3A_598] {strides = array<i32>} : memref<128x128xf32, #tpu.memory_space<vmem>>, vector<1x16xf32>,
          %get3A_600 = vector.shape_cast %get3A_599 : vector<1x16xf32> to vector<16xf32>
          %add3A_601 = arith.addf %add3A_551, %get3A_600 : vector<16xf32>
          %add3A_602 = arith.addi %mul3A_161, %scan3A_571 : i32
          %get3A_603 = arith.index_cast %add3A_602 : i32 to index
          %get3A_604 = arith.constant 80 : index
          %get3A_605 = tpu.vector_load %arg10[%get3A_603, %get3A_604] {strides = array<i32>} : memref<128x128xf32, #tpu.memory_space<vmem>>, vector<1x16xf32>,
          %get3A_606 = vector.shape_cast %get3A_605 : vector<1x16xf32> to vector<16xf32>
          %add3A_607 = arith.addf %add3A_557, %get3A_606 : vector<16xf32>
          %add3A_608 = arith.addi %mul3A_161, %scan3A_571 : i32
          %get3A_609 = arith.index_cast %add3A_608 : i32 to index
          %get3A_610 = arith.constant 96 : index
          %get3A_611 = tpu.vector_load %arg10[%get3A_609, %get3A_610] {strides = array<i32>} : memref<128x128xf32, #tpu.memory_space<vmem>>, vector<1x16xf32>,
          %get3A_612 = vector.shape_cast %get3A_611 : vector<1x16xf32> to vector<16xf32>
          %add3A_613 = arith.addf %add3A_563, %get3A_612 : vector<16xf32>
          %add3A_614 = arith.addi %mul3A_161, %scan3A_571 : i32
          %get3A_615 = arith.index_cast %add3A_614 : i32 to index
          %get3A_616 = arith.constant 112 : index
          %get3A_617 = tpu.vector_load %arg10[%get3A_615, %get3A_616] {strides = array<i32>} : memref<128x128xf32, #tpu.memory_space<vmem>>, vector<1x16xf32>,
          %get3A_618 = vector.shape_cast %get3A_617 : vector<1x16xf32> to vector<16xf32>
          %add3A_619 = arith.addf %add3A_569, %get3A_618 : vector<16xf32>
          scf.yield %add3A_577, %add3A_583, %add3A_589, %add3A_595, %add3A_601, %add3A_607, %add3A_613, %add3A_619 : vector<16xf32>, vector<16xf32>, vector<16xf32>, vector<16xf32>, vector<16xf32>, vector<16xf32>, vector<16xf32>, vector<16xf32>
        }
        %scan3A_199 = arith.constant 28 : i32
        %scan3A_200 = arith.addi %scan3A_194, %scan3A_199 : i32
        %add3A_201 = arith.addi %mul3A_161, %scan3A_200 : i32
        %get3A_202 = arith.index_cast %add3A_201 : i32 to index
        %get3A_203 = arith.constant 0 : index
        %get3A_204 = tpu.vector_load %arg10[%get3A_202, %get3A_203] {strides = array<i32>} : memref<128x128xf32, #tpu.memory_space<vmem>>, vector<1x16xf32>,
        %get3A_205 = vector.shape_cast %get3A_204 : vector<1x16xf32> to vector<16xf32>
        %add3A_206 = arith.addf %scan3A_198#0, %get3A_205 : vector<16xf32>
        %add3A_207 = arith.addi %mul3A_161, %scan3A_200 : i32
        %get3A_208 = arith.index_cast %add3A_207 : i32 to index
        %get3A_209 = arith.constant 16 : index
        %get3A_210 = tpu.vector_load %arg10[%get3A_208, %get3A_209] {strides = array<i32>} : memref<128x128xf32, #tpu.memory_space<vmem>>, vector<1x16xf32>,
        %get3A_211 = vector.shape_cast %get3A_210 : vector<1x16xf32> to vector<16xf32>
        %add3A_212 = arith.addf %scan3A_198#1, %get3A_211 : vector<16xf32>
        %add3A_213 = arith.addi %mul3A_161, %scan3A_200 : i32
        %get3A_214 = arith.index_cast %add3A_213 : i32 to index
        %get3A_215 = arith.constant 32 : index
        %get3A_216 = tpu.vector_load %arg10[%get3A_214, %get3A_215] {strides = array<i32>} : memref<128x128xf32, #tpu.memory_space<vmem>>, vector<1x16xf32>,
        %get3A_217 = vector.shape_cast %get3A_216 : vector<1x16xf32> to vector<16xf32>
        %add3A_218 = arith.addf %scan3A_198#2, %get3A_217 : vector<16xf32>
        %add3A_219 = arith.addi %mul3A_161, %scan3A_200 : i32
        %get3A_220 = arith.index_cast %add3A_219 : i32 to index
        %get3A_221 = arith.constant 48 : index
        %get3A_222 = tpu.vector_load %arg10[%get3A_220, %get3A_221] {strides = array<i32>} : memref<128x128xf32, #tpu.memory_space<vmem>>, vector<1x16xf32>,
        %get3A_223 = vector.shape_cast %get3A_222 : vector<1x16xf32> to vector<16xf32>
        %add3A_224 = arith.addf %scan3A_198#3, %get3A_223 : vector<16xf32>
        %add3A_225 = arith.addi %mul3A_161, %scan3A_200 : i32
        %get3A_226 = arith.index_cast %add3A_225 : i32 to index
        %get3A_227 = arith.constant 64 : index
        %get3A_228 = tpu.vector_load %arg10[%get3A_226, %get3A_227] {strides = array<i32>} : memref<128x128xf32, #tpu.memory_space<vmem>>, vector<1x16xf32>,
        %get3A_229 = vector.shape_cast %get3A_228 : vector<1x16xf32> to vector<16xf32>
        %add3A_230 = arith.addf %scan3A_198#4, %get3A_229 : vector<16xf32>
        %add3A_231 = arith.addi %mul3A_161, %scan3A_200 : i32
        %get3A_232 = arith.index_cast %add3A_231 : i32 to index
        %get3A_233 = arith.constant 80 : index
        %get3A_234 = tpu.vector_load %arg10[%get3A_232, %get3A_233] {strides = array<i32>} : memref<128x128xf32, #tpu.memory_space<vmem>>, vector<1x16xf32>,
        %get3A_235 = vector.shape_cast %get3A_234 : vector<1x16xf32> to vector<16xf32>
        %add3A_236 = arith.addf %scan3A_198#5, %get3A_235 : vector<16xf32>
        %add3A_237 = arith.addi %mul3A_161, %scan3A_200 : i32
        %get3A_238 = arith.index_cast %add3A_237 : i32 to index
        %get3A_239 = arith.constant 96 : index
        %get3A_240 = tpu.vector_load %arg10[%get3A_238, %get3A_239] {strides = array<i32>} : memref<128x128xf32, #tpu.memory_space<vmem>>, vector<1x16xf32>,
        %get3A_241 = vector.shape_cast %get3A_240 : vector<1x16xf32> to vector<16xf32>
        %add3A_242 = arith.addf %scan3A_198#6, %get3A_241 : vector<16xf32>
        %add3A_243 = arith.addi %mul3A_161, %scan3A_200 : i32
        %get3A_244 = arith.index_cast %add3A_243 : i32 to index
        %get3A_245 = arith.constant 112 : index
        %get3A_246 = tpu.vector_load %arg10[%get3A_244, %get3A_245] {strides = array<i32>} : memref<128x128xf32, #tpu.memory_space<vmem>>, vector<1x16xf32>,
        %get3A_247 = vector.shape_cast %get3A_246 : vector<1x16xf32> to vector<16xf32>
        %add3A_248 = arith.addf %scan3A_198#7, %get3A_247 : vector<16xf32>
        %scan3A_249 = arith.constant 29 : i32
        %scan3A_250 = arith.addi %scan3A_194, %scan3A_249 : i32
        %add3A_251 = arith.addi %mul3A_161, %scan3A_250 : i32
        %get3A_252 = arith.index_cast %add3A_251 : i32 to index
        %get3A_253 = arith.constant 0 : index
        %get3A_254 = tpu.vector_load %arg10[%get3A_252, %get3A_253] {strides = array<i32>} : memref<128x128xf32, #tpu.memory_space<vmem>>, vector<1x16xf32>,
        %get3A_255 = vector.shape_cast %get3A_254 : vector<1x16xf32> to vector<16xf32>
        %add3A_256 = arith.addf %add3A_206, %get3A_255 : vector<16xf32>
        %add3A_257 = arith.addi %mul3A_161, %scan3A_250 : i32
        %get3A_258 = arith.index_cast %add3A_257 : i32 to index
        %get3A_259 = arith.constant 16 : index
        %get3A_260 = tpu.vector_load %arg10[%get3A_258, %get3A_259] {strides = array<i32>} : memref<128x128xf32, #tpu.memory_space<vmem>>, vector<1x16xf32>,
        %get3A_261 = vector.shape_cast %get3A_260 : vector<1x16xf32> to vector<16xf32>
        %add3A_262 = arith.addf %add3A_212, %get3A_261 : vector<16xf32>
        %add3A_263 = arith.addi %mul3A_161, %scan3A_250 : i32
        %get3A_264 = arith.index_cast %add3A_263 : i32 to index
        %get3A_265 = arith.constant 32 : index
        %get3A_266 = tpu.vector_load %arg10[%get3A_264, %get3A_265] {strides = array<i32>} : memref<128x128xf32, #tpu.memory_space<vmem>>, vector<1x16xf32>,
        %get3A_267 = vector.shape_cast %get3A_266 : vector<1x16xf32> to vector<16xf32>
        %add3A_268 = arith.addf %add3A_218, %get3A_267 : vector<16xf32>
        %add3A_269 = arith.addi %mul3A_161, %scan3A_250 : i32
        %get3A_270 = arith.index_cast %add3A_269 : i32 to index
        %get3A_271 = arith.constant 48 : index
        %get3A_272 = tpu.vector_load %arg10[%get3A_270, %get3A_271] {strides = array<i32>} : memref<128x128xf32, #tpu.memory_space<vmem>>, vector<1x16xf32>,
        %get3A_273 = vector.shape_cast %get3A_272 : vector<1x16xf32> to vector<16xf32>
        %add3A_274 = arith.addf %add3A_224, %get3A_273 : vector<16xf32>
        %add3A_275 = arith.addi %mul3A_161, %scan3A_250 : i32
        %get3A_276 = arith.index_cast %add3A_275 : i32 to index
        %get3A_277 = arith.constant 64 : index
        %get3A_278 = tpu.vector_load %arg10[%get3A_276, %get3A_277] {strides = array<i32>} : memref<128x128xf32, #tpu.memory_space<vmem>>, vector<1x16xf32>,
        %get3A_279 = vector.shape_cast %get3A_278 : vector<1x16xf32> to vector<16xf32>
        %add3A_280 = arith.addf %add3A_230, %get3A_279 : vector<16xf32>
        %add3A_281 = arith.addi %mul3A_161, %scan3A_250 : i32
        %get3A_282 = arith.index_cast %add3A_281 : i32 to index
        %get3A_283 = arith.constant 80 : index
        %get3A_284 = tpu.vector_load %arg10[%get3A_282, %get3A_283] {strides = array<i32>} : memref<128x128xf32, #tpu.memory_space<vmem>>, vector<1x16xf32>,
        %get3A_285 = vector.shape_cast %get3A_284 : vector<1x16xf32> to vector<16xf32>
        %add3A_286 = arith.addf %add3A_236, %get3A_285 : vector<16xf32>
        %add3A_287 = arith.addi %mul3A_161, %scan3A_250 : i32
        %get3A_288 = arith.index_cast %add3A_287 : i32 to index
        %get3A_289 = arith.constant 96 : index
        %get3A_290 = tpu.vector_load %arg10[%get3A_288, %get3A_289] {strides = array<i32>} : memref<128x128xf32, #tpu.memory_space<vmem>>, vector<1x16xf32>,
        %get3A_291 = vector.shape_cast %get3A_290 : vector<1x16xf32> to vector<16xf32>
        %add3A_292 = arith.addf %add3A_242, %get3A_291 : vector<16xf32>
        %add3A_293 = arith.addi %mul3A_161, %scan3A_250 : i32
        %get3A_294 = arith.index_cast %add3A_293 : i32 to index
        %get3A_295 = arith.constant 112 : index
        %get3A_296 = tpu.vector_load %arg10[%get3A_294, %get3A_295] {strides = array<i32>} : memref<128x128xf32, #tpu.memory_space<vmem>>, vector<1x16xf32>,
        %get3A_297 = vector.shape_cast %get3A_296 : vector<1x16xf32> to vector<16xf32>
        %add3A_298 = arith.addf %add3A_248, %get3A_297 : vector<16xf32>
        %scan3A_299 = arith.constant 30 : i32
        %scan3A_300 = arith.addi %scan3A_194, %scan3A_299 : i32
        %add3A_301 = arith.addi %mul3A_161, %scan3A_300 : i32
        %get3A_302 = arith.index_cast %add3A_301 : i32 to index
        %get3A_303 = arith.constant 0 : index
        %get3A_304 = tpu.vector_load %arg10[%get3A_302, %get3A_303] {strides = array<i32>} : memref<128x128xf32, #tpu.memory_space<vmem>>, vector<1x16xf32>,
        %get3A_305 = vector.shape_cast %get3A_304 : vector<1x16xf32> to vector<16xf32>
        %add3A_306 = arith.addf %add3A_256, %get3A_305 : vector<16xf32>
        %add3A_307 = arith.addi %mul3A_161, %scan3A_300 : i32
        %get3A_308 = arith.index_cast %add3A_307 : i32 to index
        %get3A_309 = arith.constant 16 : index
        %get3A_310 = tpu.vector_load %arg10[%get3A_308, %get3A_309] {strides = array<i32>} : memref<128x128xf32, #tpu.memory_space<vmem>>, vector<1x16xf32>,
        %get3A_311 = vector.shape_cast %get3A_310 : vector<1x16xf32> to vector<16xf32>
        %add3A_312 = arith.addf %add3A_262, %get3A_311 : vector<16xf32>
        %add3A_313 = arith.addi %mul3A_161, %scan3A_300 : i32
        %get3A_314 = arith.index_cast %add3A_313 : i32 to index
        %get3A_315 = arith.constant 32 : index
        %get3A_316 = tpu.vector_load %arg10[%get3A_314, %get3A_315] {strides = array<i32>} : memref<128x128xf32, #tpu.memory_space<vmem>>, vector<1x16xf32>,
        %get3A_317 = vector.shape_cast %get3A_316 : vector<1x16xf32> to vector<16xf32>
        %add3A_318 = arith.addf %add3A_268, %get3A_317 : vector<16xf32>
        %add3A_319 = arith.addi %mul3A_161, %scan3A_300 : i32
        %get3A_320 = arith.index_cast %add3A_319 : i32 to index
        %get3A_321 = arith.constant 48 : index
        %get3A_322 = tpu.vector_load %arg10[%get3A_320, %get3A_321] {strides = array<i32>} : memref<128x128xf32, #tpu.memory_space<vmem>>, vector<1x16xf32>,
        %get3A_323 = vector.shape_cast %get3A_322 : vector<1x16xf32> to vector<16xf32>
        %add3A_324 = arith.addf %add3A_274, %get3A_323 : vector<16xf32>
        %add3A_325 = arith.addi %mul3A_161, %scan3A_300 : i32
        %get3A_326 = arith.index_cast %add3A_325 : i32 to index
        %get3A_327 = arith.constant 64 : index
        %get3A_328 = tpu.vector_load %arg10[%get3A_326, %get3A_327] {strides = array<i32>} : memref<128x128xf32, #tpu.memory_space<vmem>>, vector<1x16xf32>,
        %get3A_329 = vector.shape_cast %get3A_328 : vector<1x16xf32> to vector<16xf32>
        %add3A_330 = arith.addf %add3A_280, %get3A_329 : vector<16xf32>
        %add3A_331 = arith.addi %mul3A_161, %scan3A_300 : i32
        %get3A_332 = arith.index_cast %add3A_331 : i32 to index
        %get3A_333 = arith.constant 80 : index
        %get3A_334 = tpu.vector_load %arg10[%get3A_332, %get3A_333] {strides = array<i32>} : memref<128x128xf32, #tpu.memory_space<vmem>>, vector<1x16xf32>,
        %get3A_335 = vector.shape_cast %get3A_334 : vector<1x16xf32> to vector<16xf32>
        %add3A_336 = arith.addf %add3A_286, %get3A_335 : vector<16xf32>
        %add3A_337 = arith.addi %mul3A_161, %scan3A_300 : i32
        %get3A_338 = arith.index_cast %add3A_337 : i32 to index
        %get3A_339 = arith.constant 96 : index
        %get3A_340 = tpu.vector_load %arg10[%get3A_338, %get3A_339] {strides = array<i32>} : memref<128x128xf32, #tpu.memory_space<vmem>>, vector<1x16xf32>,
        %get3A_341 = vector.shape_cast %get3A_340 : vector<1x16xf32> to vector<16xf32>
        %add3A_342 = arith.addf %add3A_292, %get3A_341 : vector<16xf32>
        %add3A_343 = arith.addi %mul3A_161, %scan3A_300 : i32
        %get3A_344 = arith.index_cast %add3A_343 : i32 to index
        %get3A_345 = arith.constant 112 : index
        %get3A_346 = tpu.vector_load %arg10[%get3A_344, %get3A_345] {strides = array<i32>} : memref<128x128xf32, #tpu.memory_space<vmem>>, vector<1x16xf32>,
        %get3A_347 = vector.shape_cast %get3A_346 : vector<1x16xf32> to vector<16xf32>
        %add3A_348 = arith.addf %add3A_298, %get3A_347 : vector<16xf32>
        %scan3A_349 = arith.constant 31 : i32
        %mul3A_350 = arith.mulf %add3A_306, %get3A_138 : vector<16xf32>
        %add3A_351 = arith.constant 4 : i32
        %add3A_352 = arith.addi %add3A_351, %scan3A_159 : i32
        %swap3A = arith.index_cast %add3A_352 : i32 to index
        %swap3A_353 = arith.constant 0 : index
        %swap3A_354 = tpu.vector_load %arg12[%swap3A, %swap3A_353] {strides = array<i32>} : memref<8x128xf32, #tpu.memory_space<vmem>>, vector<1x16xf32>,
        %swap3A_355 = vector.shape_cast %swap3A_354 : vector<1x16xf32> to vector<16xf32>
        %swap3A_356 = vector.shape_cast %mul3A_350 : vector<16xf32> to vector<1x16xf32>
        tpu.vector_store %arg12[%swap3A, %swap3A_353], %swap3A_356 {strides = array<i32>} : memref<8x128xf32, #tpu.memory_space<vmem>>, vector<1x16xf32>,
        %mul3A_357 = arith.mulf %add3A_312, %get3A_138 : vector<16xf32>
        %add3A_358 = arith.constant 4 : i32
        %add3A_359 = arith.addi %add3A_358, %scan3A_159 : i32
        %swap3A_360 = arith.index_cast %add3A_359 : i32 to index
        %swap3A_361 = arith.constant 16 : index
        %swap3A_362 = tpu.vector_load %arg12[%swap3A_360, %swap3A_361] {strides = array<i32>} : memref<8x128xf32, #tpu.memory_space<vmem>>, vector<1x16xf32>,
        %swap3A_363 = vector.shape_cast %swap3A_362 : vector<1x16xf32> to vector<16xf32>
        %swap3A_364 = vector.shape_cast %mul3A_357 : vector<16xf32> to vector<1x16xf32>
        tpu.vector_store %arg12[%swap3A_360, %swap3A_361], %swap3A_364 {strides = array<i32>} : memref<8x128xf32, #tpu.memory_space<vmem>>, vector<1x16xf32>,
        %mul3A_365 = arith.mulf %add3A_318, %get3A_138 : vector<16xf32>
        %add3A_366 = arith.constant 4 : i32
        %add3A_367 = arith.addi %add3A_366, %scan3A_159 : i32
        %swap3A_368 = arith.index_cast %add3A_367 : i32 to index
        %swap3A_369 = arith.constant 32 : index
        %swap3A_370 = tpu.vector_load %arg12[%swap3A_368, %swap3A_369] {strides = array<i32>} : memref<8x128xf32, #tpu.memory_space<vmem>>, vector<1x16xf32>,
        %swap3A_371 = vector.shape_cast %swap3A_370 : vector<1x16xf32> to vector<16xf32>
        %swap3A_372 = vector.shape_cast %mul3A_365 : vector<16xf32> to vector<1x16xf32>
        tpu.vector_store %arg12[%swap3A_368, %swap3A_369], %swap3A_372 {strides = array<i32>} : memref<8x128xf32, #tpu.memory_space<vmem>>, vector<1x16xf32>,
        %mul3A_373 = arith.mulf %add3A_324, %get3A_138 : vector<16xf32>
        %add3A_374 = arith.constant 4 : i32
        %add3A_375 = arith.addi %add3A_374, %scan3A_159 : i32
        %swap3A_376 = arith.index_cast %add3A_375 : i32 to index
        %swap3A_377 = arith.constant 48 : index
        %swap3A_378 = tpu.vector_load %arg12[%swap3A_376, %swap3A_377] {strides = array<i32>} : memref<8x128xf32, #tpu.memory_space<vmem>>, vector<1x16xf32>,
        %swap3A_379 = vector.shape_cast %swap3A_378 : vector<1x16xf32> to vector<16xf32>
        %swap3A_380 = vector.shape_cast %mul3A_373 : vector<16xf32> to vector<1x16xf32>
        tpu.vector_store %arg12[%swap3A_376, %swap3A_377], %swap3A_380 {strides = array<i32>} : memref<8x128xf32, #tpu.memory_space<vmem>>, vector<1x16xf32>,
        %mul3A_381 = arith.mulf %add3A_330, %get3A_138 : vector<16xf32>
        %add3A_382 = arith.constant 4 : i32
        %add3A_383 = arith.addi %add3A_382, %scan3A_159 : i32
        %swap3A_384 = arith.index_cast %add3A_383 : i32 to index
        %swap3A_385 = arith.constant 64 : index
        %swap3A_386 = tpu.vector_load %arg12[%swap3A_384, %swap3A_385] {strides = array<i32>} : memref<8x128xf32, #tpu.memory_space<vmem>>, vector<1x16xf32>,
        %swap3A_387 = vector.shape_cast %swap3A_386 : vector<1x16xf32> to vector<16xf32>
        %swap3A_388 = vector.shape_cast %mul3A_381 : vector<16xf32> to vector<1x16xf32>
        tpu.vector_store %arg12[%swap3A_384, %swap3A_385], %swap3A_388 {strides = array<i32>} : memref<8x128xf32, #tpu.memory_space<vmem>>, vector<1x16xf32>,
        %mul3A_389 = arith.mulf %add3A_336, %get3A_138 : vector<16xf32>
        %add3A_390 = arith.constant 4 : i32
        %add3A_391 = arith.addi %add3A_390, %scan3A_159 : i32
        %swap3A_392 = arith.index_cast %add3A_391 : i32 to index
        %swap3A_393 = arith.constant 80 : index
        %swap3A_394 = tpu.vector_load %arg12[%swap3A_392, %swap3A_393] {strides = array<i32>} : memref<8x128xf32, #tpu.memory_space<vmem>>, vector<1x16xf32>,
        %swap3A_395 = vector.shape_cast %swap3A_394 : vector<1x16xf32> to vector<16xf32>
        %swap3A_396 = vector.shape_cast %mul3A_389 : vector<16xf32> to vector<1x16xf32>
        tpu.vector_store %arg12[%swap3A_392, %swap3A_393], %swap3A_396 {strides = array<i32>} : memref<8x128xf32, #tpu.memory_space<vmem>>, vector<1x16xf32>,
        %mul3A_397 = arith.mulf %add3A_342, %get3A_138 : vector<16xf32>
        %add3A_398 = arith.constant 4 : i32
        %add3A_399 = arith.addi %add3A_398, %scan3A_159 : i32
        %swap3A_400 = arith.index_cast %add3A_399 : i32 to index
        %swap3A_401 = arith.constant 96 : index
        %swap3A_402 = tpu.vector_load %arg12[%swap3A_400, %swap3A_401] {strides = array<i32>} : memref<8x128xf32, #tpu.memory_space<vmem>>, vector<1x16xf32>,
        %swap3A_403 = vector.shape_cast %swap3A_402 : vector<1x16xf32> to vector<16xf32>
        %swap3A_404 = vector.shape_cast %mul3A_397 : vector<16xf32> to vector<1x16xf32>
        tpu.vector_store %arg12[%swap3A_400, %swap3A_401], %swap3A_404 {strides = array<i32>} : memref<8x128xf32, #tpu.memory_space<vmem>>, vector<1x16xf32>,
        %mul3A_405 = arith.mulf %add3A_348, %get3A_138 : vector<16xf32>
        %add3A_406 = arith.constant 4 : i32
        %add3A_407 = arith.addi %add3A_406, %scan3A_159 : i32
        %swap3A_408 = arith.index_cast %add3A_407 : i32 to index
        %swap3A_409 = arith.constant 112 : index
        %swap3A_410 = tpu.vector_load %arg12[%swap3A_408, %swap3A_409] {strides = array<i32>} : memref<8x128xf32, #tpu.memory_space<vmem>>, vector<1x16xf32>,
        %swap3A_411 = vector.shape_cast %swap3A_410 : vector<1x16xf32> to vector<16xf32>
        %swap3A_412 = vector.shape_cast %mul3A_405 : vector<16xf32> to vector<1x16xf32>
        tpu.vector_store %arg12[%swap3A_408, %swap3A_409], %swap3A_412 {strides = array<i32>} : memref<8x128xf32, #tpu.memory_space<vmem>>, vector<1x16xf32>,
      }
      %scan3A_144 = arith.constant 4 : i32
      %add3A_145 = arith.constant 4 : i32
      %add3A_146 = arith.addi %add3A_129, %add3A_145 : i32
      %lt3A_147 = arith.constant 80 : i32
      %lt3A_148 = arith.cmpi slt, %add3A_146, %lt3A_147 : i32
      %convert_element_type3A_149 = arith.extui %lt3A_148 : i1 to i32
      %cond3A_150 = arith.constant 0 : i32
      %cond3A_151 = arith.cmpi ne, %convert_element_type3A_149, %cond3A_150 : i32
      scf.if %cond3A_151 {
        %add3A_159 = arith.constant 4 : i32
        %add3A_160 = arith.addi %add3A_129, %add3A_159 : i32
        %mul3A_161 = arith.constant 128 : i32
        %mul3A_162 = arith.muli %add3A_160, %mul3A_161 : i32
        %dma_start3A_163 = tpu.memref_slice %arg6[%mul3A_162] : memref<10240xi32, #tpu.memory_space<vmem>> -> memref<128xi32, #tpu.memory_space<vmem>>
        %dma_start3A_164 = arith.constant 0 : i32
        %dma_start3A_165 = arith.constant 0 : i32
        %dma_start3A_166 = tpu.memref_slice %arg2[%dma_start3A_164, %dma_start3A_165] : memref<10000x128xf32, #tpu.memory_space<hbm>> -> memref<10000x128xf32, #tpu.memory_space<hbm>>
        tpu.enqueue_indirect_dma source(%dma_start3A_166 : memref<10000x128xf32, #tpu.memory_space<hbm>>) target(%arg10 : memref<128x128xf32, #tpu.memory_space<vmem>>) offsets(%dma_start3A_163 : memref<128xi32, #tpu.memory_space<vmem>>) semaphore(%arg17 : memref<!tpu.dma_semaphore, #tpu.memory_space<semaphore_mem>>)
      } else {
      }
      %mul3A_152 = arith.constant 4 : i32
      %mul3A_153 = arith.muli %add3A_100, %mul3A_152 : i32
      %add3A_154 = arith.addi %min3A_3, %mul3A_153 : i32
      %dma_start3A_155 = arith.constant 0 : i32
      %dma_start3A_156 = tpu.memref_slice %arg5[%add3A_154, %dma_start3A_155] : memref<10000x128xf32, #tpu.memory_space<hbm>> -> memref<8x128xf32, #tpu.memory_space<hbm>>
      %dma_start3A_157 = arith.constant 0 : i32
      %dma_start3A_158 = tpu.memref_slice %arg5[%add3A_154, %dma_start3A_157] : memref<10000x128xf32, #tpu.memory_space<hbm>> -> memref<8x128xf32, #tpu.memory_space<hbm>>
      tpu.enqueue_dma source(%arg12 : memref<8x128xf32, #tpu.memory_space<vmem>>) target(%dma_start3A_158 : memref<8x128xf32, #tpu.memory_space<hbm>>) target_semaphore(%arg19 : memref<!tpu.dma_semaphore, #tpu.memory_space<semaphore_mem>>)
    }
    %scan3A_29 = arith.constant 20 : i32
    %dma_wait3A = arith.constant 0 : i32
    %dma_wait3A_30 = arith.constant 0 : i32
    %dma_wait3A_31 = tpu.memref_slice %arg5[%dma_wait3A, %dma_wait3A_30] : memref<10000x128xf32, #tpu.memory_space<hbm>> -> memref<8x128xf32, #tpu.memory_space<hbm>>
    %dma_wait3A_32 = arith.constant 0 : i32
    %dma_wait3A_33 = arith.constant 0 : i32
    %dma_wait3A_34 = tpu.memref_slice %arg5[%dma_wait3A_32, %dma_wait3A_33] : memref<10000x128xf32, #tpu.memory_space<hbm>> -> memref<8x128xf32, #tpu.memory_space<hbm>>
    tpu.wait_dma2 semaphore(%arg18 : memref<!tpu.dma_semaphore, #tpu.memory_space<semaphore_mem>>) src(%arg11 : memref<8x128xf32, #tpu.memory_space<vmem>>) dst(%dma_wait3A_34 : memref<8x128xf32, #tpu.memory_space<hbm>>)
    %dma_wait3A_35 = arith.constant 0 : i32
    %dma_wait3A_36 = arith.constant 0 : i32
    %dma_wait3A_37 = tpu.memref_slice %arg5[%dma_wait3A_35, %dma_wait3A_36] : memref<10000x128xf32, #tpu.memory_space<hbm>> -> memref<8x128xf32, #tpu.memory_space<hbm>>
    %dma_wait3A_38 = arith.constant 0 : i32
    %dma_wait3A_39 = arith.constant 0 : i32
    %dma_wait3A_40 = tpu.memref_slice %arg5[%dma_wait3A_38, %dma_wait3A_39] : memref<10000x128xf32, #tpu.memory_space<hbm>> -> memref<8x128xf32, #tpu.memory_space<hbm>>
    tpu.wait_dma2 semaphore(%arg19 : memref<!tpu.dma_semaphore, #tpu.memory_space<semaphore_mem>>) src(%arg12 : memref<8x128xf32, #tpu.memory_space<vmem>>) dst(%dma_wait3A_40 : memref<8x128xf32, #tpu.memory_space<hbm>>)
    return
  }
}

</mosaic_0001>

<sc_bundles>
// kernel: kernel.3.cloned.1.call-start
scs
__scs_entry_jumppad:
0x0: {  	(pc) =	sbr.rel $0x88, $3  }
0x1: {  	(tag) =	ssettag $0x0;
	lr =	simm.s32 $0x1  }
0x2: {  	[smem:$0x3F9E] =	sst lr;
	_ =	strace $0xD0000000  }
0x3: {  	_ = 	snop  }
0x4: {  	_ = 	snop  }
0x5: {  	_ = 	snop  }
0x6: {  	_ = 	snop  }
0x7: {  	_ = 	snop  }
__scs_overlays_trampoline_lowered:
0x8: {  	[smem:$0x3FAD] =	sst s0  }
0x9: {  	[smem:$0x3FAE] =	sst s1  }
0xa: {  	[smem:$0x3FAF] =	sst s2  }
0xb: {  	[smem:$0x3FB0] =	sst s3  }
0xc: {  	[smem:$0x3FB1] =	sst s4  }
0xd: {  	[smem:$0x3FB2] =	sst s5  }
0xe: {  	[smem:$0x3FB3] =	sst s6  }
0xf: {  	[smem:$0x3FB4] =	sst s7  }
0x10: {  	[smem:$0x3FB5] =	sst s8  }
0x11: {  	[smem:$0x3FB6] =	sst s9;
	s0 =	simm.s32 @!p0 $0x0  }
0x12: {  	s1 =	sld [smem:$0x3F9C];
	s0 =	simm.s32 @p0 $0x1  }
0x13: {  	[smem:$0x3FB7] =	sst s0;
	s0 =	simm.s32 @!p1 $0x0  }
0x14: {  	s2 =	sld [smem:$0x3F9B];
	s0 =	simm.s32 @p1 $0x1  }
0x15: {  	[smem:$0x3FB8] =	sst s0;
	s0 =	simm.s32 @!p2 $0x0  }
0x16: {  	s3 =	sld [smem:$0x3FDB];
	s0 =	simm.s32 @p2 $0x1  }
0x17: {  	s4 =	simm.s32 $0x1BF5;
	[smem:$0x3FBA] =	sst s0  }
0x18: {  	s0 =	sld [smem:$0x3F9D];
	_ =	swait.ge [sflag:s4], $0x0  }
0x19: {  	s7 =	sld [smem:$0x3F9E]  }
0x1a: {  	s8 =	sadd.s32 $0xFFFFE003, lr  }
0x1b: {  	s9 =	sadd.s32 $0xFFFFFEF7, lr;
	s5 =	simm.s32 $0xFFFFFFFF;
	p2 =	slt.u32 s8, $0xFFFFF086  }
0x1c: {  	p1 =	slt.u32 s9, $0xF7A;
	s5 =	simm.s32 @!p2 $0x0  }
0x1d: {  	s5 =	simm.s32 @p1 $0x1;
	p0 =	seq.s32 s7, s2  }
0x1e: {  	s7 =	smul.u32 @!p0 $0xF7A, s2;
	p2 =	seq.s32 @!p0 s5, $0x0  }
0x1f: {  	s9 =	smul.u32 $0xF7A, s1;
	s8 =	simm.s32 @!p0 $0x1BF5;
	p2 =	por !p2, p0  }
0x20: {  	[sflag:s8] =	ssyncset.s32 @!p0 $0xFFFFF086;
	s6 =	sadd.s32 @!p0 s3, s7;
	s7 =	simm.s32 @!p0 $0x108  }
0x21: {  	s3 =	sadd.s32 s3, s9;
	s6 =	sadd.s32 @!p0 $0x88, s6;
	s7 =	simm.s32 @p2 $0x1082  }
0x22: {  	[simem:s7], [sflag:s8] =	dma.local @!p0 [hbm:s6], $0xF7A  }
0x23: {  	s9 =	sor.u32 $0xD0000000, s2;
	s6 =	simm.s32 $0x108;
	_ =	swait.ge @!p0 [sflag:s8], $0x0  }
0x24: {  	s3 =	sadd.s32 $0x88, s3;
	s6 =	simm.s32 @!p1 $0x1082;
	[sflag:s4] =	ssyncset.s32 $0xFFFFF086  }
0x25: {  	[simem:s6], [sflag:s4] =	dma.local [hbm:s3], $0xF7A  }
0x26: {  	[smem:$0x3F9E] =	sst s1;
	(tag) =	ssettag s2;
	_ =	strace s9  }
0x27: {  	s1 =	sld [smem:$0x3FAE]  }
0x28: {  	s2 =	sld [smem:$0x3FAF]  }
0x29: {  	s4 =	sld [smem:$0x3FB1]  }
0x2a: {  	p0 =	seq.s32 s5, $0x0;
	s5 =	sld [smem:$0x3FB2]  }
0x2b: {  	s6 =	sld [smem:$0x3FB3]  }
0x2c: {  	s7 =	sld [smem:$0x3FB4]  }
0x2d: {  	s3 =	simm.s32 $0x108;
	s8 =	sld [smem:$0x3FB5]  }
0x2e: {  	s3 =	simm.s32 @!p0 $0x1082;
	s9 =	sld [smem:$0x3FB6]  }
0x2f: {  	lr =	sadd.s32 s0, s3;
	s0 =	sld [smem:$0x3FAD]  }
0x30: {  	s3 =	sld [smem:$0x3FB0]  }
0x31: {  	[smem:$0x3FB9] =	sst s10  }
0x32: {  	s10 =	sld [smem:$0x3FB7];
	_ =	sdelay $0x3  }
0x33: {  	p0 =	seq.s32 s10, $0x1;
	s10 =	sld [smem:$0x3FB9];
	_ =	sdelay $0x3  }
0x34: {  	[smem:$0x3FB9] =	sst s10  }
0x35: {  	s10 =	sld [smem:$0x3FB8];
	_ =	sdelay $0x3  }
0x36: {  	p1 =	seq.s32 s10, $0x1;
	s10 =	sld [smem:$0x3FB9];
	_ =	sdelay $0x3  }
0x37: {  	[smem:$0x3FB9] =	sst s10  }
0x38: {  	s10 =	sld [smem:$0x3FBA]  }
0x39: {  	_ = 	snop;
	(pc) =	sbr.ind lr, $3  }
0x3a: {  	_ = 	snop  }
0x3b: {  	_ = 	snop  }
0x3c: {  	p2 =	seq.s32 s10, $0x1;
	s10 =	sld [smem:$0x3FB9]  }
0x3d: {  	_ =	shalt  }
0x3e: {  	_ =	shalt  }
0x3f: {  	_ =	shalt  }
0x40: {  	_ =	shalt  }
0x41: {  	_ =	shalt  }
0x42: {  	_ =	shalt  }
0x43: {  	_ =	shalt  }
0x44: {  	_ =	shalt  }
0x45: {  	_ =	shalt  }
0x46: {  	_ =	shalt  }
0x47: {  	_ =	shalt  }
0x48: {  	_ =	shalt  }
0x49: {  	_ =	shalt  }
0x4a: {  	_ =	shalt  }
0x4b: {  	_ =	shalt  }
0x4c: {  	_ =	shalt  }
0x4d: {  	_ =	shalt  }
0x4e: {  	_ =	shalt  }
0x4f: {  	_ =	shalt  }
0x50: {  	_ =	shalt  }
0x51: {  	_ =	shalt  }
0x52: {  	_ =	shalt  }
0x53: {  	_ =	shalt  }
0x54: {  	_ =	shalt  }
0x55: {  	_ =	shalt  }
0x56: {  	_ =	shalt  }
0x57: {  	_ =	shalt  }
0x58: {  	_ =	shalt  }
0x59: {  	_ =	shalt  }
0x5a: {  	_ =	shalt  }
0x5b: {  	_ =	shalt  }
0x5c: {  	_ =	shalt  }
0x5d: {  	_ =	shalt  }
0x5e: {  	_ =	shalt  }
0x5f: {  	_ =	shalt  }
0x60: {  	_ =	shalt  }
0x61: {  	_ =	shalt  }
0x62: {  	_ =	shalt  }
0x63: {  	_ =	shalt  }
0x64: {  	_ =	shalt  }
0x65: {  	_ =	shalt  }
0x66: {  	_ =	shalt  }
0x67: {  	_ =	shalt  }
0x68: {  	_ =	shalt  }
0x69: {  	_ =	shalt  }
0x6a: {  	_ =	shalt  }
0x6b: {  	_ =	shalt  }
0x6c: {  	_ =	shalt  }
0x6d: {  	_ =	shalt  }
0x6e: {  	_ =	shalt  }
0x6f: {  	_ =	shalt  }
0x70: {  	_ =	shalt  }
0x71: {  	_ =	shalt  }
0x72: {  	_ =	shalt  }
0x73: {  	_ =	shalt  }
0x74: {  	_ =	shalt  }
0x75: {  	_ =	shalt  }
0x76: {  	_ =	shalt  }
0x77: {  	_ =	shalt  }
0x78: {  	_ =	shalt  }
0x79: {  	_ =	shalt  }
0x7a: {  	_ =	shalt  }
0x7b: {  	_ =	shalt  }
0x7c: {  	_ =	shalt  }
0x7d: {  	_ =	shalt  }
0x7e: {  	_ =	shalt  }
0x7f: {  	_ =	shalt  }
0x80: {  	_ =	shalt  }
0x81: {  	_ =	shalt  }
0x82: {  	_ =	shalt  }
0x83: {  	_ =	shalt  }
0x84: {  	_ =	shalt  }
0x85: {  	_ =	shalt  }
0x86: {  	_ =	shalt  }
0x87: {  	_ =	shalt  }
.Lfunc_end0:
.L_simem_size_0:
called_computation_lowered:
.L_overlay_start_0:
0x88: {  	s2 =	sld [smem:$0x3FD9]  }
0x89: {  	s3 =	sld [smem:$0x3FFE];
	_ =	sdelay $0x1  }
0x8a: {  	s1 =	srdreg.scid  }
0x8b: {  	s0 =	sand.u32 $0x1, s1  }
0x8c: {  	s17 =	sshll.u32 s0, $0xA;
	s2 =	sadd.s32 s3, s2  }
0x8d: {  	s2 =	sadd.s32 s2, s17  }
0x8e: {  	[smem:$0x3FC5] =	sst s2  }
0x8f: {  	_ = 	snop  }
0x90: {  	s2 =	sld [smem:$0x3FC9]  }
0x91: {  	s18 =	sld [smem:$0x3FD0];
	(tm) =	ssettm $0x1  }
0x92: {  	s4 =	sld [smem:$0x3FFB];
	_ =	sdelay $0x3  }
0x93: {  	_ =	strace s4  }
0x94: {  	s4 =	sld [smem:$0x3FFC];
	_ =	sdelay $0x3  }
0x95: {  	_ =	strace s4  }
0x96: {  	s4 =	sld [smem:$0x3FFD];
	_ =	sdelay $0x3  }
0x97: {  	_ =	strace s4  }
0x98: {  	_ =	strace $0x8FFFFFFF  }
0x99: {  	s19 =	sld [smem:$0x3FDB];
	_ =	sdelay $0x1  }
0x9a: {  	s5 =	simm.s32 $_scs_section_size  }
0x9b: {  	s6 =	simm.s32 $_size__tile_overlayer_lowered;
	s7 =	simm.s32 $_tile_overlayer_lowered  }
0x9c: {  	s22 =	simm.s32 $0x1BFF;
	s21 =	sshll.u32 s7, $0x1;
	s4 =	sadd.s32 s5, s19  }
0x9d: {  	s8 =	simm.s32 $0x0;
	s20 =	sshll.u32 s6, $0x1;
	s6 =	sadd.s32 s21, s4  }
0x9e: {  	[timem:s8], [sflag:s22] =	dma.local [hbm:s6], s20  }
0x9f: {  	_ =	swait.ge [sflag:s22], s20  }
0xa0: {  	s5 =	ssub.s32 $0x0, s20;
	[sflag:s22] =	ssyncset.done $0x0  }
0xa1: {  	[sflag:s22] =	ssyncadd.s32 s5;
	_ =	sdelay $0x1  }
0xa2: {  	s23 =	simm.s32 $0x1B8B  }
0xa3: {  	_ =	swait.ge [sflag:s23], $0x1  }
0xa4: {  	[sflag:s23] =	ssyncset.done $0x0  }
0xa5: {  	s25 =	simm.s32 $0x1B8E;
	s24 =	sld [smem:$0x3FFE];
	[sflag:s23] =	ssyncadd.s32 $0xFFFFFFFF  }
0xa6: {  	s26 =	simm.s32 $execute0_lowered;
	[smem:$0x3FD2] =	sst s25  }
0xa7: {  	s6 =	sshll.u32 s26, $0x1;
	_ =	strace $0x80000046;
	[dreg:$0x1] =	wrdreg $0xFFFFFFFF  }
0xa8: {  	s28 =	simm.s32 $_size_execute0_lowered;
	s4 =	sadd.s32 s4, s6;
	[dreg:$0x0] =	wrdreg $0x0  }
0xa9: {  	s6 =	sshll.u32 s28, $0x1;
	[dreg:$0x2] =	wrdreg s4  }
0xaa: {  	[dreg:$0x3] =	wrdreg s6  }
0xab: {  	[dreg:$0x4] =	wrdreg $0xC0  }
0xac: {  	_ =	task [dreg:s8], $0x5FFFF  }
0xad: {  	[dreg:$0x1] =	wrdreg $0xFFFFFFFF  }
0xae: {  	[dreg:$0x0] =	wrdreg $0x60  }
0xaf: {  	[dreg:$0x2] =	wrdreg s2  }
0xb0: {  	[dreg:$0x3] =	wrdreg s24  }
0xb1: {  	[dreg:$0x4] =	wrdreg s18  }
0xb2: {  	[dreg:$0x5] =	wrdreg $0x9  }
0xb3: {  	_ =	task.clear_ibuf [dreg:s8], $0x6FFFF;
	_ =	strace $0x90000046  }
0xb4: {  	s29 =	simm.s32 $0x9;
	_ =	strace $0x80000048  }
0xb5: {  	_ =	swait.ge [sflag:s29], $0x1  }
0xb6: {  	[sflag:s29] =	ssyncadd.s32 $0xFFFFFFFF  }
0xb7: {  	_ =	strace $0x90000048  }
0xb8: {  	_ =	sfence  }
0xb9: {  	s30 =	sld [smem:$0x0];
	_ =	sdelay $0x2  }
0xba: {  	s31 =	sshll.u32 s1, $0xD;
	s1 =	sshrl.u32 s1, $0x2  }
0xbb: {  	s3 =	sand.u32 $0x4000, s31;
	s1 =	sadd.s32 s1, s30  }
0xbc: {  	s0 =	sor.u32 s3, s0;
	s1 =	sshll.u32 s1, $0x11  }
0xbd: {  	s0 =	sor.u32 s1, s0  }
0xbe: {  	s0 =	sadd.s32 $0x8F2B, s0  }
0xbf: {  	[sflag:s0] =	ssyncadd.remote.s32 $0x1  }
0xc0: {  	_ =	sfence.sel $0xFFFF  }
0xc1: {  	[dreg:$0x0] =	wrdreg $0xFFFFFFFF;
	(pc) =	sbr.abs _section_cstart, $3  }
0xc2: {  	[dreg:$0x1] =	wrdreg $0xFFFFFFFF  }
0xc3: {  	_ =	task.clear_ibuf [dreg:s8], $0x2FFFF;
	_ =	strace $0x9FFFFFFF  }
0xc4: {  	(tm) =	ssettm $0x7FFFFFFF  }
0xc5: {  	_ =	shalt  }
tec
execute0_lowered:
.L_overlay_start_1:
0x0: {  	(tag) =	ssettag $0x1  }
0x1: {  	s0 =	srdreg.scid;
	s1 =	rddreg [dreg:$0x0]  }
0x2: {  	s2 =	stileid.u32;
	s4 =	rddreg [dreg:$0x1]  }
0x3: {  	s5 =	rddreg [dreg:$0x2];
	s3 =	simm.s32 $0x0;
	s10 =	simm.s32 $0x7  }
0x4: {  	s11 =	simm.s32 $0x80;
	s13 =	simm.s32 $0x6800;
	s14 =	simm.s32 $0x100  }
0x5: {  	s15 =	simm.s32 $0xA800;
	s16 =	simm.s32 $0x180;
	s17 =	simm.s32 $0xE800  }
0x6: {  	s18 =	simm.s32 $0x1;
	s19 =	simm.s32 $0x2;
	s20 =	simm.s32 $0x12800  }
0x7: {  	s21 =	simm.s32 $0x3;
	s0 =	sand.u32 $0x1, s0;
	s2 =	sshll.u32 s2, $0x1  }
0x8: {  	s22 =	simm.s32 $0x4;
	s23 =	simm.s32 $0x12C00;
	s2 =	sor.u32 s0, s2  }
0x9: {  	s24 =	simm.s32 $0x5;
	s25 =	simm.s32 $0x6;
	s2 =	smul.u32 $0x140, s2  }
0xa: {  	s26 =	simm.s32 $0x0;
	[smem:$0x7FF] =	sst s3;
	s0 =	ssub.s32 $0x2, s0  }
0xb: {  	_ =	strace $0x80000047;
	s7 =	sshrl.u32 s0, $0x1;
	s2 =	smin.u32 s2, $0x25D0  }
0xc: {  	s0 =	ssub.s32 s0, s7;
	s6 =	sshll.u32 s2, $0x2;
	s2 =	sshll.u32 s2, $0x4  }
0xd: {  	s7 =	smax.u32 s0, $0x1;
	s6 =	sadd.s32 s6, s4;
	s5 =	sadd.s32 s5, s2  }
0xe: {  	s4 =	sadd.s32 $0xA200, s4;
	s6 =	sadd.s32 $0x400, s6;
	s8 =	sadd.s32 $0x80, s5  }
.LBB2_1:
0xf: {  	s0 =	simm.s32 $0x13000  }
0x10: {  	[tilespmem:s0], [sflag:$0x7] =	stream.linear.gather [hbm4b:s4+s3], $0x80, $0x38;
	[tilespmem:$0x13080] =	vst v63  }
0x11: {  	_ =	swait.ge [sflag:s10], $0x80  }
0x12: {  	[sflag:s10] =	ssyncset.done $0x0  }
0x13: {  	[sflag:s10] =	ssyncadd.s32 $0xFFFFFF80  }
0x14: {  	[tilespmem:s3], [sflag:$0x7] =	stream.linear.gather [hbm4b:s6+s3], $0x2800, $0x38;
	[tilespmem:$0x13080] =	vst v63  }
0x15: {  	_ =	swait.ge [sflag:s10], $0x2800  }
0x16: {  	[sflag:s10] =	ssyncset.done $0x0  }
0x17: {  	s31 =	simm.s32 $0x2800;
	[sflag:s10] =	ssyncadd.s32 $0xFFFFD800  }
0x18: {  	[tilespmem:s31], [sflag:$0x1] =	stream.indirect.gather [hbm4b:s1+s11], $0x80, s3, s11, $0xb8;
	[tilespmem:$0x13080] =	vst v63  }
0x19: {  	_ = 	snop  }
0x1a: {  	[tilespmem:s13], [sflag:$0x2] =	stream.indirect.gather [hbm4b:s1+s11], $0x80, s11, s11, $0xb8;
	[tilespmem:$0x13080] =	vst v63  }
0x1b: {  	_ = 	snop  }
0x1c: {  	[tilespmem:s15], [sflag:$0x3] =	stream.indirect.gather [hbm4b:s1+s11], $0x80, s14, s11, $0xb8;
	[tilespmem:$0x13080] =	vst v63  }
0x1d: {  	s28 =	simm.s32 $0x0  }
0x1e: {  	[tilespmem:s17], [sflag:$0x4] =	stream.indirect.gather [hbm4b:s1+s11], $0x80, s16, s11, $0xb8;
	[tilespmem:$0x13080] =	vst v63  }
.LBB2_2:
0x1f: {  	p1 =	seq.s32 s28, $0x0  }
0x20: {  	s0 =	simm.s32 @!p1 $0x5  }
0x21: {  	_ =	swait.ge @!p1 [sflag:s0], $0x400  }
0x22: {  	[sflag:s0] =	ssyncset.done @!p1 $0x0  }
0x23: {  	[sflag:s0] =	ssyncadd.s32 @!p1 $0xFFFFFC00  }
0x24: {  	_ =	swait.ge [sflag:s18], $0x4000  }
0x25: {  	[sflag:s18] =	ssyncset.done $0x0  }
0x26: {  	[sflag:s18] =	ssyncadd.s32 $0xFFFFC000  }
0x27: {  	s29 =	sshll.u32 s28, $0xB;
	s30 =	simm.s32 $0x0;
	s31 =	simm.s32 $0x2940;
	v0 =	vld [tilespmem:$0x13000]  }
.LBB2_3:
0x28: {  	v10 =	vld [tilespmem:s31+$0xC0]  }
0x29: {  	v15 =	vld [tilespmem:s31+$0xD0]  }
0x2a: {  	v17 =	vld [tilespmem:s31+$0xE0]  }
0x2b: {  	v18 =	vld [tilespmem:s31+$0xF0]  }
0x2c: {  	v1 =	vld [tilespmem:s31+$0x100]  }
0x2d: {  	v2 =	vld [tilespmem:s31+$0x110]  }
0x2e: {  	v9 =	vld [tilespmem:s31+$0x40]  }
0x2f: {  	v12 =	vld [tilespmem:s31+$0x50]  }
0x30: {  	v19 =	vld [tilespmem:s31+$0x60]  }
0x31: {  	v20 =	vld [tilespmem:s31+$0x70]  }
0x32: {  	v3 =	vld [tilespmem:s31+$0x80]  }
0x33: {  	v4 =	vld [tilespmem:s31+$0x90]  }
0x34: {  	v21 =	vld [tilespmem:s31+$0xFFFFFFC0]  }
0x35: {  	v22 =	vld [tilespmem:s31+$0xFFFFFFD0]  }
0x36: {  	v23 =	vld [tilespmem:s31+$0xFFFFFF40]  }
0x37: {  	v24 =	vld [tilespmem:s31+$0xFFFFFF50]  }
0x38: {  	v25 =	vld [tilespmem:s31+$0xFFFFFF60]  }
0x39: {  	v26 =	vld [tilespmem:s31+$0xFFFFFF70]  }
0x3a: {  	v27 =	vld [tilespmem:s31+$0xFFFFFFE0]  }
0x3b: {  	v28 =	vld [tilespmem:s31+$0xFFFFFFF0]  }
0x3c: {  	s0 =	sshll.u32 s30, $0xC;
	v29 =	vld [tilespmem:s31+$0x0]  }
0x3d: {  	v63 =	vld [tilespmem:s31+$0xFFFFFFB0];
	s2 =	sand.u32 $0x3FFFF000, s0  }
0x3e: {  	v5 =	vld [tilespmem:s2+$0x2800]  }
0x3f: {  	v6 =	vld [tilespmem:s2+$0x2810]  }
0x40: {  	v7 =	vld [tilespmem:s2+$0x2820]  }
0x41: {  	v8 =	vld [tilespmem:s2+$0x2830]  }
0x42: {  	v16 =	vld [tilespmem:s2+$0x2870]  }
0x43: {  	v59 =	vld [tilespmem:s31+$0x10]  }
0x44: {  	v60 =	vld [tilespmem:s31+$0xFFFFFF80]  }
0x45: {  	v61 =	vld [tilespmem:s31+$0xFFFFFF90];
	v5 =	vadd.f32 v23, v5;
	v6 =	vadd.f32 v24, v6  }
0x46: {  	v62 =	vld [tilespmem:s31+$0xFFFFFFA0];
	v7 =	vadd.f32 v25, v7;
	v8 =	vadd.f32 v26, v8  }
0x47: {  	v11 =	vld [tilespmem:s2+$0x2840];
	v16 =	vadd.f32 v63, v16;
	v5 =	vadd.f32 v21, v5  }
0x48: {  	v13 =	vld [tilespmem:s2+$0x2850];
	v7 =	vadd.f32 v27, v7;
	v8 =	vadd.f32 v28, v8  }
0x49: {  	v14 =	vld [tilespmem:s2+$0x2860];
	v6 =	vadd.f32 v22, v6;
	v5 =	vadd.f32 v9, v5  }
0x4a: {  	v9 =	vld [tilespmem:s31+$0x20];
	v7 =	vadd.f32 v19, v7;
	v8 =	vadd.f32 v20, v8  }
0x4b: {  	v6 =	vadd.f32 v12, v6;
	v12 =	vld [tilespmem:s31+$0x30];
	v5 =	vadd.f32 v10, v5  }
0x4c: {  	v10 =	vld [tilespmem:s31+$0xA0];
	v7 =	vadd.f32 v17, v7;
	v8 =	vadd.f32 v18, v8  }
0x4d: {  	v17 =	vadd.f32 v60, v11;
	v18 =	vadd.f32 v61, v13;
	v13 =	vld [tilespmem:s31+$0xB0]  }
0x4e: {  	v6 =	vadd.f32 v15, v6;
	v15 =	vadd.f32 v62, v14;
	v11 =	vld [tilespmem:s31+$0x120]  }
0x4f: {  	s9 =	sadd.s32 $0x200, s31;
	s0 =	simm.s32 $0x1;
	v14 =	vld [tilespmem:s31+$0x130];
	v17 =	vadd.f32 v29, v17;
	v18 =	vadd.f32 v59, v18  }
.LBB2_4:
0x50: {  	v19 =	vld [tilespmem:s9+$0xC0];
	v9 =	vadd.f32 v9, v15;
	v12 =	vadd.f32 v12, v16  }
0x51: {  	v15 =	vld [tilespmem:s9+$0xD0];
	v3 =	vadd.f32 v3, v17;
	v4 =	vadd.f32 v4, v18  }
0x52: {  	v16 =	vld [tilespmem:s9+$0xE0];
	v9 =	vadd.f32 v10, v9;
	v10 =	vadd.f32 v13, v12  }
0x53: {  	v13 =	vld [tilespmem:s9+$0xF0];
	v17 =	vadd.f32 v1, v3;
	v18 =	vadd.f32 v2, v4  }
0x54: {  	v1 =	vld [tilespmem:s9+$0x100];
	v11 =	vadd.f32 v11, v9;
	v14 =	vadd.f32 v14, v10  }
0x55: {  	v2 =	vld [tilespmem:s9+$0x110]  }
0x56: {  	v9 =	vld [tilespmem:s9+$0x40]  }
0x57: {  	v10 =	vld [tilespmem:s9+$0x50]  }
0x58: {  	v12 =	vld [tilespmem:s9+$0x60]  }
0x59: {  	v20 =	vld [tilespmem:s9+$0x70]  }
0x5a: {  	v3 =	vld [tilespmem:s9+$0x80]  }
0x5b: {  	v4 =	vld [tilespmem:s9+$0x90]  }
0x5c: {  	v21 =	vld [tilespmem:s9+$0xFFFFFFC0]  }
0x5d: {  	v22 =	vld [tilespmem:s9+$0xFFFFFFD0]  }
0x5e: {  	v23 =	vld [tilespmem:s9+$0xFFFFFF40]  }
0x5f: {  	v24 =	vld [tilespmem:s9+$0xFFFFFF50]  }
0x60: {  	v25 =	vld [tilespmem:s9+$0xFFFFFF60]  }
0x61: {  	v26 =	vld [tilespmem:s9+$0xFFFFFF70]  }
0x62: {  	v27 =	vld [tilespmem:s9+$0xFFFFFFE0]  }
0x63: {  	v28 =	vld [tilespmem:s9+$0xFFFFFFF0]  }
0x64: {  	v29 =	vld [tilespmem:s9+$0x0]  }
0x65: {  	v5 =	vadd.f32 v23, v5;
	v6 =	vadd.f32 v24, v6;
	v23 =	vld [tilespmem:s9+$0x10]  }
0x66: {  	v7 =	vadd.f32 v25, v7;
	v8 =	vadd.f32 v26, v8;
	v24 =	vld [tilespmem:s9+$0xFFFFFF80]  }
0x67: {  	v5 =	vadd.f32 v21, v5;
	v6 =	vadd.f32 v22, v6;
	v25 =	vld [tilespmem:s9+$0xFFFFFF90]  }
0x68: {  	v7 =	vadd.f32 v27, v7;
	v21 =	vld [tilespmem:s9+$0xFFFFFFA0];
	v8 =	vadd.f32 v28, v8  }
0x69: {  	s0 =	sadd.s32 $0x4, s0;
	v5 =	vadd.f32 v9, v5;
	v6 =	vadd.f32 v10, v6;
	v22 =	vld [tilespmem:s9+$0xFFFFFFB0]  }
0x6a: {  	p0 =	slt.u32 s0, $0x19;
	v7 =	vadd.f32 v12, v7;
	v9 =	vld [tilespmem:s9+$0x20];
	v8 =	vadd.f32 v20, v8  }
.Ltmp0:
0x6b: {  	v5 =	vadd.f32 v19, v5;
	v6 =	vadd.f32 v15, v6;
	v12 =	vld [tilespmem:s9+$0x30];
	(pc) =	sbr.rel @p0 .LBB2_4-.Ltmp0, $4  }
0x6c: {  	v7 =	vadd.f32 v16, v7;
	v10 =	vld [tilespmem:s9+$0xA0];
	v8 =	vadd.f32 v13, v8  }
0x6d: {  	v17 =	vadd.f32 v24, v17;
	v18 =	vadd.f32 v25, v18;
	v13 =	vld [tilespmem:s9+$0xB0]  }
0x6e: {  	v15 =	vadd.f32 v21, v11;
	v16 =	vadd.f32 v22, v14;
	v11 =	vld [tilespmem:s9+$0x120]  }
0x6f: {  	v17 =	vadd.f32 v29, v17;
	v18 =	vadd.f32 v23, v18;
	v14 =	vld [tilespmem:s9+$0x130];
	s9 =	sadd.s32 $0x200, s9  }
0x70: {  	v19 =	vld [tilespmem:s2+$0x3680]  }
0x71: {  	v20 =	vld [tilespmem:s2+$0x3690]  }
0x72: {  	v21 =	vld [tilespmem:s2+$0x36A0]  }
0x73: {  	v22 =	vld [tilespmem:s2+$0x36B0]  }
0x74: {  	v23 =	vld [tilespmem:s2+$0x36C0]  }
0x75: {  	v24 =	vld [tilespmem:s2+$0x36D0]  }
0x76: {  	v25 =	vld [tilespmem:s2+$0x36E0]  }
0x77: {  	v26 =	vld [tilespmem:s2+$0x36F0]  }
0x78: {  	v27 =	vld [tilespmem:s2+$0x3700]  }
0x79: {  	v28 =	vld [tilespmem:s2+$0x3710]  }
0x7a: {  	v29 =	vld [tilespmem:s2+$0x3720]  }
0x7b: {  	v9 =	vadd.f32 v9, v15;
	v12 =	vadd.f32 v12, v16;
	v45 =	vld [tilespmem:s2+$0x3730]  }
0x7c: {  	v46 =	vld [tilespmem:s2+$0x3740];
	v3 =	vadd.f32 v3, v17;
	v4 =	vadd.f32 v4, v18  }
0x7d: {  	v48 =	vld [tilespmem:s2+$0x3750];
	v9 =	vadd.f32 v10, v9;
	v47 =	vadd.f32 v13, v12  }
0x7e: {  	v51 =	vld [tilespmem:s2+$0x3770];
	v1 =	vadd.f32 v1, v3;
	v2 =	vadd.f32 v2, v4  }
0x7f: {  	v52 =	vld [tilespmem:s2+$0x3780];
	v49 =	vadd.f32 v11, v9;
	v50 =	vadd.f32 v14, v47  }
0x80: {  	v53 =	vld [tilespmem:s2+$0x3790];
	v5 =	vadd.f32 v19, v5;
	v6 =	vadd.f32 v20, v6  }
0x81: {  	v54 =	vld [tilespmem:s2+$0x37A0];
	v7 =	vadd.f32 v21, v7;
	v8 =	vadd.f32 v22, v8  }
0x82: {  	v55 =	vld [tilespmem:s2+$0x37B0];
	v1 =	vadd.f32 v23, v1;
	v2 =	vadd.f32 v24, v2  }
0x83: {  	v56 =	vld [tilespmem:s2+$0x37C0];
	v4 =	vadd.f32 v25, v49;
	v5 =	vadd.f32 v27, v5  }
0x84: {  	v3 =	vld [tilespmem:s2+$0x3760];
	v9 =	vadd.f32 v26, v50;
	v6 =	vadd.f32 v28, v6  }
0x85: {  	v57 =	vld [tilespmem:s2+$0x37D0];
	v7 =	vadd.f32 v29, v7;
	v5 =	vadd.f32 v52, v5  }
0x86: {  	v58 =	vld [tilespmem:s2+$0x37E0];
	v8 =	vadd.f32 v45, v8;
	v6 =	vadd.f32 v53, v6  }
0x87: {  	v59 =	vld [tilespmem:s2+$0x37F0];
	s0 =	sshll.u32 s30, $0x7;
	v1 =	vadd.f32 v46, v1;
	v7 =	vadd.f32 v54, v7;
	v5 =	vmul.f32 v5, v0  }
0x88: {  	s0 =	sand.u32 $0x3FFFFF80, s0;
	v2 =	vadd.f32 v48, v2;
	v8 =	vadd.f32 v55, v8;
	v6 =	vmul.f32 v6, v0  }
0x89: {  	v3 =	vadd.f32 v3, v4;
	v1 =	vadd.f32 v56, v1;
	v60 =	vmul.f32 v7, v0;
	[tilespmem:s0+$0x12800] =	vst v5  }
0x8a: {  	s30 =	sadd.s32 $0x1, s30;
	v61 =	vadd.f32 v51, v9;
	v2 =	vadd.f32 v57, v2;
	v62 =	vmul.f32 v8, v0;
	[tilespmem:s0+$0x12810] =	vst v6  }
0x8b: {  	p0 =	sne.s32 s30, $0x4;
	v3 =	vadd.f32 v58, v3;
	v1 =	vmul.f32 v1, v0;
	[tilespmem:s0+$0x12820] =	vst v60  }
.Ltmp1:
0x8c: {  	v63 =	vadd.f32 v59, v61;
	v2 =	vmul.f32 v2, v0;
	[tilespmem:s0+$0x12830] =	vst v62;
	(pc) =	sbr.rel @p0 .LBB2_3-.Ltmp1, $4  }
0x8d: {  	[tilespmem:s0+$0x12840] =	vst v1;
	v1 =	vmul.f32 v3, v0  }
0x8e: {  	[tilespmem:s0+$0x12850] =	vst v2;
	v2 =	vmul.f32 v63, v0  }
0x8f: {  	[tilespmem:s0+$0x12860] =	vst v1  }
0x90: {  	s31 =	sadd.s32 $0x1000, s31;
	[tilespmem:s0+$0x12870] =	vst v2  }
0x91: {  	p0 =	seq.s32 s28, $0x13  }
0x92: {  	s29 =	sshrl.u32 @!p0 s29, $0x2  }
0x93: {  	s2 =	simm.s32 @!p0 $0x80;
	s9 =	simm.s32 @!p0 $0x2800;
	s0 =	sadd.s32 @!p0 $0x200, s29  }
0x94: {  	[tilespmem:s9], [sflag:$0x1] =	stream.indirect.gather @!p0 [hbm4b:s1+s2], $0x80, s0, s2, $0xb8;
	[tilespmem:$0x13080] =	vst v63  }
0x95: {  	_ =	swait.ge [sflag:s19], $0x4000  }
0x96: {  	[sflag:s19] =	ssyncset.done $0x0  }
0x97: {  	[sflag:s19] =	ssyncadd.s32 $0xFFFFC000  }
0x98: {  	s30 =	simm.s32 $0x0;
	s31 =	simm.s32 $0x6940;
	v0 =	vld [tilespmem:$0x13000]  }
.LBB2_7:
0x99: {  	v10 =	vld [tilespmem:s31+$0xC0]  }
0x9a: {  	v15 =	vld [tilespmem:s31+$0xD0]  }
0x9b: {  	v17 =	vld [tilespmem:s31+$0xE0]  }
0x9c: {  	v18 =	vld [tilespmem:s31+$0xF0]  }
0x9d: {  	v1 =	vld [tilespmem:s31+$0x100]  }
0x9e: {  	v2 =	vld [tilespmem:s31+$0x110]  }
0x9f: {  	v9 =	vld [tilespmem:s31+$0x40]  }
0xa0: {  	v12 =	vld [tilespmem:s31+$0x50]  }
0xa1: {  	v19 =	vld [tilespmem:s31+$0x60]  }
0xa2: {  	v20 =	vld [tilespmem:s31+$0x70]  }
0xa3: {  	v3 =	vld [tilespmem:s31+$0x80]  }
0xa4: {  	v4 =	vld [tilespmem:s31+$0x90]  }
0xa5: {  	v21 =	vld [tilespmem:s31+$0xFFFFFFC0]  }
0xa6: {  	v22 =	vld [tilespmem:s31+$0xFFFFFFD0]  }
0xa7: {  	v23 =	vld [tilespmem:s31+$0xFFFFFF40]  }
0xa8: {  	v24 =	vld [tilespmem:s31+$0xFFFFFF50]  }
0xa9: {  	v25 =	vld [tilespmem:s31+$0xFFFFFF60]  }
0xaa: {  	v26 =	vld [tilespmem:s31+$0xFFFFFF70]  }
0xab: {  	v27 =	vld [tilespmem:s31+$0xFFFFFFE0]  }
0xac: {  	v28 =	vld [tilespmem:s31+$0xFFFFFFF0]  }
0xad: {  	s0 =	sshll.u32 s30, $0xC;
	v29 =	vld [tilespmem:s31+$0x0]  }
0xae: {  	v63 =	vld [tilespmem:s31+$0xFFFFFFB0];
	s2 =	sand.u32 $0x3FFFF000, s0  }
0xaf: {  	v5 =	vld [tilespmem:s2+$0x6800]  }
0xb0: {  	v6 =	vld [tilespmem:s2+$0x6810]  }
0xb1: {  	v7 =	vld [tilespmem:s2+$0x6820]  }
0xb2: {  	v8 =	vld [tilespmem:s2+$0x6830]  }
0xb3: {  	v16 =	vld [tilespmem:s2+$0x6870]  }
0xb4: {  	v59 =	vld [tilespmem:s31+$0x10]  }
0xb5: {  	v60 =	vld [tilespmem:s31+$0xFFFFFF80]  }
0xb6: {  	v61 =	vld [tilespmem:s31+$0xFFFFFF90];
	v5 =	vadd.f32 v23, v5;
	v6 =	vadd.f32 v24, v6  }
0xb7: {  	v62 =	vld [tilespmem:s31+$0xFFFFFFA0];
	v7 =	vadd.f32 v25, v7;
	v8 =	vadd.f32 v26, v8  }
0xb8: {  	v11 =	vld [tilespmem:s2+$0x6840];
	v16 =	vadd.f32 v63, v16;
	v5 =	vadd.f32 v21, v5  }
0xb9: {  	v13 =	vld [tilespmem:s2+$0x6850];
	v7 =	vadd.f32 v27, v7;
	v8 =	vadd.f32 v28, v8  }
0xba: {  	v14 =	vld [tilespmem:s2+$0x6860];
	v6 =	vadd.f32 v22, v6;
	v5 =	vadd.f32 v9, v5  }
0xbb: {  	v9 =	vld [tilespmem:s31+$0x20];
	v7 =	vadd.f32 v19, v7;
	v8 =	vadd.f32 v20, v8  }
0xbc: {  	v6 =	vadd.f32 v12, v6;
	v12 =	vld [tilespmem:s31+$0x30];
	v5 =	vadd.f32 v10, v5  }
0xbd: {  	v10 =	vld [tilespmem:s31+$0xA0];
	v7 =	vadd.f32 v17, v7;
	v8 =	vadd.f32 v18, v8  }
0xbe: {  	v17 =	vadd.f32 v60, v11;
	v18 =	vadd.f32 v61, v13;
	v13 =	vld [tilespmem:s31+$0xB0]  }
0xbf: {  	v6 =	vadd.f32 v15, v6;
	v15 =	vadd.f32 v62, v14;
	v11 =	vld [tilespmem:s31+$0x120]  }
0xc0: {  	s9 =	sadd.s32 $0x200, s31;
	s0 =	simm.s32 $0x1;
	v14 =	vld [tilespmem:s31+$0x130];
	v17 =	vadd.f32 v29, v17;
	v18 =	vadd.f32 v59, v18  }
.LBB2_8:
0xc1: {  	v19 =	vld [tilespmem:s9+$0xC0];
	v9 =	vadd.f32 v9, v15;
	v12 =	vadd.f32 v12, v16  }
0xc2: {  	v15 =	vld [tilespmem:s9+$0xD0];
	v3 =	vadd.f32 v3, v17;
	v4 =	vadd.f32 v4, v18  }
0xc3: {  	v16 =	vld [tilespmem:s9+$0xE0];
	v9 =	vadd.f32 v10, v9;
	v10 =	vadd.f32 v13, v12  }
0xc4: {  	v13 =	vld [tilespmem:s9+$0xF0];
	v17 =	vadd.f32 v1, v3;
	v18 =	vadd.f32 v2, v4  }
0xc5: {  	v1 =	vld [tilespmem:s9+$0x100];
	v11 =	vadd.f32 v11, v9;
	v14 =	vadd.f32 v14, v10  }
0xc6: {  	v2 =	vld [tilespmem:s9+$0x110]  }
0xc7: {  	v9 =	vld [tilespmem:s9+$0x40]  }
0xc8: {  	v10 =	vld [tilespmem:s9+$0x50]  }
0xc9: {  	v12 =	vld [tilespmem:s9+$0x60]  }
0xca: {  	v20 =	vld [tilespmem:s9+$0x70]  }
0xcb: {  	v3 =	vld [tilespmem:s9+$0x80]  }
0xcc: {  	v4 =	vld [tilespmem:s9+$0x90]  }
0xcd: {  	v21 =	vld [tilespmem:s9+$0xFFFFFFC0]  }
0xce: {  	v22 =	vld [tilespmem:s9+$0xFFFFFFD0]  }
0xcf: {  	v23 =	vld [tilespmem:s9+$0xFFFFFF40]  }
0xd0: {  	v24 =	vld [tilespmem:s9+$0xFFFFFF50]  }
0xd1: {  	v25 =	vld [tilespmem:s9+$0xFFFFFF60]  }
0xd2: {  	v26 =	vld [tilespmem:s9+$0xFFFFFF70]  }
0xd3: {  	v27 =	vld [tilespmem:s9+$0xFFFFFFE0]  }
0xd4: {  	v28 =	vld [tilespmem:s9+$0xFFFFFFF0]  }
0xd5: {  	v29 =	vld [tilespmem:s9+$0x0]  }
0xd6: {  	v5 =	vadd.f32 v23, v5;
	v6 =	vadd.f32 v24, v6;
	v23 =	vld [tilespmem:s9+$0x10]  }
0xd7: {  	v7 =	vadd.f32 v25, v7;
	v8 =	vadd.f32 v26, v8;
	v24 =	vld [tilespmem:s9+$0xFFFFFF80]  }
0xd8: {  	v5 =	vadd.f32 v21, v5;
	v6 =	vadd.f32 v22, v6;
	v25 =	vld [tilespmem:s9+$0xFFFFFF90]  }
0xd9: {  	v7 =	vadd.f32 v27, v7;
	v21 =	vld [tilespmem:s9+$0xFFFFFFA0];
	v8 =	vadd.f32 v28, v8  }
0xda: {  	s0 =	sadd.s32 $0x4, s0;
	v5 =	vadd.f32 v9, v5;
	v6 =	vadd.f32 v10, v6;
	v22 =	vld [tilespmem:s9+$0xFFFFFFB0]  }
0xdb: {  	p2 =	slt.u32 s0, $0x19;
	v7 =	vadd.f32 v12, v7;
	v9 =	vld [tilespmem:s9+$0x20];
	v8 =	vadd.f32 v20, v8  }
.Ltmp2:
0xdc: {  	v5 =	vadd.f32 v19, v5;
	v6 =	vadd.f32 v15, v6;
	v12 =	vld [tilespmem:s9+$0x30];
	(pc) =	sbr.rel @p2 .LBB2_8-.Ltmp2, $4  }
0xdd: {  	v7 =	vadd.f32 v16, v7;
	v10 =	vld [tilespmem:s9+$0xA0];
	v8 =	vadd.f32 v13, v8  }
0xde: {  	v17 =	vadd.f32 v24, v17;
	v18 =	vadd.f32 v25, v18;
	v13 =	vld [tilespmem:s9+$0xB0]  }
0xdf: {  	v15 =	vadd.f32 v21, v11;
	v16 =	vadd.f32 v22, v14;
	v11 =	vld [tilespmem:s9+$0x120]  }
0xe0: {  	v17 =	vadd.f32 v29, v17;
	v18 =	vadd.f32 v23, v18;
	v14 =	vld [tilespmem:s9+$0x130];
	s9 =	sadd.s32 $0x200, s9  }
0xe1: {  	v19 =	vld [tilespmem:s2+$0x7680]  }
0xe2: {  	v20 =	vld [tilespmem:s2+$0x7690]  }
0xe3: {  	v21 =	vld [tilespmem:s2+$0x76A0]  }
0xe4: {  	v22 =	vld [tilespmem:s2+$0x76B0]  }
0xe5: {  	v23 =	vld [tilespmem:s2+$0x76C0]  }
0xe6: {  	v24 =	vld [tilespmem:s2+$0x76D0]  }
0xe7: {  	v25 =	vld [tilespmem:s2+$0x76E0]  }
0xe8: {  	v26 =	vld [tilespmem:s2+$0x76F0]  }
0xe9: {  	v27 =	vld [tilespmem:s2+$0x7700]  }
0xea: {  	v28 =	vld [tilespmem:s2+$0x7710]  }
0xeb: {  	v29 =	vld [tilespmem:s2+$0x7720]  }
0xec: {  	v9 =	vadd.f32 v9, v15;
	v12 =	vadd.f32 v12, v16;
	v45 =	vld [tilespmem:s2+$0x7730]  }
0xed: {  	v46 =	vld [tilespmem:s2+$0x7740];
	v3 =	vadd.f32 v3, v17;
	v4 =	vadd.f32 v4, v18  }
0xee: {  	v48 =	vld [tilespmem:s2+$0x7750];
	v9 =	vadd.f32 v10, v9;
	v47 =	vadd.f32 v13, v12  }
0xef: {  	v51 =	vld [tilespmem:s2+$0x7770];
	v1 =	vadd.f32 v1, v3;
	v2 =	vadd.f32 v2, v4  }
0xf0: {  	v52 =	vld [tilespmem:s2+$0x7780];
	v49 =	vadd.f32 v11, v9;
	v50 =	vadd.f32 v14, v47  }
0xf1: {  	v53 =	vld [tilespmem:s2+$0x7790];
	v5 =	vadd.f32 v19, v5;
	v6 =	vadd.f32 v20, v6  }
0xf2: {  	v54 =	vld [tilespmem:s2+$0x77A0];
	v7 =	vadd.f32 v21, v7;
	v8 =	vadd.f32 v22, v8  }
0xf3: {  	v55 =	vld [tilespmem:s2+$0x77B0];
	v1 =	vadd.f32 v23, v1;
	v2 =	vadd.f32 v24, v2  }
0xf4: {  	v56 =	vld [tilespmem:s2+$0x77C0];
	v4 =	vadd.f32 v25, v49;
	v5 =	vadd.f32 v27, v5  }
0xf5: {  	v3 =	vld [tilespmem:s2+$0x7760];
	v9 =	vadd.f32 v26, v50;
	v6 =	vadd.f32 v28, v6  }
0xf6: {  	v57 =	vld [tilespmem:s2+$0x77D0];
	v7 =	vadd.f32 v29, v7;
	v5 =	vadd.f32 v52, v5  }
0xf7: {  	v58 =	vld [tilespmem:s2+$0x77E0];
	v8 =	vadd.f32 v45, v8;
	v6 =	vadd.f32 v53, v6  }
0xf8: {  	v59 =	vld [tilespmem:s2+$0x77F0];
	s0 =	sshll.u32 s30, $0x7;
	v1 =	vadd.f32 v46, v1;
	v7 =	vadd.f32 v54, v7;
	v5 =	vmul.f32 v5, v0  }
0xf9: {  	s0 =	sand.u32 $0x3FFFFF80, s0;
	v2 =	vadd.f32 v48, v2;
	v8 =	vadd.f32 v55, v8;
	v6 =	vmul.f32 v6, v0  }
0xfa: {  	v3 =	vadd.f32 v3, v4;
	v1 =	vadd.f32 v56, v1;
	v60 =	vmul.f32 v7, v0;
	[tilespmem:s0+$0x12A00] =	vst v5  }
0xfb: {  	s30 =	sadd.s32 $0x1, s30;
	v61 =	vadd.f32 v51, v9;
	v2 =	vadd.f32 v57, v2;
	v62 =	vmul.f32 v8, v0;
	[tilespmem:s0+$0x12A10] =	vst v6  }
0xfc: {  	p2 =	sne.s32 s30, $0x4;
	v3 =	vadd.f32 v58, v3;
	v1 =	vmul.f32 v1, v0;
	[tilespmem:s0+$0x12A20] =	vst v60  }
.Ltmp3:
0xfd: {  	v63 =	vadd.f32 v59, v61;
	v2 =	vmul.f32 v2, v0;
	[tilespmem:s0+$0x12A30] =	vst v62;
	(pc) =	sbr.rel @p2 .LBB2_7-.Ltmp3, $4  }
0xfe: {  	[tilespmem:s0+$0x12A40] =	vst v1;
	v1 =	vmul.f32 v3, v0  }
0xff: {  	[tilespmem:s0+$0x12A50] =	vst v2;
	v2 =	vmul.f32 v63, v0  }
0x100: {  	[tilespmem:s0+$0x12A60] =	vst v1  }
0x101: {  	s31 =	sadd.s32 $0x1000, s31;
	[tilespmem:s0+$0x12A70] =	vst v2  }
0x102: {  	s0 =	sadd.s32 @!p0 $0x280, s29  }
0x103: {  	s2 =	simm.s32 @!p0 $0x80;
	s9 =	simm.s32 @!p0 $0x6800;
	s30 =	sshll.u32 s28, $0x8  }
0x104: {  	[tilespmem:s9], [sflag:$0x2] =	stream.indirect.gather @!p0 [hbm4b:s1+s2], $0x80, s0, s2, $0xb8;
	[tilespmem:$0x13080] =	vst v63  }
0x105: {  	s12 =	sadd.s32 s30, s5;
	s0 =	simm.s32 @!p1 $0x6  }
0x106: {  	[hbm4b:s12+s3] =	stream.linear.scatter [tilespmem:s20], [sflag:$0x5], $0x400, $0x38;
	[tilespmem:$0x13080] =	vst v63  }
0x107: {  	_ =	swait.ge @!p1 [sflag:s0], $0x400  }
0x108: {  	[sflag:s0] =	ssyncset.done @!p1 $0x0  }
0x109: {  	[sflag:s0] =	ssyncadd.s32 @!p1 $0xFFFFFC00  }
0x10a: {  	_ =	swait.ge [sflag:s21], $0x4000  }
0x10b: {  	[sflag:s21] =	ssyncset.done $0x0  }
0x10c: {  	[sflag:s21] =	ssyncadd.s32 $0xFFFFC000  }
0x10d: {  	s31 =	simm.s32 $0x0;
	s2 =	simm.s32 $0xA940;
	v0 =	vld [tilespmem:$0x13000]  }
.LBB2_11:
0x10e: {  	v10 =	vld [tilespmem:s2+$0xC0]  }
0x10f: {  	v15 =	vld [tilespmem:s2+$0xD0]  }
0x110: {  	v17 =	vld [tilespmem:s2+$0xE0]  }
0x111: {  	v18 =	vld [tilespmem:s2+$0xF0]  }
0x112: {  	v1 =	vld [tilespmem:s2+$0x100]  }
0x113: {  	v2 =	vld [tilespmem:s2+$0x110]  }
0x114: {  	v9 =	vld [tilespmem:s2+$0x40]  }
0x115: {  	v12 =	vld [tilespmem:s2+$0x50]  }
0x116: {  	v19 =	vld [tilespmem:s2+$0x60]  }
0x117: {  	v20 =	vld [tilespmem:s2+$0x70]  }
0x118: {  	v3 =	vld [tilespmem:s2+$0x80]  }
0x119: {  	v4 =	vld [tilespmem:s2+$0x90]  }
0x11a: {  	v21 =	vld [tilespmem:s2+$0xFFFFFFC0]  }
0x11b: {  	v22 =	vld [tilespmem:s2+$0xFFFFFFD0]  }
0x11c: {  	v23 =	vld [tilespmem:s2+$0xFFFFFF40]  }
0x11d: {  	v24 =	vld [tilespmem:s2+$0xFFFFFF50]  }
0x11e: {  	v25 =	vld [tilespmem:s2+$0xFFFFFF60]  }
0x11f: {  	v26 =	vld [tilespmem:s2+$0xFFFFFF70]  }
0x120: {  	v27 =	vld [tilespmem:s2+$0xFFFFFFE0]  }
0x121: {  	v28 =	vld [tilespmem:s2+$0xFFFFFFF0]  }
0x122: {  	s0 =	sshll.u32 s31, $0xC;
	v29 =	vld [tilespmem:s2+$0x0]  }
0x123: {  	v63 =	vld [tilespmem:s2+$0xFFFFFFB0];
	s0 =	sand.u32 $0x3FFFF000, s0  }
0x124: {  	v5 =	vld [tilespmem:s0+$0xA800]  }
0x125: {  	v6 =	vld [tilespmem:s0+$0xA810]  }
0x126: {  	v7 =	vld [tilespmem:s0+$0xA820]  }
0x127: {  	v8 =	vld [tilespmem:s0+$0xA830]  }
0x128: {  	v16 =	vld [tilespmem:s0+$0xA870]  }
0x129: {  	v59 =	vld [tilespmem:s2+$0x10]  }
0x12a: {  	v60 =	vld [tilespmem:s2+$0xFFFFFF80]  }
0x12b: {  	v61 =	vld [tilespmem:s2+$0xFFFFFF90];
	v5 =	vadd.f32 v23, v5;
	v6 =	vadd.f32 v24, v6  }
0x12c: {  	v62 =	vld [tilespmem:s2+$0xFFFFFFA0];
	v7 =	vadd.f32 v25, v7;
	v8 =	vadd.f32 v26, v8  }
0x12d: {  	v11 =	vld [tilespmem:s0+$0xA840];
	v16 =	vadd.f32 v63, v16;
	v5 =	vadd.f32 v21, v5  }
0x12e: {  	v13 =	vld [tilespmem:s0+$0xA850];
	v7 =	vadd.f32 v27, v7;
	v8 =	vadd.f32 v28, v8  }
0x12f: {  	v14 =	vld [tilespmem:s0+$0xA860];
	v6 =	vadd.f32 v22, v6;
	v5 =	vadd.f32 v9, v5  }
0x130: {  	v9 =	vld [tilespmem:s2+$0x20];
	v7 =	vadd.f32 v19, v7;
	v8 =	vadd.f32 v20, v8  }
0x131: {  	v6 =	vadd.f32 v12, v6;
	v12 =	vld [tilespmem:s2+$0x30];
	v5 =	vadd.f32 v10, v5  }
0x132: {  	v10 =	vld [tilespmem:s2+$0xA0];
	v7 =	vadd.f32 v17, v7;
	v8 =	vadd.f32 v18, v8  }
0x133: {  	v17 =	vadd.f32 v60, v11;
	v18 =	vadd.f32 v61, v13;
	v13 =	vld [tilespmem:s2+$0xB0]  }
0x134: {  	v6 =	vadd.f32 v15, v6;
	v15 =	vadd.f32 v62, v14;
	v11 =	vld [tilespmem:s2+$0x120]  }
0x135: {  	s9 =	simm.s32 $0x1;
	s12 =	sadd.s32 $0x200, s2;
	v14 =	vld [tilespmem:s2+$0x130];
	v17 =	vadd.f32 v29, v17;
	v18 =	vadd.f32 v59, v18  }
.LBB2_12:
0x136: {  	v19 =	vld [tilespmem:s12+$0xC0];
	v9 =	vadd.f32 v9, v15;
	v12 =	vadd.f32 v12, v16  }
0x137: {  	v15 =	vld [tilespmem:s12+$0xD0];
	v3 =	vadd.f32 v3, v17;
	v4 =	vadd.f32 v4, v18  }
0x138: {  	v16 =	vld [tilespmem:s12+$0xE0];
	v9 =	vadd.f32 v10, v9;
	v10 =	vadd.f32 v13, v12  }
0x139: {  	v13 =	vld [tilespmem:s12+$0xF0];
	v17 =	vadd.f32 v1, v3;
	v18 =	vadd.f32 v2, v4  }
0x13a: {  	v1 =	vld [tilespmem:s12+$0x100];
	v11 =	vadd.f32 v11, v9;
	v14 =	vadd.f32 v14, v10  }
0x13b: {  	v2 =	vld [tilespmem:s12+$0x110]  }
0x13c: {  	v9 =	vld [tilespmem:s12+$0x40]  }
0x13d: {  	v10 =	vld [tilespmem:s12+$0x50]  }
0x13e: {  	v12 =	vld [tilespmem:s12+$0x60]  }
0x13f: {  	v20 =	vld [tilespmem:s12+$0x70]  }
0x140: {  	v3 =	vld [tilespmem:s12+$0x80]  }
0x141: {  	v4 =	vld [tilespmem:s12+$0x90]  }
0x142: {  	v21 =	vld [tilespmem:s12+$0xFFFFFFC0]  }
0x143: {  	v22 =	vld [tilespmem:s12+$0xFFFFFFD0]  }
0x144: {  	v23 =	vld [tilespmem:s12+$0xFFFFFF40]  }
0x145: {  	v24 =	vld [tilespmem:s12+$0xFFFFFF50]  }
0x146: {  	v25 =	vld [tilespmem:s12+$0xFFFFFF60]  }
0x147: {  	v26 =	vld [tilespmem:s12+$0xFFFFFF70]  }
0x148: {  	v27 =	vld [tilespmem:s12+$0xFFFFFFE0]  }
0x149: {  	v28 =	vld [tilespmem:s12+$0xFFFFFFF0]  }
0x14a: {  	v29 =	vld [tilespmem:s12+$0x0]  }
0x14b: {  	v5 =	vadd.f32 v23, v5;
	v6 =	vadd.f32 v24, v6;
	v23 =	vld [tilespmem:s12+$0x10]  }
0x14c: {  	v7 =	vadd.f32 v25, v7;
	v8 =	vadd.f32 v26, v8;
	v24 =	vld [tilespmem:s12+$0xFFFFFF80]  }
0x14d: {  	v5 =	vadd.f32 v21, v5;
	v6 =	vadd.f32 v22, v6;
	v25 =	vld [tilespmem:s12+$0xFFFFFF90]  }
0x14e: {  	v7 =	vadd.f32 v27, v7;
	v21 =	vld [tilespmem:s12+$0xFFFFFFA0];
	v8 =	vadd.f32 v28, v8  }
0x14f: {  	s9 =	sadd.s32 $0x4, s9;
	v5 =	vadd.f32 v9, v5;
	v6 =	vadd.f32 v10, v6;
	v22 =	vld [tilespmem:s12+$0xFFFFFFB0]  }
0x150: {  	p1 =	slt.u32 s9, $0x19;
	v7 =	vadd.f32 v12, v7;
	v9 =	vld [tilespmem:s12+$0x20];
	v8 =	vadd.f32 v20, v8  }
.Ltmp4:
0x151: {  	v5 =	vadd.f32 v19, v5;
	v6 =	vadd.f32 v15, v6;
	v12 =	vld [tilespmem:s12+$0x30];
	(pc) =	sbr.rel @p1 .LBB2_12-.Ltmp4, $4  }
0x152: {  	v7 =	vadd.f32 v16, v7;
	v10 =	vld [tilespmem:s12+$0xA0];
	v8 =	vadd.f32 v13, v8  }
0x153: {  	v17 =	vadd.f32 v24, v17;
	v18 =	vadd.f32 v25, v18;
	v13 =	vld [tilespmem:s12+$0xB0]  }
0x154: {  	v15 =	vadd.f32 v21, v11;
	v16 =	vadd.f32 v22, v14;
	v11 =	vld [tilespmem:s12+$0x120]  }
0x155: {  	v17 =	vadd.f32 v29, v17;
	v18 =	vadd.f32 v23, v18;
	v14 =	vld [tilespmem:s12+$0x130];
	s12 =	sadd.s32 $0x200, s12  }
0x156: {  	v19 =	vld [tilespmem:s0+$0xB680]  }
0x157: {  	v20 =	vld [tilespmem:s0+$0xB690]  }
0x158: {  	v21 =	vld [tilespmem:s0+$0xB6A0]  }
0x159: {  	v22 =	vld [tilespmem:s0+$0xB6B0]  }
0x15a: {  	v23 =	vld [tilespmem:s0+$0xB6C0]  }
0x15b: {  	v24 =	vld [tilespmem:s0+$0xB6D0]  }
0x15c: {  	v25 =	vld [tilespmem:s0+$0xB6E0]  }
0x15d: {  	v26 =	vld [tilespmem:s0+$0xB6F0]  }
0x15e: {  	v27 =	vld [tilespmem:s0+$0xB700]  }
0x15f: {  	v28 =	vld [tilespmem:s0+$0xB710]  }
0x160: {  	v29 =	vld [tilespmem:s0+$0xB720]  }
0x161: {  	v9 =	vadd.f32 v9, v15;
	v12 =	vadd.f32 v12, v16;
	v45 =	vld [tilespmem:s0+$0xB730]  }
0x162: {  	v46 =	vld [tilespmem:s0+$0xB740];
	v3 =	vadd.f32 v3, v17;
	v4 =	vadd.f32 v4, v18  }
0x163: {  	v48 =	vld [tilespmem:s0+$0xB750];
	v9 =	vadd.f32 v10, v9;
	v47 =	vadd.f32 v13, v12  }
0x164: {  	v51 =	vld [tilespmem:s0+$0xB770];
	v1 =	vadd.f32 v1, v3;
	v2 =	vadd.f32 v2, v4  }
0x165: {  	v52 =	vld [tilespmem:s0+$0xB780];
	v49 =	vadd.f32 v11, v9;
	v50 =	vadd.f32 v14, v47  }
0x166: {  	v53 =	vld [tilespmem:s0+$0xB790];
	v5 =	vadd.f32 v19, v5;
	v6 =	vadd.f32 v20, v6  }
0x167: {  	v54 =	vld [tilespmem:s0+$0xB7A0];
	v7 =	vadd.f32 v21, v7;
	v8 =	vadd.f32 v22, v8  }
0x168: {  	v55 =	vld [tilespmem:s0+$0xB7B0];
	v1 =	vadd.f32 v23, v1;
	v2 =	vadd.f32 v24, v2  }
0x169: {  	v56 =	vld [tilespmem:s0+$0xB7C0];
	v4 =	vadd.f32 v25, v49;
	v5 =	vadd.f32 v27, v5  }
0x16a: {  	v3 =	vld [tilespmem:s0+$0xB760];
	v9 =	vadd.f32 v26, v50;
	v6 =	vadd.f32 v28, v6  }
0x16b: {  	v57 =	vld [tilespmem:s0+$0xB7D0];
	v7 =	vadd.f32 v29, v7;
	v5 =	vadd.f32 v52, v5  }
0x16c: {  	v58 =	vld [tilespmem:s0+$0xB7E0];
	v8 =	vadd.f32 v45, v8;
	v6 =	vadd.f32 v53, v6  }
0x16d: {  	v59 =	vld [tilespmem:s0+$0xB7F0];
	s12 =	sshll.u32 s31, $0x7;
	v1 =	vadd.f32 v46, v1;
	v7 =	vadd.f32 v54, v7;
	v5 =	vmul.f32 v5, v0  }
0x16e: {  	s0 =	sand.u32 $0x3FFFFF80, s12;
	v2 =	vadd.f32 v48, v2;
	v8 =	vadd.f32 v55, v8;
	v6 =	vmul.f32 v6, v0  }
0x16f: {  	v3 =	vadd.f32 v3, v4;
	v1 =	vadd.f32 v56, v1;
	v60 =	vmul.f32 v7, v0;
	[tilespmem:s0+$0x12C00] =	vst v5  }
0x170: {  	s31 =	sadd.s32 $0x1, s31;
	v61 =	vadd.f32 v51, v9;
	v2 =	vadd.f32 v57, v2;
	v62 =	vmul.f32 v8, v0;
	[tilespmem:s0+$0x12C10] =	vst v6  }
0x171: {  	p1 =	sne.s32 s31, $0x4;
	v3 =	vadd.f32 v58, v3;
	v1 =	vmul.f32 v1, v0;
	[tilespmem:s0+$0x12C20] =	vst v60  }
.Ltmp5:
0x172: {  	v63 =	vadd.f32 v59, v61;
	v2 =	vmul.f32 v2, v0;
	[tilespmem:s0+$0x12C30] =	vst v62;
	(pc) =	sbr.rel @p1 .LBB2_11-.Ltmp5, $4  }
0x173: {  	[tilespmem:s0+$0x12C40] =	vst v1;
	v1 =	vmul.f32 v3, v0  }
0x174: {  	[tilespmem:s0+$0x12C50] =	vst v2;
	v2 =	vmul.f32 v63, v0  }
0x175: {  	[tilespmem:s0+$0x12C60] =	vst v1  }
0x176: {  	s2 =	sadd.s32 $0x1000, s2;
	[tilespmem:s0+$0x12C70] =	vst v2  }
0x177: {  	s0 =	sadd.s32 @!p0 $0x300, s29;
	s2 =	simm.s32 @!p0 $0x80;
	s9 =	simm.s32 @!p0 $0xA800  }
0x178: {  	[tilespmem:s9], [sflag:$0x3] =	stream.indirect.gather @!p0 [hbm4b:s1+s2], $0x80, s0, s2, $0xb8;
	[tilespmem:$0x13080] =	vst v63  }
0x179: {  	_ =	swait.ge [sflag:s22], $0x4000  }
0x17a: {  	[sflag:s22] =	ssyncset.done $0x0  }
0x17b: {  	[sflag:s22] =	ssyncadd.s32 $0xFFFFC000  }
0x17c: {  	s31 =	simm.s32 $0x0;
	s2 =	simm.s32 $0xE940;
	v0 =	vld [tilespmem:$0x13000]  }
.LBB2_15:
0x17d: {  	v10 =	vld [tilespmem:s2+$0xC0]  }
0x17e: {  	v15 =	vld [tilespmem:s2+$0xD0]  }
0x17f: {  	v17 =	vld [tilespmem:s2+$0xE0]  }
0x180: {  	v18 =	vld [tilespmem:s2+$0xF0]  }
0x181: {  	v1 =	vld [tilespmem:s2+$0x100]  }
0x182: {  	v2 =	vld [tilespmem:s2+$0x110]  }
0x183: {  	v9 =	vld [tilespmem:s2+$0x40]  }
0x184: {  	v12 =	vld [tilespmem:s2+$0x50]  }
0x185: {  	v19 =	vld [tilespmem:s2+$0x60]  }
0x186: {  	v20 =	vld [tilespmem:s2+$0x70]  }
0x187: {  	v3 =	vld [tilespmem:s2+$0x80]  }
0x188: {  	v4 =	vld [tilespmem:s2+$0x90]  }
0x189: {  	v21 =	vld [tilespmem:s2+$0xFFFFFFC0]  }
0x18a: {  	v22 =	vld [tilespmem:s2+$0xFFFFFFD0]  }
0x18b: {  	v23 =	vld [tilespmem:s2+$0xFFFFFF40]  }
0x18c: {  	v24 =	vld [tilespmem:s2+$0xFFFFFF50]  }
0x18d: {  	v25 =	vld [tilespmem:s2+$0xFFFFFF60]  }
0x18e: {  	v26 =	vld [tilespmem:s2+$0xFFFFFF70]  }
0x18f: {  	v27 =	vld [tilespmem:s2+$0xFFFFFFE0]  }
0x190: {  	v28 =	vld [tilespmem:s2+$0xFFFFFFF0]  }
0x191: {  	s0 =	sshll.u32 s31, $0xC;
	v29 =	vld [tilespmem:s2+$0x0]  }
0x192: {  	v63 =	vld [tilespmem:s2+$0xFFFFFFB0];
	s0 =	sand.u32 $0x3FFFF000, s0  }
0x193: {  	v5 =	vld [tilespmem:s0+$0xE800]  }
0x194: {  	v6 =	vld [tilespmem:s0+$0xE810]  }
0x195: {  	v7 =	vld [tilespmem:s0+$0xE820]  }
0x196: {  	v8 =	vld [tilespmem:s0+$0xE830]  }
0x197: {  	v16 =	vld [tilespmem:s0+$0xE870]  }
0x198: {  	v59 =	vld [tilespmem:s2+$0x10]  }
0x199: {  	v60 =	vld [tilespmem:s2+$0xFFFFFF80]  }
0x19a: {  	v61 =	vld [tilespmem:s2+$0xFFFFFF90];
	v5 =	vadd.f32 v23, v5;
	v6 =	vadd.f32 v24, v6  }
0x19b: {  	v62 =	vld [tilespmem:s2+$0xFFFFFFA0];
	v7 =	vadd.f32 v25, v7;
	v8 =	vadd.f32 v26, v8  }
0x19c: {  	v11 =	vld [tilespmem:s0+$0xE840];
	v16 =	vadd.f32 v63, v16;
	v5 =	vadd.f32 v21, v5  }
0x19d: {  	v13 =	vld [tilespmem:s0+$0xE850];
	v7 =	vadd.f32 v27, v7;
	v8 =	vadd.f32 v28, v8  }
0x19e: {  	v14 =	vld [tilespmem:s0+$0xE860];
	v6 =	vadd.f32 v22, v6;
	v5 =	vadd.f32 v9, v5  }
0x19f: {  	v9 =	vld [tilespmem:s2+$0x20];
	v7 =	vadd.f32 v19, v7;
	v8 =	vadd.f32 v20, v8  }
0x1a0: {  	v6 =	vadd.f32 v12, v6;
	v12 =	vld [tilespmem:s2+$0x30];
	v5 =	vadd.f32 v10, v5  }
0x1a1: {  	v10 =	vld [tilespmem:s2+$0xA0];
	v7 =	vadd.f32 v17, v7;
	v8 =	vadd.f32 v18, v8  }
0x1a2: {  	v17 =	vadd.f32 v60, v11;
	v18 =	vadd.f32 v61, v13;
	v13 =	vld [tilespmem:s2+$0xB0]  }
0x1a3: {  	v6 =	vadd.f32 v15, v6;
	v15 =	vadd.f32 v62, v14;
	v11 =	vld [tilespmem:s2+$0x120]  }
0x1a4: {  	s9 =	simm.s32 $0x1;
	s12 =	sadd.s32 $0x200, s2;
	v14 =	vld [tilespmem:s2+$0x130];
	v17 =	vadd.f32 v29, v17;
	v18 =	vadd.f32 v59, v18  }
.LBB2_16:
0x1a5: {  	v19 =	vld [tilespmem:s12+$0xC0];
	v9 =	vadd.f32 v9, v15;
	v12 =	vadd.f32 v12, v16  }
0x1a6: {  	v15 =	vld [tilespmem:s12+$0xD0];
	v3 =	vadd.f32 v3, v17;
	v4 =	vadd.f32 v4, v18  }
0x1a7: {  	v16 =	vld [tilespmem:s12+$0xE0];
	v9 =	vadd.f32 v10, v9;
	v10 =	vadd.f32 v13, v12  }
0x1a8: {  	v13 =	vld [tilespmem:s12+$0xF0];
	v17 =	vadd.f32 v1, v3;
	v18 =	vadd.f32 v2, v4  }
0x1a9: {  	v1 =	vld [tilespmem:s12+$0x100];
	v11 =	vadd.f32 v11, v9;
	v14 =	vadd.f32 v14, v10  }
0x1aa: {  	v2 =	vld [tilespmem:s12+$0x110]  }
0x1ab: {  	v9 =	vld [tilespmem:s12+$0x40]  }
0x1ac: {  	v10 =	vld [tilespmem:s12+$0x50]  }
0x1ad: {  	v12 =	vld [tilespmem:s12+$0x60]  }
0x1ae: {  	v20 =	vld [tilespmem:s12+$0x70]  }
0x1af: {  	v3 =	vld [tilespmem:s12+$0x80]  }
0x1b0: {  	v4 =	vld [tilespmem:s12+$0x90]  }
0x1b1: {  	v21 =	vld [tilespmem:s12+$0xFFFFFFC0]  }
0x1b2: {  	v22 =	vld [tilespmem:s12+$0xFFFFFFD0]  }
0x1b3: {  	v23 =	vld [tilespmem:s12+$0xFFFFFF40]  }
0x1b4: {  	v24 =	vld [tilespmem:s12+$0xFFFFFF50]  }
0x1b5: {  	v25 =	vld [tilespmem:s12+$0xFFFFFF60]  }
0x1b6: {  	v26 =	vld [tilespmem:s12+$0xFFFFFF70]  }
0x1b7: {  	v27 =	vld [tilespmem:s12+$0xFFFFFFE0]  }
0x1b8: {  	v28 =	vld [tilespmem:s12+$0xFFFFFFF0]  }
0x1b9: {  	v29 =	vld [tilespmem:s12+$0x0]  }
0x1ba: {  	v5 =	vadd.f32 v23, v5;
	v6 =	vadd.f32 v24, v6;
	v23 =	vld [tilespmem:s12+$0x10]  }
0x1bb: {  	v7 =	vadd.f32 v25, v7;
	v8 =	vadd.f32 v26, v8;
	v24 =	vld [tilespmem:s12+$0xFFFFFF80]  }
0x1bc: {  	v5 =	vadd.f32 v21, v5;
	v6 =	vadd.f32 v22, v6;
	v25 =	vld [tilespmem:s12+$0xFFFFFF90]  }
0x1bd: {  	v7 =	vadd.f32 v27, v7;
	v21 =	vld [tilespmem:s12+$0xFFFFFFA0];
	v8 =	vadd.f32 v28, v8  }
0x1be: {  	s9 =	sadd.s32 $0x4, s9;
	v5 =	vadd.f32 v9, v5;
	v6 =	vadd.f32 v10, v6;
	v22 =	vld [tilespmem:s12+$0xFFFFFFB0]  }
0x1bf: {  	p1 =	slt.u32 s9, $0x19;
	v7 =	vadd.f32 v12, v7;
	v9 =	vld [tilespmem:s12+$0x20];
	v8 =	vadd.f32 v20, v8  }
.Ltmp6:
0x1c0: {  	v5 =	vadd.f32 v19, v5;
	v6 =	vadd.f32 v15, v6;
	v12 =	vld [tilespmem:s12+$0x30];
	(pc) =	sbr.rel @p1 .LBB2_16-.Ltmp6, $4  }
0x1c1: {  	v7 =	vadd.f32 v16, v7;
	v10 =	vld [tilespmem:s12+$0xA0];
	v8 =	vadd.f32 v13, v8  }
0x1c2: {  	v17 =	vadd.f32 v24, v17;
	v18 =	vadd.f32 v25, v18;
	v13 =	vld [tilespmem:s12+$0xB0]  }
0x1c3: {  	v15 =	vadd.f32 v21, v11;
	v16 =	vadd.f32 v22, v14;
	v11 =	vld [tilespmem:s12+$0x120]  }
0x1c4: {  	v17 =	vadd.f32 v29, v17;
	v18 =	vadd.f32 v23, v18;
	v14 =	vld [tilespmem:s12+$0x130];
	s12 =	sadd.s32 $0x200, s12  }
0x1c5: {  	v19 =	vld [tilespmem:s0+$0xF680]  }
0x1c6: {  	v20 =	vld [tilespmem:s0+$0xF690]  }
0x1c7: {  	v21 =	vld [tilespmem:s0+$0xF6A0]  }
0x1c8: {  	v22 =	vld [tilespmem:s0+$0xF6B0]  }
0x1c9: {  	v23 =	vld [tilespmem:s0+$0xF6C0]  }
0x1ca: {  	v24 =	vld [tilespmem:s0+$0xF6D0]  }
0x1cb: {  	v25 =	vld [tilespmem:s0+$0xF6E0]  }
0x1cc: {  	v26 =	vld [tilespmem:s0+$0xF6F0]  }
0x1cd: {  	v27 =	vld [tilespmem:s0+$0xF700]  }
0x1ce: {  	v28 =	vld [tilespmem:s0+$0xF710]  }
0x1cf: {  	v29 =	vld [tilespmem:s0+$0xF720]  }
0x1d0: {  	v9 =	vadd.f32 v9, v15;
	v12 =	vadd.f32 v12, v16;
	v45 =	vld [tilespmem:s0+$0xF730]  }
0x1d1: {  	v46 =	vld [tilespmem:s0+$0xF740];
	v3 =	vadd.f32 v3, v17;
	v4 =	vadd.f32 v4, v18  }
0x1d2: {  	v48 =	vld [tilespmem:s0+$0xF750];
	v9 =	vadd.f32 v10, v9;
	v47 =	vadd.f32 v13, v12  }
0x1d3: {  	v51 =	vld [tilespmem:s0+$0xF770];
	v1 =	vadd.f32 v1, v3;
	v2 =	vadd.f32 v2, v4  }
0x1d4: {  	v52 =	vld [tilespmem:s0+$0xF780];
	v49 =	vadd.f32 v11, v9;
	v50 =	vadd.f32 v14, v47  }
0x1d5: {  	v53 =	vld [tilespmem:s0+$0xF790];
	v5 =	vadd.f32 v19, v5;
	v6 =	vadd.f32 v20, v6  }
0x1d6: {  	v54 =	vld [tilespmem:s0+$0xF7A0];
	v7 =	vadd.f32 v21, v7;
	v8 =	vadd.f32 v22, v8  }
0x1d7: {  	v55 =	vld [tilespmem:s0+$0xF7B0];
	v1 =	vadd.f32 v23, v1;
	v2 =	vadd.f32 v24, v2  }
0x1d8: {  	v56 =	vld [tilespmem:s0+$0xF7C0];
	v4 =	vadd.f32 v25, v49;
	v5 =	vadd.f32 v27, v5  }
0x1d9: {  	v3 =	vld [tilespmem:s0+$0xF760];
	v9 =	vadd.f32 v26, v50;
	v6 =	vadd.f32 v28, v6  }
0x1da: {  	v57 =	vld [tilespmem:s0+$0xF7D0];
	v7 =	vadd.f32 v29, v7;
	v5 =	vadd.f32 v52, v5  }
0x1db: {  	v58 =	vld [tilespmem:s0+$0xF7E0];
	v8 =	vadd.f32 v45, v8;
	v6 =	vadd.f32 v53, v6  }
0x1dc: {  	v59 =	vld [tilespmem:s0+$0xF7F0];
	s12 =	sshll.u32 s31, $0x7;
	v1 =	vadd.f32 v46, v1;
	v7 =	vadd.f32 v54, v7;
	v5 =	vmul.f32 v5, v0  }
0x1dd: {  	s0 =	sand.u32 $0x3FFFFF80, s12;
	v2 =	vadd.f32 v48, v2;
	v8 =	vadd.f32 v55, v8;
	v6 =	vmul.f32 v6, v0  }
0x1de: {  	v3 =	vadd.f32 v3, v4;
	v1 =	vadd.f32 v56, v1;
	v60 =	vmul.f32 v7, v0;
	[tilespmem:s0+$0x12E00] =	vst v5  }
0x1df: {  	s31 =	sadd.s32 $0x1, s31;
	v61 =	vadd.f32 v51, v9;
	v2 =	vadd.f32 v57, v2;
	v62 =	vmul.f32 v8, v0;
	[tilespmem:s0+$0x12E10] =	vst v6  }
0x1e0: {  	p1 =	sne.s32 s31, $0x4;
	v3 =	vadd.f32 v58, v3;
	v1 =	vmul.f32 v1, v0;
	[tilespmem:s0+$0x12E20] =	vst v60  }
.Ltmp7:
0x1e1: {  	v63 =	vadd.f32 v59, v61;
	v2 =	vmul.f32 v2, v0;
	[tilespmem:s0+$0x12E30] =	vst v62;
	(pc) =	sbr.rel @p1 .LBB2_15-.Ltmp7, $4  }
0x1e2: {  	[tilespmem:s0+$0x12E40] =	vst v1;
	v1 =	vmul.f32 v3, v0  }
0x1e3: {  	[tilespmem:s0+$0x12E50] =	vst v2;
	v2 =	vmul.f32 v63, v0  }
0x1e4: {  	[tilespmem:s0+$0x12E60] =	vst v1  }
0x1e5: {  	s2 =	sadd.s32 $0x1000, s2;
	[tilespmem:s0+$0x12E70] =	vst v2  }
0x1e6: {  	s0 =	sadd.s32 @!p0 $0x380, s29  }
0x1e7: {  	s2 =	simm.s32 @!p0 $0x80;
	s9 =	simm.s32 @!p0 $0xE800;
	s28 =	sadd.s32 $0x1, s28  }
0x1e8: {  	[tilespmem:s9], [sflag:$0x4] =	stream.indirect.gather @!p0 [hbm4b:s1+s2], $0x80, s0, s2, $0xb8;
	[tilespmem:$0x13080] =	vst v63  }
0x1e9: {  	p0 =	sne.s32 s28, $0x14  }
.Ltmp8:
0x1ea: {  	_ = 	snop;
	(pc) =	sbr.rel @p0 .LBB2_2-.Ltmp8, $3  }
0x1eb: {  	_ =	sdelay $0x1  }
0x1ec: {  	s31 =	sadd.s32 s8, s30  }
0x1ed: {  	[hbm4b:s31+s3] =	stream.linear.scatter [tilespmem:s23], [sflag:$0x6], $0x400, $0x38;
	[tilespmem:$0x13080] =	vst v63  }
0x1ee: {  	s26 =	sadd.s32 $0x1, s26  }
0x1ef: {  	_ =	swait.ge [sflag:s24], $0x400;
	p0 =	sne.s32 s26, s7  }
.Ltmp9:
0x1f0: {  	[sflag:s24] =	ssyncset.done $0x0;
	(pc) =	sbr.rel @p0 .LBB2_1-.Ltmp9, $4  }
0x1f1: {  	[sflag:s24] =	ssyncadd.s32 $0xFFFFFC00  }
0x1f2: {  	_ =	swait.ge [sflag:s25], $0x400  }
0x1f3: {  	[sflag:s25] =	ssyncset.done $0x0  }
0x1f4: {  	[sflag:s25] =	ssyncadd.s32 $0xFFFFFC00  }
0x1f5: {  	_ =	sfence.sel $0x180000  }
0x1f6: {  	[bflag:$0x0] =	sbarrier.arrive $0xFFFF  }
0x1f7: {  	_ =	strace $0x90000047  }
0x1f8: {  	s0 =	stileid.u32;
	[bflag:$0x2] =	sbarrier.arrive $0xFFFF  }
0x1f9: {  	p0 =	sne.s32 s0, $0x0;
	s0 =	rddreg [dreg:$0x3]  }
0x1fa: {  	s0 =	sadd.s32 @!p0 $0x100000, s0  }
0x1fb: {  	[sflag:s0] =	ssyncadd.tile.s32 @!p0 $0x1;
	_ =	shalt  }
.Lfunc_end2:
_tile_overlayer_lowered:
.L_overlay_start_2:
0x1fc: {  	(tag) =	ssettag $0x2  }
0x1fd: {  	s0 =	rddreg [dreg:$0x0];
	s2 =	stileid.u32  }
0x1fe: {  	s1 =	rddreg [dreg:$0x1];
	p0 =	sne.s32 s2, $0x0  }
0x1ff: {  	s3 =	rddreg [dreg:$0x2];
	[bflag:$0x3] =	sbarrier.arrive $0xFFFF;
	s2 =	simm.s32 @!p0 $0x1C07  }
0x200: {  	[timem:s3], [sflag:s2] =	dma.local @!p0 [hbm:s0], s1  }
0x201: {  	s0 =	simm.s32 @!p0 $0x7  }
0x202: {  	_ =	swait.ge @!p0 [sflag:s0], s1  }
0x203: {  	s1 =	ssub.s32 @!p0 $0x0, s1;
	[sflag:s0] =	ssyncset.done @!p0 $0x0  }
0x204: {  	[sflag:s0] =	ssyncadd.s32 @!p0 s1  }
0x205: {  	[bflag:$0x3] =	sbarrier.arrive $0xFFFF  }
0x206: {  	_ =	shalt  }

</sc_bundles>
